<compile_context>
chip_gen: v7x
topology: tpu7x:2x2x1
jax: 0.10.2.dev20260603
libtpu: 0.0.44.dev20260713+nightly
codegen_flags: <defaults>
</compile_context>

<pallas_src>
import functools

import jax
import jax.numpy as jnp
import numpy as np
from jax import lax
from jax.experimental import pallas as pl
from jax.experimental.pallas import tpu as pltpu
from jax.experimental.pallas import tpu_sc as plsc

K_TOP = 3
T_LEN = 2048
PMAX = 64
PMIN = 32
NBINS = T_LEN // 2
CMAX = T_LEN // PMIN
SEQ_PER_W = 16


def _dft_basis():
    t = np.arange(T_LEN, dtype=np.int64)
    k = np.arange(1, NBINS + 1, dtype=np.int64)
    phase = 2.0 * np.pi * ((np.outer(t, k) % T_LEN) / float(T_LEN))
    w = np.concatenate([np.cos(phase), np.sin(phase)], axis=1).astype(np.float32)
    w_hi = jnp.asarray(w).astype(jnp.bfloat16)
    w_lo = (jnp.asarray(w) - w_hi.astype(jnp.float32)).astype(jnp.bfloat16)
    return w_hi, w_lo


def _spec_body(x_ref, whi_ref, wlo_ref, kamp_ref, meta_ref):
    xb = x_ref[...]
    x_hi = xb.astype(jnp.bfloat16)
    x_lo = (xb - x_hi.astype(jnp.float32)).astype(jnp.bfloat16)
    dims = (((1,), (0,)), ((), ()))
    whi = whi_ref[...]
    prod = jax.lax.dot_general(
        x_hi, whi, dims, preferred_element_type=jnp.float32)
    prod += jax.lax.dot_general(
        x_hi, wlo_ref[...], dims, preferred_element_type=jnp.float32)
    prod += jax.lax.dot_general(
        x_lo, whi, dims, preferred_element_type=jnp.float32)
    re = prod[:, :NBINS]
    im = prod[:, NBINS:]
    amp2 = re * re + im * im
    rows = amp2.shape[0]
    lane = jax.lax.broadcasted_iota(jnp.int32, (rows, NBINS), 1)
    vals, idxs = [], []
    a = amp2
    for _ in range(K_TOP):
        m = jnp.max(a, axis=-1, keepdims=True)
        i = jnp.min(jnp.where(a == m, lane, NBINS * 2), axis=-1, keepdims=True)
        vals.append(m)
        idxs.append(i)
        a = jnp.where(lane == i, -1.0, a)
    lane128 = jax.lax.broadcasted_iota(jnp.int32, (rows, 128), 1)
    lane256 = jax.lax.broadcasted_iota(jnp.int32, (rows, 256), 1)
    kamp = jnp.zeros((rows, 128), jnp.float32)
    meta = jnp.zeros((rows, 256), jnp.int32)
    for k in range(K_TOP):
        kidx = idxs[k] + 1
        amp_k = jnp.sqrt(vals[k])
        pf = jnp.floor(float(T_LEN) / kidx.astype(jnp.float32))
        p = jnp.clip(pf.astype(jnp.int32), PMIN, PMAX)
        cyc = jnp.floor(float(T_LEN) / p.astype(jnp.float32)).astype(jnp.int32)
        base = T_LEN - cyc * p
        kamp = jnp.where(lane128 == k, amp_k, kamp)
        grp = lane256 - 48 * k
        meta = jnp.where((grp >= 0) & (grp < 16), p, meta)
        meta = jnp.where((grp >= 16) & (grp < 32), base, meta)
        meta = jnp.where((grp >= 32) & (grp < 48), cyc, meta)
    kamp_ref[...] = kamp
    meta_ref[...] = meta


def _spectrum_topk(seqs):
    bn = seqs.shape[0]
    return pl.pallas_call(
        _spec_body,
        grid=(1,),
        in_specs=[
            pl.BlockSpec((bn, T_LEN), lambda i: (0, 0)),
            pl.BlockSpec((T_LEN, 2 * NBINS), lambda i: (0, 0)),
            pl.BlockSpec((T_LEN, 2 * NBINS), lambda i: (0, 0)),
        ],
        out_specs=[
            pl.BlockSpec((bn, 128), lambda i: (0, 0)),
            pl.BlockSpec((bn, 256), lambda i: (0, 0)),
        ],
        out_shape=[
            jax.ShapeDtypeStruct((bn, 128), jnp.float32),
            jax.ShapeDtypeStruct((bn, 256), jnp.int32),
        ],
    )(seqs, *_dft_basis())


def _mask_body(meta_ref, mask_ref):
    rows = meta_ref.shape[0]
    c_i = jax.lax.broadcasted_iota(jnp.int32, (rows, CMAX, PMAX), 1)
    p_i = jax.lax.broadcasted_iota(jnp.int32, (rows, CMAX, PMAX), 2)
    for k in range(K_TOP):
        p = meta_ref[:, 48 * k:48 * k + 1]
        cyc = meta_ref[:, 48 * k + 32:48 * k + 33]
        m = (p_i < p[:, :, None]) & (c_i < cyc[:, :, None])
        mask_ref[:, k] = m.astype(jnp.float32)


def _mask_build(meta):
    bn = meta.shape[0]
    blk = 64
    return pl.pallas_call(
        _mask_body,
        grid=(bn // blk,),
        in_specs=[pl.BlockSpec((blk, 256), lambda i: (i, 0))],
        out_specs=pl.BlockSpec((blk, K_TOP, CMAX, PMAX), lambda i: (i, 0, 0, 0)),
        out_shape=jax.ShapeDtypeStruct((bn, K_TOP, CMAX, PMAX), jnp.float32),
    )(meta)


def _make_fold(bn):
    vlen = SEQ_PER_W * T_LEN
    vmax = vlen - 1
    mesh = plsc.VectorSubcoreMesh(core_axis_name="c", subcore_axis_name="s")

    @functools.partial(
        pl.kernel,
        mesh=mesh,
        compiler_params=pltpu.CompilerParams(needs_layout_passes=False),
        out_type=jax.ShapeDtypeStruct((bn, K_TOP, CMAX, PMAX), jnp.float32),
        scratch_types=[
            pltpu.VMEM((vlen,), jnp.float32),
            pltpu.VMEM((SEQ_PER_W * 256,), jnp.int32),
            pltpu.VMEM((CMAX, PMAX), jnp.float32),
            pltpu.VMEM((CMAX, PMAX), jnp.float32),
            pltpu.VMEM((CMAX, PMAX), jnp.float32),
            pltpu.SemaphoreType.DMA,
            pltpu.SemaphoreType.DMA,
            pltpu.SemaphoreType.DMA,
        ],
    )
    def fold(seqs_hbm, meta_hbm, gat_hbm, seqs_v, meta_v, g0, g1, g2,
             sem0, sem1, sem2):
        wid = lax.axis_index("s") * 2 + lax.axis_index("c")
        iota16 = lax.iota(jnp.int32, 16)
        pltpu.sync_copy(seqs_hbm.at[pl.ds(wid * vlen, vlen)], seqs_v)
        pltpu.sync_copy(
            meta_hbm.at[pl.ds(wid * SEQ_PER_W * 256, SEQ_PER_W * 256)], meta_v)
        gbufs = (g0, g1, g2)
        sems = (sem0, sem1, sem2)

        zero16 = jnp.zeros((16,), jnp.float32)

        def seq_body(t, carry):
            s = wid * SEQ_PER_W + t
            tbase = t * T_LEN
            for k in range(K_TOP):
                moff = t * 256 + 48 * k
                pv = meta_v[pl.ds(moff, 16)]
                basev = meta_v[pl.ds(moff + 16, 16)] + tbase
                cycv = meta_v[pl.ds(moff + 32, 16)]
                p_s = jnp.max(pv)
                cyc_s = jnp.max(cycv)
                gv = gbufs[k]

                @pl.when(t > 0)
                def _wait_prev(k=k, s=s):
                    pltpu.make_async_copy(
                        gbufs[k], gat_hbm.at[s - 1, k], sems[k]).wait()

                def tile(nf, pv=pv, basev=basev, cyc_s=cyc_s, gv=gv):
                    if nf < 4:
                        cb = nf * 16 + iota16
                        cbc = jnp.minimum(cb, pv - 1)
                        mfb = jnp.where(cb < pv, 1.0, 0.0).astype(jnp.float32)

                    @plsc.parallel_loop(0, cyc_s, unroll=2)
                    def c_body(c):
                        bc = basev + c * pv
                        for j in range(nf):
                            gv[c, pl.ds(j * 16, 16)] = plsc.load_gather(
                                seqs_v, [bc + (j * 16 + iota16)])
                        if nf < 4:
                            gv[c, pl.ds(nf * 16, 16)] = plsc.load_gather(
                                seqs_v, [bc + cbc]) * mfb
                            for j in range(nf + 1, 4):
                                gv[c, pl.ds(j * 16, 16)] = zero16

                    @plsc.parallel_loop(cyc_s, CMAX, unroll=2)
                    def z_body(c):
                        for j in range(4):
                            gv[c, pl.ds(j * 16, 16)] = zero16

                lax.cond(
                    p_s >= 64,
                    lambda: tile(4),
                    lambda: lax.cond(
                        p_s >= 48, lambda: tile(3), lambda: tile(2)))
                pltpu.async_copy(gv, gat_hbm.at[s, k], sems[k])
            return carry

        lax.fori_loop(0, SEQ_PER_W, seq_body, 0)
        last = wid * SEQ_PER_W + SEQ_PER_W - 1
        for k in range(K_TOP):
            pltpu.make_async_copy(gbufs[k], gat_hbm.at[last, k], sems[k]).wait()

    return fold


def kernel(x):
    b, t, n = x.shape
    bn = b * n
    seqs3 = jnp.transpose(x, (0, 2, 1))
    seqs = seqs3.reshape(bn, t)
    kamp128, meta = _spectrum_topk(seqs)
    flat_mask = _mask_build(meta).reshape(b, n, K_TOP, CMAX, PMAX)
    gat = _make_fold(bn)(seqs3.reshape(-1), meta.reshape(-1))
    gathered = gat.reshape(b, n, K_TOP, CMAX, PMAX)
    kamp = kamp128[:, :K_TOP].reshape(b, n, K_TOP)
    return gathered, flat_mask, kamp

# --- scband reference (transcript-rebuilt; emitter-appended) ---
"""Pipeline reference for scband-periodicity-transform-36309653521021 (READ-ONLY COPY).

The authoritative reference and input builder live on the scoring server;
editing this copy changes nothing except your own understanding.
"""

import jax, jax.numpy as jnp
import numpy as np

K_PERIODS = 3
PMAX = 64
MIN_THRESH = 32


def setup_inputs(seed: int = 0) -> dict:
    key = jax.random.key(seed)
    x = jax.random.normal(key, (16, 2048, 32), dtype=jnp.float32)
    return {"x": x}


def reference(x):
    B, T, N = x.shape
    seqs = jnp.transpose(x, (0, 2, 1)).reshape(B * N, T)
    # _topk_freq
    spec = jnp.fft.rfft(seqs, axis=-1)
    amp = jnp.abs(spec)
    amp = amp.at[..., 0].set(0.0)
    avail = amp.shape[-1] - 1 if amp.shape[-1] > 1 else 0
    k = min(K_PERIODS, avail) if avail > 0 else 0
    values, indices = jax.lax.top_k(amp, k)
    kidx = jnp.maximum(indices, 1)
    kamp = values
    # period folding
    P = T // jnp.maximum(kidx, 1)
    P = jnp.clip(P, MIN_THRESH, PMAX)
    cycles = jnp.maximum(T // P, 1)
    take = cycles * P
    Cmax = max(T // MIN_THRESH, 1)
    idx_c = jnp.arange(Cmax)
    idx_p = jnp.arange(PMAX)
    base = jnp.maximum(T - take, 0)[..., None, None]
    P_exp = P[..., None, None]
    idxs = base + idx_c.reshape(1, 1, -1, 1) * P_exp + idx_p.reshape(1, 1, 1, -1)
    idxs = jnp.clip(idxs, 0, T - 1)
    # gather: seqs[BN, T] broadcast against idxs[BN, K, Cmax, PMAX]
    gathered = jnp.take_along_axis(seqs[:, None, None, :], idxs, axis=-1)
    mask_c = idx_c.reshape(1, 1, -1, 1) < cycles[..., None, None]
    mask_p = idx_p.reshape(1, 1, 1, -1) < P[..., None, None]
    mask = (mask_c & mask_p).astype(gathered.dtype)
    gathered = gathered * mask
    gathered = gathered.reshape(B, N, k, Cmax, PMAX)
    flat_mask = mask.reshape(B, N, k, Cmax, PMAX)
    kamp = kamp.reshape(B, N, k)
    if k < K_PERIODS:
        pad = jnp.zeros((B, N, K_PERIODS - k, Cmax, PMAX), gathered.dtype)
        gathered = jnp.concatenate([gathered, pad], axis=2)
        flat_mask = jnp.concatenate([flat_mask, pad], axis=2)
        kamp = jnp.concatenate([kamp, jnp.zeros((B, N, K_PERIODS - k), kamp.dtype)], axis=2)
    return gathered, flat_mask, kamp

if __name__ == "__main__":
    import jax
    _d = setup_inputs()
    print(jax.jit(kernel)(*tuple(_d.values())))

</pallas_src>

<mosaic_0001>
#map = affine_map<(d0, d1) -> (0)>
#map1 = affine_map<(d0, d1) -> (0, 0, 0, 0)>
module attributes {stable_mosaic.version = 14 : i64} {
  func.func @fold(%arg0: i32, %arg1: i32, %arg2: memref<1048576xf32, #tpu.memory_space<hbm>>, %arg3: memref<131072xi32, #tpu.memory_space<hbm>>, %arg4: memref<512x3x64x64xf32, #tpu.memory_space<hbm>>, %arg5: memref<32768xf32, #tpu.memory_space<vmem>>, %arg6: memref<4096xi32, #tpu.memory_space<vmem>>, %arg7: memref<64x64xf32, #tpu.memory_space<vmem>>, %arg8: memref<64x64xf32, #tpu.memory_space<vmem>>, %arg9: memref<64x64xf32, #tpu.memory_space<vmem>>, %arg10: memref<!tpu.dma_semaphore, #tpu.memory_space<semaphore_mem>>, %arg11: memref<!tpu.dma_semaphore, #tpu.memory_space<semaphore_mem>>, %arg12: memref<!tpu.dma_semaphore, #tpu.memory_space<semaphore_mem>>) attributes {dimension_semantics = [#tpu.dimension_semantics<core_parallel>, #tpu.dimension_semantics<subcore_parallel>], iteration_bounds = array<i64: 2, 16>, scalar_prefetch = 0 : i64, scratch_operands = 8 : i64, tpu.core_type = #tpu.core_type<sc_vector_subcore>, window_params = [{transform_indices = #map}, {transform_indices = #map}, {transform_indices = #map1}]} {
    %mul3A = arith.constant 2 : i32
    %mul3A_0 = arith.muli %arg1, %mul3A : i32
    %add3A = arith.addi %mul3A_0, %arg0 : i32
    %iota3A = tpu.iota {dimensions = array<i32: 0>} : vector<16xi32>
    %mul3A_1 = arith.constant 32768 : i32
    %mul3A_2 = arith.muli %add3A, %mul3A_1 : i32
    "tpu.region"() ({
      %run_scoped3A = tpu.sem_alloc : memref<!tpu.dma_semaphore, #tpu.memory_space<semaphore_mem>>
      %dma_start3A = tpu.memref_slice %arg2[%mul3A_2] : memref<1048576xf32, #tpu.memory_space<hbm>> -> memref<32768xf32, #tpu.memory_space<hbm>>
      %dma_start3A_44 = tpu.memref_slice %arg2[%mul3A_2] : memref<1048576xf32, #tpu.memory_space<hbm>> -> memref<32768xf32, #tpu.memory_space<hbm>>
      tpu.enqueue_dma source(%dma_start3A_44 : memref<32768xf32, #tpu.memory_space<hbm>>) target(%arg5 : memref<32768xf32, #tpu.memory_space<vmem>>) target_semaphore(%run_scoped3A : memref<!tpu.dma_semaphore, #tpu.memory_space<semaphore_mem>>)
      %dma_wait3A_45 = tpu.memref_slice %arg2[%mul3A_2] : memref<1048576xf32, #tpu.memory_space<hbm>> -> memref<32768xf32, #tpu.memory_space<hbm>>
      %dma_wait3A_46 = tpu.memref_slice %arg2[%mul3A_2] : memref<1048576xf32, #tpu.memory_space<hbm>> -> memref<32768xf32, #tpu.memory_space<hbm>>
      tpu.wait_dma2 semaphore(%run_scoped3A : memref<!tpu.dma_semaphore, #tpu.memory_space<semaphore_mem>>) src(%dma_wait3A_46 : memref<32768xf32, #tpu.memory_space<hbm>>) dst(%arg5 : memref<32768xf32, #tpu.memory_space<vmem>>)
      tpu.yield
    }) : () -> ()
    %mul3A_3 = arith.constant 16 : i32
    %mul3A_4 = arith.muli %add3A, %mul3A_3 : i32
    %mul3A_5 = arith.constant 256 : i32
    %mul3A_6 = arith.muli %mul3A_4, %mul3A_5 : i32
    "tpu.region"() ({
      %run_scoped3A = tpu.sem_alloc : memref<!tpu.dma_semaphore, #tpu.memory_space<semaphore_mem>>
      %dma_start3A = tpu.memref_slice %arg3[%mul3A_6] : memref<131072xi32, #tpu.memory_space<hbm>> -> memref<4096xi32, #tpu.memory_space<hbm>>
      %dma_start3A_44 = tpu.memref_slice %arg3[%mul3A_6] : memref<131072xi32, #tpu.memory_space<hbm>> -> memref<4096xi32, #tpu.memory_space<hbm>>
      tpu.enqueue_dma source(%dma_start3A_44 : memref<4096xi32, #tpu.memory_space<hbm>>) target(%arg6 : memref<4096xi32, #tpu.memory_space<vmem>>) target_semaphore(%run_scoped3A : memref<!tpu.dma_semaphore, #tpu.memory_space<semaphore_mem>>)
      %dma_wait3A_45 = tpu.memref_slice %arg3[%mul3A_6] : memref<131072xi32, #tpu.memory_space<hbm>> -> memref<4096xi32, #tpu.memory_space<hbm>>
      %dma_wait3A_46 = tpu.memref_slice %arg3[%mul3A_6] : memref<131072xi32, #tpu.memory_space<hbm>> -> memref<4096xi32, #tpu.memory_space<hbm>>
      tpu.wait_dma2 semaphore(%run_scoped3A : memref<!tpu.dma_semaphore, #tpu.memory_space<semaphore_mem>>) src(%dma_wait3A_46 : memref<4096xi32, #tpu.memory_space<hbm>>) dst(%arg6 : memref<4096xi32, #tpu.memory_space<vmem>>)
      tpu.yield
    }) : () -> ()
    %broadcast_in_dim3A = arith.constant 0.000000e+00 : f32
    %broadcast_in_dim3A_7 = vector.broadcast %broadcast_in_dim3A : f32 to vector<16xf32>
    %scan3A = arith.constant 0 : i32
    %scan3A_8 = arith.constant 0 : i32
    %scan3A_9 = arith.constant 16 : i32
    %scan3A_10 = arith.addi %scan3A_8, %scan3A_9 : i32
    %scan3A_11 = arith.constant 1 : i32
    scf.for %scan3A_44 = %scan3A_8 to %scan3A_10 step %scan3A_11  : i32 {
      %mul3A_45 = arith.constant 16 : i32
      %mul3A_46 = arith.muli %add3A, %mul3A_45 : i32
      %add3A_47 = arith.addi %mul3A_46, %scan3A_44 : i32
      %mul3A_48 = arith.constant 2048 : i32
      %mul3A_49 = arith.muli %scan3A_44, %mul3A_48 : i32
      %mul3A_50 = arith.constant 256 : i32
      %mul3A_51 = arith.muli %scan3A_44, %mul3A_50 : i32
      %add3A_52 = arith.constant 0 : i32
      %add3A_53 = arith.addi %mul3A_51, %add3A_52 : i32
      %get3A = arith.index_cast %add3A_53 : i32 to index
      %get3A_54 = tpu.vector_load %arg6[%get3A] {strides = array<i32>} : memref<4096xi32, #tpu.memory_space<vmem>>, vector<16xi32>,
      %add3A_55 = arith.constant 16 : i32
      %add3A_56 = arith.addi %add3A_53, %add3A_55 : i32
      %get3A_57 = arith.index_cast %add3A_56 : i32 to index
      %get3A_58 = tpu.vector_load %arg6[%get3A_57] {strides = array<i32>} : memref<4096xi32, #tpu.memory_space<vmem>>, vector<16xi32>,
      %add3A_59 = vector.broadcast %mul3A_49 : i32 to vector<16xi32>
      %add3A_60 = arith.addi %get3A_58, %add3A_59 : vector<16xi32>
      %add3A_61 = arith.constant 32 : i32
      %add3A_62 = arith.addi %add3A_53, %add3A_61 : i32
      %get3A_63 = arith.index_cast %add3A_62 : i32 to index
      %get3A_64 = tpu.vector_load %arg6[%get3A_63] {strides = array<i32>} : memref<4096xi32, #tpu.memory_space<vmem>>, vector<16xi32>,
      %reduce_max3A = arith.constant true
      %reduce_max3A_65 = vector.broadcast %reduce_max3A : i1 to vector<16xi1>
      %reduce_max3A_66 = arith.constant -2147483648 : i32
      %reduce_max3A_67 = vector.broadcast %reduce_max3A_66 : i32 to vector<16xi32>
      %reduce_max3A_68 = arith.xori %get3A_54, %reduce_max3A_67 : vector<16xi32>
      %reduce_max3A_69 = tpu.scan <max>, %reduce_max3A_68 masked %reduce_max3A_65 : vector<16xi32>, vector<16xi1> -> vector<16xi32>
      %reduce_max3A_70 = arith.xori %reduce_max3A_69, %reduce_max3A_67 : vector<16xi32>
      %reduce_max3A_71 = vector.extract %reduce_max3A_70[15] : i32 from vector<16xi32>
      %reduce_max3A_72 = arith.constant true
      %reduce_max3A_73 = vector.broadcast %reduce_max3A_72 : i1 to vector<16xi1>
      %reduce_max3A_74 = arith.constant -2147483648 : i32
      %reduce_max3A_75 = vector.broadcast %reduce_max3A_74 : i32 to vector<16xi32>
      %reduce_max3A_76 = arith.xori %get3A_64, %reduce_max3A_75 : vector<16xi32>
      %reduce_max3A_77 = tpu.scan <max>, %reduce_max3A_76 masked %reduce_max3A_73 : vector<16xi32>, vector<16xi1> -> vector<16xi32>
      %reduce_max3A_78 = arith.xori %reduce_max3A_77, %reduce_max3A_75 : vector<16xi32>
      %reduce_max3A_79 = vector.extract %reduce_max3A_78[15] : i32 from vector<16xi32>
      %gt3A = arith.constant 0 : i32
      %gt3A_80 = arith.cmpi sgt, %scan3A_44, %gt3A : i32
      %convert_element_type3A = arith.extui %gt3A_80 : i1 to i32
      %cond3A = arith.constant 0 : i32
      %cond3A_81 = arith.cmpi ne, %convert_element_type3A, %cond3A : i32
      scf.if %cond3A_81 {
        %sub3A_196 = arith.constant 1 : i32
        %sub3A_197 = arith.subi %add3A_47, %sub3A_196 : i32
        %dma_wait3A_198 = arith.constant 0 : i32
        %dma_wait3A_199 = arith.constant 0 : i32
        %dma_wait3A_200 = arith.constant 0 : i32
        %dma_wait3A_201 = tpu.memref_slice %arg4[%sub3A_197, %dma_wait3A_198, %dma_wait3A_199, %dma_wait3A_200] : memref<512x3x64x64xf32, #tpu.memory_space<hbm>> -> memref<1x1x64x64xf32, #tpu.memory_space<hbm>>
        %dma_wait3A_202 = tpu.memref_squeeze %dma_wait3A_201 : memref<1x1x64x64xf32, #tpu.memory_space<hbm>> -> memref<64x64xf32, #tpu.memory_space<hbm>>
        %dma_wait3A_203 = arith.constant 0 : i32
        %dma_wait3A_204 = arith.constant 0 : i32
        %dma_wait3A_205 = tpu.memref_slice %arg4[%sub3A_197, %dma_wait3A_198, %dma_wait3A_203, %dma_wait3A_204] : memref<512x3x64x64xf32, #tpu.memory_space<hbm>> -> memref<1x1x64x64xf32, #tpu.memory_space<hbm>>
        %dma_wait3A_206 = tpu.memref_squeeze %dma_wait3A_205 : memref<1x1x64x64xf32, #tpu.memory_space<hbm>> -> memref<64x64xf32, #tpu.memory_space<hbm>>
        tpu.wait_dma2 semaphore(%arg10 : memref<!tpu.dma_semaphore, #tpu.memory_space<semaphore_mem>>) src(%arg7 : memref<64x64xf32, #tpu.memory_space<vmem>>) dst(%dma_wait3A_206 : memref<64x64xf32, #tpu.memory_space<hbm>>)
      } else {
      }
      %ge3A = arith.constant 64 : i32
      %ge3A_82 = arith.cmpi sge, %reduce_max3A_71, %ge3A : i32
      %convert_element_type3A_83 = arith.extui %ge3A_82 : i1 to i32
      %cond3A_84 = arith.constant 0 : i32
      %cond3A_85 = arith.cmpi ne, %convert_element_type3A_83, %cond3A_84 : i32
      scf.if %cond3A_85 {
        %parallel_loop3A = arith.constant 0 : i32
        %parallel_loop3A_196 = arith.constant 1 : i32
        scf.for %parallel_loop3A_199 = %parallel_loop3A to %reduce_max3A_79 step %parallel_loop3A_196  : i32 {
          %parallel_loop3A_200 = vector.broadcast %parallel_loop3A_199 : i32 to vector<16xi32>
          %parallel_loop3A_201 = arith.muli %parallel_loop3A_200, %get3A_54 : vector<16xi32>
          %parallel_loop3A_202 = arith.addi %add3A_60, %parallel_loop3A_201 : vector<16xi32>
          %parallel_loop3A_203 = arith.constant 0 : i32
          %parallel_loop3A_204 = vector.broadcast %parallel_loop3A_203 : i32 to vector<16xi32>
          %parallel_loop3A_205 = arith.addi %parallel_loop3A_204, %iota3A : vector<16xi32>
          %parallel_loop3A_206 = arith.addi %parallel_loop3A_202, %parallel_loop3A_205 : vector<16xi32>
          %parallel_loop3A_207 = tpu.vector_load_idx %arg5[%parallel_loop3A_206] : memref<32768xf32, #tpu.memory_space<vmem>>[vector<16xi32>], vector<16xf32>,
          %parallel_loop3A_208 = arith.index_cast %parallel_loop3A_199 : i32 to index
          %parallel_loop3A_209 = arith.constant 0 : index
          %parallel_loop3A_210 = tpu.vector_load %arg7[%parallel_loop3A_208, %parallel_loop3A_209] {strides = array<i32>} : memref<64x64xf32, #tpu.memory_space<vmem>>, vector<16xf32>,
          tpu.vector_store %arg7[%parallel_loop3A_208, %parallel_loop3A_209], %parallel_loop3A_207 {strides = array<i32>} : memref<64x64xf32, #tpu.memory_space<vmem>>, vector<16xf32>,
          %parallel_loop3A_211 = arith.constant 16 : i32
          %parallel_loop3A_212 = vector.broadcast %parallel_loop3A_211 : i32 to vector<16xi32>
          %parallel_loop3A_213 = arith.addi %parallel_loop3A_212, %iota3A : vector<16xi32>
          %parallel_loop3A_214 = arith.addi %parallel_loop3A_202, %parallel_loop3A_213 : vector<16xi32>
          %parallel_loop3A_215 = tpu.vector_load_idx %arg5[%parallel_loop3A_214] : memref<32768xf32, #tpu.memory_space<vmem>>[vector<16xi32>], vector<16xf32>,
          %parallel_loop3A_216 = arith.index_cast %parallel_loop3A_199 : i32 to index
          %parallel_loop3A_217 = arith.constant 16 : index
          %parallel_loop3A_218 = tpu.vector_load %arg7[%parallel_loop3A_216, %parallel_loop3A_217] {strides = array<i32>} : memref<64x64xf32, #tpu.memory_space<vmem>>, vector<16xf32>,
          tpu.vector_store %arg7[%parallel_loop3A_216, %parallel_loop3A_217], %parallel_loop3A_215 {strides = array<i32>} : memref<64x64xf32, #tpu.memory_space<vmem>>, vector<16xf32>,
          %parallel_loop3A_219 = arith.constant 32 : i32
          %parallel_loop3A_220 = vector.broadcast %parallel_loop3A_219 : i32 to vector<16xi32>
          %parallel_loop3A_221 = arith.addi %parallel_loop3A_220, %iota3A : vector<16xi32>
          %parallel_loop3A_222 = arith.addi %parallel_loop3A_202, %parallel_loop3A_221 : vector<16xi32>
          %parallel_loop3A_223 = tpu.vector_load_idx %arg5[%parallel_loop3A_222] : memref<32768xf32, #tpu.memory_space<vmem>>[vector<16xi32>], vector<16xf32>,
          %parallel_loop3A_224 = arith.index_cast %parallel_loop3A_199 : i32 to index
          %parallel_loop3A_225 = arith.constant 32 : index
          %parallel_loop3A_226 = tpu.vector_load %arg7[%parallel_loop3A_224, %parallel_loop3A_225] {strides = array<i32>} : memref<64x64xf32, #tpu.memory_space<vmem>>, vector<16xf32>,
          tpu.vector_store %arg7[%parallel_loop3A_224, %parallel_loop3A_225], %parallel_loop3A_223 {strides = array<i32>} : memref<64x64xf32, #tpu.memory_space<vmem>>, vector<16xf32>,
          %parallel_loop3A_227 = arith.constant 48 : i32
          %parallel_loop3A_228 = vector.broadcast %parallel_loop3A_227 : i32 to vector<16xi32>
          %parallel_loop3A_229 = arith.addi %parallel_loop3A_228, %iota3A : vector<16xi32>
          %parallel_loop3A_230 = arith.addi %parallel_loop3A_202, %parallel_loop3A_229 : vector<16xi32>
          %parallel_loop3A_231 = tpu.vector_load_idx %arg5[%parallel_loop3A_230] : memref<32768xf32, #tpu.memory_space<vmem>>[vector<16xi32>], vector<16xf32>,
          %parallel_loop3A_232 = arith.index_cast %parallel_loop3A_199 : i32 to index
          %parallel_loop3A_233 = arith.constant 48 : index
          %parallel_loop3A_234 = tpu.vector_load %arg7[%parallel_loop3A_232, %parallel_loop3A_233] {strides = array<i32>} : memref<64x64xf32, #tpu.memory_space<vmem>>, vector<16xf32>,
          tpu.vector_store %arg7[%parallel_loop3A_232, %parallel_loop3A_233], %parallel_loop3A_231 {strides = array<i32>} : memref<64x64xf32, #tpu.memory_space<vmem>>, vector<16xf32>,
        } {sc.loop_unroll_factor = 2 : i64, sc.parallel_access}
        %parallel_loop3A_197 = arith.constant 64 : i32
        %parallel_loop3A_198 = arith.constant 1 : i32
        scf.for %parallel_loop3A_199 = %reduce_max3A_79 to %parallel_loop3A_197 step %parallel_loop3A_198  : i32 {
          %parallel_loop3A_200 = arith.index_cast %parallel_loop3A_199 : i32 to index
          %parallel_loop3A_201 = arith.constant 0 : index
          %parallel_loop3A_202 = tpu.vector_load %arg7[%parallel_loop3A_200, %parallel_loop3A_201] {strides = array<i32>} : memref<64x64xf32, #tpu.memory_space<vmem>>, vector<16xf32>,
          tpu.vector_store %arg7[%parallel_loop3A_200, %parallel_loop3A_201], %broadcast_in_dim3A_7 {strides = array<i32>} : memref<64x64xf32, #tpu.memory_space<vmem>>, vector<16xf32>,
          %parallel_loop3A_203 = arith.index_cast %parallel_loop3A_199 : i32 to index
          %parallel_loop3A_204 = arith.constant 16 : index
          %parallel_loop3A_205 = tpu.vector_load %arg7[%parallel_loop3A_203, %parallel_loop3A_204] {strides = array<i32>} : memref<64x64xf32, #tpu.memory_space<vmem>>, vector<16xf32>,
          tpu.vector_store %arg7[%parallel_loop3A_203, %parallel_loop3A_204], %broadcast_in_dim3A_7 {strides = array<i32>} : memref<64x64xf32, #tpu.memory_space<vmem>>, vector<16xf32>,
          %parallel_loop3A_206 = arith.index_cast %parallel_loop3A_199 : i32 to index
          %parallel_loop3A_207 = arith.constant 32 : index
          %parallel_loop3A_208 = tpu.vector_load %arg7[%parallel_loop3A_206, %parallel_loop3A_207] {strides = array<i32>} : memref<64x64xf32, #tpu.memory_space<vmem>>, vector<16xf32>,
          tpu.vector_store %arg7[%parallel_loop3A_206, %parallel_loop3A_207], %broadcast_in_dim3A_7 {strides = array<i32>} : memref<64x64xf32, #tpu.memory_space<vmem>>, vector<16xf32>,
          %parallel_loop3A_209 = arith.index_cast %parallel_loop3A_199 : i32 to index
          %parallel_loop3A_210 = arith.constant 48 : index
          %parallel_loop3A_211 = tpu.vector_load %arg7[%parallel_loop3A_209, %parallel_loop3A_210] {strides = array<i32>} : memref<64x64xf32, #tpu.memory_space<vmem>>, vector<16xf32>,
          tpu.vector_store %arg7[%parallel_loop3A_209, %parallel_loop3A_210], %broadcast_in_dim3A_7 {strides = array<i32>} : memref<64x64xf32, #tpu.memory_space<vmem>>, vector<16xf32>,
        } {sc.loop_unroll_factor = 2 : i64, sc.parallel_access}
      } else {
        %ge3A_196 = arith.constant 48 : i32
        %ge3A_197 = arith.cmpi sge, %reduce_max3A_71, %ge3A_196 : i32
        %convert_element_type3A_198 = arith.extui %ge3A_197 : i1 to i32
        %cond3A_199 = arith.constant 0 : i32
        %cond3A_200 = arith.cmpi ne, %convert_element_type3A_198, %cond3A_199 : i32
        scf.if %cond3A_200 {
          %add3A_201 = arith.constant 48 : i32
          %add3A_202 = vector.broadcast %add3A_201 : i32 to vector<16xi32>
          %add3A_203 = arith.addi %add3A_202, %iota3A : vector<16xi32>
          %sub3A_204 = arith.constant 1 : i32
          %sub3A_205 = vector.broadcast %sub3A_204 : i32 to vector<16xi32>
          %sub3A_206 = arith.subi %get3A_54, %sub3A_205 : vector<16xi32>
          %min3A = arith.minsi %add3A_203, %sub3A_206 : vector<16xi32>
          %lt3A = arith.cmpi slt, %add3A_203, %get3A_54 : vector<16xi32>
          %jit3A = arith.constant 1.000000e+00 : f32
          %jit3A_207 = arith.constant 0.000000e+00 : f32
          %broadcast_in_dim3A_208 = vector.broadcast %jit3A : f32 to vector<16xf32>
          %broadcast_in_dim3A_209 = vector.broadcast %jit3A_207 : f32 to vector<16xf32>
          %select_n3A = arith.select %lt3A, %broadcast_in_dim3A_208, %broadcast_in_dim3A_209 : vector<16xi1>, vector<16xf32>
          %parallel_loop3A = arith.constant 0 : i32
          %parallel_loop3A_210 = arith.constant 1 : i32
          scf.for %parallel_loop3A_213 = %parallel_loop3A to %reduce_max3A_79 step %parallel_loop3A_210  : i32 {
            %parallel_loop3A_214 = vector.broadcast %parallel_loop3A_213 : i32 to vector<16xi32>
            %parallel_loop3A_215 = arith.muli %parallel_loop3A_214, %get3A_54 : vector<16xi32>
            %parallel_loop3A_216 = arith.addi %add3A_60, %parallel_loop3A_215 : vector<16xi32>
            %parallel_loop3A_217 = arith.constant 0 : i32
            %parallel_loop3A_218 = vector.broadcast %parallel_loop3A_217 : i32 to vector<16xi32>
            %parallel_loop3A_219 = arith.addi %parallel_loop3A_218, %iota3A : vector<16xi32>
            %parallel_loop3A_220 = arith.addi %parallel_loop3A_216, %parallel_loop3A_219 : vector<16xi32>
            %parallel_loop3A_221 = tpu.vector_load_idx %arg5[%parallel_loop3A_220] : memref<32768xf32, #tpu.memory_space<vmem>>[vector<16xi32>], vector<16xf32>,
            %parallel_loop3A_222 = arith.index_cast %parallel_loop3A_213 : i32 to index
            %parallel_loop3A_223 = arith.constant 0 : index
            %parallel_loop3A_224 = tpu.vector_load %arg7[%parallel_loop3A_222, %parallel_loop3A_223] {strides = array<i32>} : memref<64x64xf32, #tpu.memory_space<vmem>>, vector<16xf32>,
            tpu.vector_store %arg7[%parallel_loop3A_222, %parallel_loop3A_223], %parallel_loop3A_221 {strides = array<i32>} : memref<64x64xf32, #tpu.memory_space<vmem>>, vector<16xf32>,
            %parallel_loop3A_225 = arith.constant 16 : i32
            %parallel_loop3A_226 = vector.broadcast %parallel_loop3A_225 : i32 to vector<16xi32>
            %parallel_loop3A_227 = arith.addi %parallel_loop3A_226, %iota3A : vector<16xi32>
            %parallel_loop3A_228 = arith.addi %parallel_loop3A_216, %parallel_loop3A_227 : vector<16xi32>
            %parallel_loop3A_229 = tpu.vector_load_idx %arg5[%parallel_loop3A_228] : memref<32768xf32, #tpu.memory_space<vmem>>[vector<16xi32>], vector<16xf32>,
            %parallel_loop3A_230 = arith.index_cast %parallel_loop3A_213 : i32 to index
            %parallel_loop3A_231 = arith.constant 16 : index
            %parallel_loop3A_232 = tpu.vector_load %arg7[%parallel_loop3A_230, %parallel_loop3A_231] {strides = array<i32>} : memref<64x64xf32, #tpu.memory_space<vmem>>, vector<16xf32>,
            tpu.vector_store %arg7[%parallel_loop3A_230, %parallel_loop3A_231], %parallel_loop3A_229 {strides = array<i32>} : memref<64x64xf32, #tpu.memory_space<vmem>>, vector<16xf32>,
            %parallel_loop3A_233 = arith.constant 32 : i32
            %parallel_loop3A_234 = vector.broadcast %parallel_loop3A_233 : i32 to vector<16xi32>
            %parallel_loop3A_235 = arith.addi %parallel_loop3A_234, %iota3A : vector<16xi32>
            %parallel_loop3A_236 = arith.addi %parallel_loop3A_216, %parallel_loop3A_235 : vector<16xi32>
            %parallel_loop3A_237 = tpu.vector_load_idx %arg5[%parallel_loop3A_236] : memref<32768xf32, #tpu.memory_space<vmem>>[vector<16xi32>], vector<16xf32>,
            %parallel_loop3A_238 = arith.index_cast %parallel_loop3A_213 : i32 to index
            %parallel_loop3A_239 = arith.constant 32 : index
            %parallel_loop3A_240 = tpu.vector_load %arg7[%parallel_loop3A_238, %parallel_loop3A_239] {strides = array<i32>} : memref<64x64xf32, #tpu.memory_space<vmem>>, vector<16xf32>,
            tpu.vector_store %arg7[%parallel_loop3A_238, %parallel_loop3A_239], %parallel_loop3A_237 {strides = array<i32>} : memref<64x64xf32, #tpu.memory_space<vmem>>, vector<16xf32>,
            %parallel_loop3A_241 = arith.addi %parallel_loop3A_216, %min3A : vector<16xi32>
            %parallel_loop3A_242 = tpu.vector_load_idx %arg5[%parallel_loop3A_241] : memref<32768xf32, #tpu.memory_space<vmem>>[vector<16xi32>], vector<16xf32>,
            %parallel_loop3A_243 = arith.mulf %parallel_loop3A_242, %select_n3A : vector<16xf32>
            %parallel_loop3A_244 = arith.index_cast %parallel_loop3A_213 : i32 to index
            %parallel_loop3A_245 = arith.constant 48 : index
            %parallel_loop3A_246 = tpu.vector_load %arg7[%parallel_loop3A_244, %parallel_loop3A_245] {strides = array<i32>} : memref<64x64xf32, #tpu.memory_space<vmem>>, vector<16xf32>,
            tpu.vector_store %arg7[%parallel_loop3A_244, %parallel_loop3A_245], %parallel_loop3A_243 {strides = array<i32>} : memref<64x64xf32, #tpu.memory_space<vmem>>, vector<16xf32>,
          } {sc.loop_unroll_factor = 2 : i64, sc.parallel_access}
          %parallel_loop3A_211 = arith.constant 64 : i32
          %parallel_loop3A_212 = arith.constant 1 : i32
          scf.for %parallel_loop3A_213 = %reduce_max3A_79 to %parallel_loop3A_211 step %parallel_loop3A_212  : i32 {
            %parallel_loop3A_214 = arith.index_cast %parallel_loop3A_213 : i32 to index
            %parallel_loop3A_215 = arith.constant 0 : index
            %parallel_loop3A_216 = tpu.vector_load %arg7[%parallel_loop3A_214, %parallel_loop3A_215] {strides = array<i32>} : memref<64x64xf32, #tpu.memory_space<vmem>>, vector<16xf32>,
            tpu.vector_store %arg7[%parallel_loop3A_214, %parallel_loop3A_215], %broadcast_in_dim3A_7 {strides = array<i32>} : memref<64x64xf32, #tpu.memory_space<vmem>>, vector<16xf32>,
            %parallel_loop3A_217 = arith.index_cast %parallel_loop3A_213 : i32 to index
            %parallel_loop3A_218 = arith.constant 16 : index
            %parallel_loop3A_219 = tpu.vector_load %arg7[%parallel_loop3A_217, %parallel_loop3A_218] {strides = array<i32>} : memref<64x64xf32, #tpu.memory_space<vmem>>, vector<16xf32>,
            tpu.vector_store %arg7[%parallel_loop3A_217, %parallel_loop3A_218], %broadcast_in_dim3A_7 {strides = array<i32>} : memref<64x64xf32, #tpu.memory_space<vmem>>, vector<16xf32>,
            %parallel_loop3A_220 = arith.index_cast %parallel_loop3A_213 : i32 to index
            %parallel_loop3A_221 = arith.constant 32 : index
            %parallel_loop3A_222 = tpu.vector_load %arg7[%parallel_loop3A_220, %parallel_loop3A_221] {strides = array<i32>} : memref<64x64xf32, #tpu.memory_space<vmem>>, vector<16xf32>,
            tpu.vector_store %arg7[%parallel_loop3A_220, %parallel_loop3A_221], %broadcast_in_dim3A_7 {strides = array<i32>} : memref<64x64xf32, #tpu.memory_space<vmem>>, vector<16xf32>,
            %parallel_loop3A_223 = arith.index_cast %parallel_loop3A_213 : i32 to index
            %parallel_loop3A_224 = arith.constant 48 : index
            %parallel_loop3A_225 = tpu.vector_load %arg7[%parallel_loop3A_223, %parallel_loop3A_224] {strides = array<i32>} : memref<64x64xf32, #tpu.memory_space<vmem>>, vector<16xf32>,
            tpu.vector_store %arg7[%parallel_loop3A_223, %parallel_loop3A_224], %broadcast_in_dim3A_7 {strides = array<i32>} : memref<64x64xf32, #tpu.memory_space<vmem>>, vector<16xf32>,
          } {sc.loop_unroll_factor = 2 : i64, sc.parallel_access}
        } else {
          %add3A_201 = arith.constant 32 : i32
          %add3A_202 = vector.broadcast %add3A_201 : i32 to vector<16xi32>
          %add3A_203 = arith.addi %add3A_202, %iota3A : vector<16xi32>
          %sub3A_204 = arith.constant 1 : i32
          %sub3A_205 = vector.broadcast %sub3A_204 : i32 to vector<16xi32>
          %sub3A_206 = arith.subi %get3A_54, %sub3A_205 : vector<16xi32>
          %min3A = arith.minsi %add3A_203, %sub3A_206 : vector<16xi32>
          %lt3A = arith.cmpi slt, %add3A_203, %get3A_54 : vector<16xi32>
          %jit3A = arith.constant 1.000000e+00 : f32
          %jit3A_207 = arith.constant 0.000000e+00 : f32
          %broadcast_in_dim3A_208 = vector.broadcast %jit3A : f32 to vector<16xf32>
          %broadcast_in_dim3A_209 = vector.broadcast %jit3A_207 : f32 to vector<16xf32>
          %select_n3A = arith.select %lt3A, %broadcast_in_dim3A_208, %broadcast_in_dim3A_209 : vector<16xi1>, vector<16xf32>
          %parallel_loop3A = arith.constant 0 : i32
          %parallel_loop3A_210 = arith.constant 1 : i32
          scf.for %parallel_loop3A_213 = %parallel_loop3A to %reduce_max3A_79 step %parallel_loop3A_210  : i32 {
            %parallel_loop3A_214 = vector.broadcast %parallel_loop3A_213 : i32 to vector<16xi32>
            %parallel_loop3A_215 = arith.muli %parallel_loop3A_214, %get3A_54 : vector<16xi32>
            %parallel_loop3A_216 = arith.addi %add3A_60, %parallel_loop3A_215 : vector<16xi32>
            %parallel_loop3A_217 = arith.constant 0 : i32
            %parallel_loop3A_218 = vector.broadcast %parallel_loop3A_217 : i32 to vector<16xi32>
            %parallel_loop3A_219 = arith.addi %parallel_loop3A_218, %iota3A : vector<16xi32>
            %parallel_loop3A_220 = arith.addi %parallel_loop3A_216, %parallel_loop3A_219 : vector<16xi32>
            %parallel_loop3A_221 = tpu.vector_load_idx %arg5[%parallel_loop3A_220] : memref<32768xf32, #tpu.memory_space<vmem>>[vector<16xi32>], vector<16xf32>,
            %parallel_loop3A_222 = arith.index_cast %parallel_loop3A_213 : i32 to index
            %parallel_loop3A_223 = arith.constant 0 : index
            %parallel_loop3A_224 = tpu.vector_load %arg7[%parallel_loop3A_222, %parallel_loop3A_223] {strides = array<i32>} : memref<64x64xf32, #tpu.memory_space<vmem>>, vector<16xf32>,
            tpu.vector_store %arg7[%parallel_loop3A_222, %parallel_loop3A_223], %parallel_loop3A_221 {strides = array<i32>} : memref<64x64xf32, #tpu.memory_space<vmem>>, vector<16xf32>,
            %parallel_loop3A_225 = arith.constant 16 : i32
            %parallel_loop3A_226 = vector.broadcast %parallel_loop3A_225 : i32 to vector<16xi32>
            %parallel_loop3A_227 = arith.addi %parallel_loop3A_226, %iota3A : vector<16xi32>
            %parallel_loop3A_228 = arith.addi %parallel_loop3A_216, %parallel_loop3A_227 : vector<16xi32>
            %parallel_loop3A_229 = tpu.vector_load_idx %arg5[%parallel_loop3A_228] : memref<32768xf32, #tpu.memory_space<vmem>>[vector<16xi32>], vector<16xf32>,
            %parallel_loop3A_230 = arith.index_cast %parallel_loop3A_213 : i32 to index
            %parallel_loop3A_231 = arith.constant 16 : index
            %parallel_loop3A_232 = tpu.vector_load %arg7[%parallel_loop3A_230, %parallel_loop3A_231] {strides = array<i32>} : memref<64x64xf32, #tpu.memory_space<vmem>>, vector<16xf32>,
            tpu.vector_store %arg7[%parallel_loop3A_230, %parallel_loop3A_231], %parallel_loop3A_229 {strides = array<i32>} : memref<64x64xf32, #tpu.memory_space<vmem>>, vector<16xf32>,
            %parallel_loop3A_233 = arith.addi %parallel_loop3A_216, %min3A : vector<16xi32>
            %parallel_loop3A_234 = tpu.vector_load_idx %arg5[%parallel_loop3A_233] : memref<32768xf32, #tpu.memory_space<vmem>>[vector<16xi32>], vector<16xf32>,
            %parallel_loop3A_235 = arith.mulf %parallel_loop3A_234, %select_n3A : vector<16xf32>
            %parallel_loop3A_236 = arith.index_cast %parallel_loop3A_213 : i32 to index
            %parallel_loop3A_237 = arith.constant 32 : index
            %parallel_loop3A_238 = tpu.vector_load %arg7[%parallel_loop3A_236, %parallel_loop3A_237] {strides = array<i32>} : memref<64x64xf32, #tpu.memory_space<vmem>>, vector<16xf32>,
            tpu.vector_store %arg7[%parallel_loop3A_236, %parallel_loop3A_237], %parallel_loop3A_235 {strides = array<i32>} : memref<64x64xf32, #tpu.memory_space<vmem>>, vector<16xf32>,
            %parallel_loop3A_239 = arith.index_cast %parallel_loop3A_213 : i32 to index
            %parallel_loop3A_240 = arith.constant 48 : index
            %parallel_loop3A_241 = tpu.vector_load %arg7[%parallel_loop3A_239, %parallel_loop3A_240] {strides = array<i32>} : memref<64x64xf32, #tpu.memory_space<vmem>>, vector<16xf32>,
            tpu.vector_store %arg7[%parallel_loop3A_239, %parallel_loop3A_240], %broadcast_in_dim3A_7 {strides = array<i32>} : memref<64x64xf32, #tpu.memory_space<vmem>>, vector<16xf32>,
          } {sc.loop_unroll_factor = 2 : i64, sc.parallel_access}
          %parallel_loop3A_211 = arith.constant 64 : i32
          %parallel_loop3A_212 = arith.constant 1 : i32
          scf.for %parallel_loop3A_213 = %reduce_max3A_79 to %parallel_loop3A_211 step %parallel_loop3A_212  : i32 {
            %parallel_loop3A_214 = arith.index_cast %parallel_loop3A_213 : i32 to index
            %parallel_loop3A_215 = arith.constant 0 : index
            %parallel_loop3A_216 = tpu.vector_load %arg7[%parallel_loop3A_214, %parallel_loop3A_215] {strides = array<i32>} : memref<64x64xf32, #tpu.memory_space<vmem>>, vector<16xf32>,
            tpu.vector_store %arg7[%parallel_loop3A_214, %parallel_loop3A_215], %broadcast_in_dim3A_7 {strides = array<i32>} : memref<64x64xf32, #tpu.memory_space<vmem>>, vector<16xf32>,
            %parallel_loop3A_217 = arith.index_cast %parallel_loop3A_213 : i32 to index
            %parallel_loop3A_218 = arith.constant 16 : index
            %parallel_loop3A_219 = tpu.vector_load %arg7[%parallel_loop3A_217, %parallel_loop3A_218] {strides = array<i32>} : memref<64x64xf32, #tpu.memory_space<vmem>>, vector<16xf32>,
            tpu.vector_store %arg7[%parallel_loop3A_217, %parallel_loop3A_218], %broadcast_in_dim3A_7 {strides = array<i32>} : memref<64x64xf32, #tpu.memory_space<vmem>>, vector<16xf32>,
            %parallel_loop3A_220 = arith.index_cast %parallel_loop3A_213 : i32 to index
            %parallel_loop3A_221 = arith.constant 32 : index
            %parallel_loop3A_222 = tpu.vector_load %arg7[%parallel_loop3A_220, %parallel_loop3A_221] {strides = array<i32>} : memref<64x64xf32, #tpu.memory_space<vmem>>, vector<16xf32>,
            tpu.vector_store %arg7[%parallel_loop3A_220, %parallel_loop3A_221], %broadcast_in_dim3A_7 {strides = array<i32>} : memref<64x64xf32, #tpu.memory_space<vmem>>, vector<16xf32>,
            %parallel_loop3A_223 = arith.index_cast %parallel_loop3A_213 : i32 to index
            %parallel_loop3A_224 = arith.constant 48 : index
            %parallel_loop3A_225 = tpu.vector_load %arg7[%parallel_loop3A_223, %parallel_loop3A_224] {strides = array<i32>} : memref<64x64xf32, #tpu.memory_space<vmem>>, vector<16xf32>,
            tpu.vector_store %arg7[%parallel_loop3A_223, %parallel_loop3A_224], %broadcast_in_dim3A_7 {strides = array<i32>} : memref<64x64xf32, #tpu.memory_space<vmem>>, vector<16xf32>,
          } {sc.loop_unroll_factor = 2 : i64, sc.parallel_access}
        }
      }
      %dma_start3A = arith.constant 0 : i32
      %dma_start3A_86 = arith.constant 0 : i32
      %dma_start3A_87 = arith.constant 0 : i32
      %dma_start3A_88 = tpu.memref_slice %arg4[%add3A_47, %dma_start3A, %dma_start3A_86, %dma_start3A_87] : memref<512x3x64x64xf32, #tpu.memory_space<hbm>> -> memref<1x1x64x64xf32, #tpu.memory_space<hbm>>
      %dma_start3A_89 = tpu.memref_squeeze %dma_start3A_88 : memref<1x1x64x64xf32, #tpu.memory_space<hbm>> -> memref<64x64xf32, #tpu.memory_space<hbm>>
      %dma_start3A_90 = arith.constant 0 : i32
      %dma_start3A_91 = arith.constant 0 : i32
      %dma_start3A_92 = tpu.memref_slice %arg4[%add3A_47, %dma_start3A, %dma_start3A_90, %dma_start3A_91] : memref<512x3x64x64xf32, #tpu.memory_space<hbm>> -> memref<1x1x64x64xf32, #tpu.memory_space<hbm>>
      %dma_start3A_93 = tpu.memref_squeeze %dma_start3A_92 : memref<1x1x64x64xf32, #tpu.memory_space<hbm>> -> memref<64x64xf32, #tpu.memory_space<hbm>>
      tpu.enqueue_dma source(%arg7 : memref<64x64xf32, #tpu.memory_space<vmem>>) target(%dma_start3A_93 : memref<64x64xf32, #tpu.memory_space<hbm>>) target_semaphore(%arg10 : memref<!tpu.dma_semaphore, #tpu.memory_space<semaphore_mem>>)
      %mul3A_94 = arith.constant 256 : i32
      %mul3A_95 = arith.muli %scan3A_44, %mul3A_94 : i32
      %add3A_96 = arith.constant 48 : i32
      %add3A_97 = arith.addi %mul3A_95, %add3A_96 : i32
      %get3A_98 = arith.index_cast %add3A_97 : i32 to index
      %get3A_99 = tpu.vector_load %arg6[%get3A_98] {strides = array<i32>} : memref<4096xi32, #tpu.memory_space<vmem>>, vector<16xi32>,
      %add3A_100 = arith.constant 16 : i32
      %add3A_101 = arith.addi %add3A_97, %add3A_100 : i32
      %get3A_102 = arith.index_cast %add3A_101 : i32 to index
      %get3A_103 = tpu.vector_load %arg6[%get3A_102] {strides = array<i32>} : memref<4096xi32, #tpu.memory_space<vmem>>, vector<16xi32>,
      %add3A_104 = vector.broadcast %mul3A_49 : i32 to vector<16xi32>
      %add3A_105 = arith.addi %get3A_103, %add3A_104 : vector<16xi32>
      %add3A_106 = arith.constant 32 : i32
      %add3A_107 = arith.addi %add3A_97, %add3A_106 : i32
      %get3A_108 = arith.index_cast %add3A_107 : i32 to index
      %get3A_109 = tpu.vector_load %arg6[%get3A_108] {strides = array<i32>} : memref<4096xi32, #tpu.memory_space<vmem>>, vector<16xi32>,
      %reduce_max3A_110 = arith.constant true
      %reduce_max3A_111 = vector.broadcast %reduce_max3A_110 : i1 to vector<16xi1>
      %reduce_max3A_112 = arith.constant -2147483648 : i32
      %reduce_max3A_113 = vector.broadcast %reduce_max3A_112 : i32 to vector<16xi32>
      %reduce_max3A_114 = arith.xori %get3A_99, %reduce_max3A_113 : vector<16xi32>
      %reduce_max3A_115 = tpu.scan <max>, %reduce_max3A_114 masked %reduce_max3A_111 : vector<16xi32>, vector<16xi1> -> vector<16xi32>
      %reduce_max3A_116 = arith.xori %reduce_max3A_115, %reduce_max3A_113 : vector<16xi32>
      %reduce_max3A_117 = vector.extract %reduce_max3A_116[15] : i32 from vector<16xi32>
      %reduce_max3A_118 = arith.constant true
      %reduce_max3A_119 = vector.broadcast %reduce_max3A_118 : i1 to vector<16xi1>
      %reduce_max3A_120 = arith.constant -2147483648 : i32
      %reduce_max3A_121 = vector.broadcast %reduce_max3A_120 : i32 to vector<16xi32>
      %reduce_max3A_122 = arith.xori %get3A_109, %reduce_max3A_121 : vector<16xi32>
      %reduce_max3A_123 = tpu.scan <max>, %reduce_max3A_122 masked %reduce_max3A_119 : vector<16xi32>, vector<16xi1> -> vector<16xi32>
      %reduce_max3A_124 = arith.xori %reduce_max3A_123, %reduce_max3A_121 : vector<16xi32>
      %reduce_max3A_125 = vector.extract %reduce_max3A_124[15] : i32 from vector<16xi32>
      %gt3A_126 = arith.constant 0 : i32
      %gt3A_127 = arith.cmpi sgt, %scan3A_44, %gt3A_126 : i32
      %convert_element_type3A_128 = arith.extui %gt3A_127 : i1 to i32
      %cond3A_129 = arith.constant 0 : i32
      %cond3A_130 = arith.cmpi ne, %convert_element_type3A_128, %cond3A_129 : i32
      scf.if %cond3A_130 {
        %sub3A_196 = arith.constant 1 : i32
        %sub3A_197 = arith.subi %add3A_47, %sub3A_196 : i32
        %dma_wait3A_198 = arith.constant 1 : i32
        %dma_wait3A_199 = arith.constant 0 : i32
        %dma_wait3A_200 = arith.constant 0 : i32
        %dma_wait3A_201 = tpu.memref_slice %arg4[%sub3A_197, %dma_wait3A_198, %dma_wait3A_199, %dma_wait3A_200] : memref<512x3x64x64xf32, #tpu.memory_space<hbm>> -> memref<1x1x64x64xf32, #tpu.memory_space<hbm>>
        %dma_wait3A_202 = tpu.memref_squeeze %dma_wait3A_201 : memref<1x1x64x64xf32, #tpu.memory_space<hbm>> -> memref<64x64xf32, #tpu.memory_space<hbm>>
        %dma_wait3A_203 = arith.constant 0 : i32
        %dma_wait3A_204 = arith.constant 0 : i32
        %dma_wait3A_205 = tpu.memref_slice %arg4[%sub3A_197, %dma_wait3A_198, %dma_wait3A_203, %dma_wait3A_204] : memref<512x3x64x64xf32, #tpu.memory_space<hbm>> -> memref<1x1x64x64xf32, #tpu.memory_space<hbm>>
        %dma_wait3A_206 = tpu.memref_squeeze %dma_wait3A_205 : memref<1x1x64x64xf32, #tpu.memory_space<hbm>> -> memref<64x64xf32, #tpu.memory_space<hbm>>
        tpu.wait_dma2 semaphore(%arg11 : memref<!tpu.dma_semaphore, #tpu.memory_space<semaphore_mem>>) src(%arg8 : memref<64x64xf32, #tpu.memory_space<vmem>>) dst(%dma_wait3A_206 : memref<64x64xf32, #tpu.memory_space<hbm>>)
      } else {
      }
      %ge3A_131 = arith.constant 64 : i32
      %ge3A_132 = arith.cmpi sge, %reduce_max3A_117, %ge3A_131 : i32
      %convert_element_type3A_133 = arith.extui %ge3A_132 : i1 to i32
      %cond3A_134 = arith.constant 0 : i32
      %cond3A_135 = arith.cmpi ne, %convert_element_type3A_133, %cond3A_134 : i32
      scf.if %cond3A_135 {
        %parallel_loop3A = arith.constant 0 : i32
        %parallel_loop3A_196 = arith.constant 1 : i32
        scf.for %parallel_loop3A_199 = %parallel_loop3A to %reduce_max3A_125 step %parallel_loop3A_196  : i32 {
          %parallel_loop3A_200 = vector.broadcast %parallel_loop3A_199 : i32 to vector<16xi32>
          %parallel_loop3A_201 = arith.muli %parallel_loop3A_200, %get3A_99 : vector<16xi32>
          %parallel_loop3A_202 = arith.addi %add3A_105, %parallel_loop3A_201 : vector<16xi32>
          %parallel_loop3A_203 = arith.constant 0 : i32
          %parallel_loop3A_204 = vector.broadcast %parallel_loop3A_203 : i32 to vector<16xi32>
          %parallel_loop3A_205 = arith.addi %parallel_loop3A_204, %iota3A : vector<16xi32>
          %parallel_loop3A_206 = arith.addi %parallel_loop3A_202, %parallel_loop3A_205 : vector<16xi32>
          %parallel_loop3A_207 = tpu.vector_load_idx %arg5[%parallel_loop3A_206] : memref<32768xf32, #tpu.memory_space<vmem>>[vector<16xi32>], vector<16xf32>,
          %parallel_loop3A_208 = arith.index_cast %parallel_loop3A_199 : i32 to index
          %parallel_loop3A_209 = arith.constant 0 : index
          %parallel_loop3A_210 = tpu.vector_load %arg8[%parallel_loop3A_208, %parallel_loop3A_209] {strides = array<i32>} : memref<64x64xf32, #tpu.memory_space<vmem>>, vector<16xf32>,
          tpu.vector_store %arg8[%parallel_loop3A_208, %parallel_loop3A_209], %parallel_loop3A_207 {strides = array<i32>} : memref<64x64xf32, #tpu.memory_space<vmem>>, vector<16xf32>,
          %parallel_loop3A_211 = arith.constant 16 : i32
          %parallel_loop3A_212 = vector.broadcast %parallel_loop3A_211 : i32 to vector<16xi32>
          %parallel_loop3A_213 = arith.addi %parallel_loop3A_212, %iota3A : vector<16xi32>
          %parallel_loop3A_214 = arith.addi %parallel_loop3A_202, %parallel_loop3A_213 : vector<16xi32>
          %parallel_loop3A_215 = tpu.vector_load_idx %arg5[%parallel_loop3A_214] : memref<32768xf32, #tpu.memory_space<vmem>>[vector<16xi32>], vector<16xf32>,
          %parallel_loop3A_216 = arith.index_cast %parallel_loop3A_199 : i32 to index
          %parallel_loop3A_217 = arith.constant 16 : index
          %parallel_loop3A_218 = tpu.vector_load %arg8[%parallel_loop3A_216, %parallel_loop3A_217] {strides = array<i32>} : memref<64x64xf32, #tpu.memory_space<vmem>>, vector<16xf32>,
          tpu.vector_store %arg8[%parallel_loop3A_216, %parallel_loop3A_217], %parallel_loop3A_215 {strides = array<i32>} : memref<64x64xf32, #tpu.memory_space<vmem>>, vector<16xf32>,
          %parallel_loop3A_219 = arith.constant 32 : i32
          %parallel_loop3A_220 = vector.broadcast %parallel_loop3A_219 : i32 to vector<16xi32>
          %parallel_loop3A_221 = arith.addi %parallel_loop3A_220, %iota3A : vector<16xi32>
          %parallel_loop3A_222 = arith.addi %parallel_loop3A_202, %parallel_loop3A_221 : vector<16xi32>
          %parallel_loop3A_223 = tpu.vector_load_idx %arg5[%parallel_loop3A_222] : memref<32768xf32, #tpu.memory_space<vmem>>[vector<16xi32>], vector<16xf32>,
          %parallel_loop3A_224 = arith.index_cast %parallel_loop3A_199 : i32 to index
          %parallel_loop3A_225 = arith.constant 32 : index
          %parallel_loop3A_226 = tpu.vector_load %arg8[%parallel_loop3A_224, %parallel_loop3A_225] {strides = array<i32>} : memref<64x64xf32, #tpu.memory_space<vmem>>, vector<16xf32>,
          tpu.vector_store %arg8[%parallel_loop3A_224, %parallel_loop3A_225], %parallel_loop3A_223 {strides = array<i32>} : memref<64x64xf32, #tpu.memory_space<vmem>>, vector<16xf32>,
          %parallel_loop3A_227 = arith.constant 48 : i32
          %parallel_loop3A_228 = vector.broadcast %parallel_loop3A_227 : i32 to vector<16xi32>
          %parallel_loop3A_229 = arith.addi %parallel_loop3A_228, %iota3A : vector<16xi32>
          %parallel_loop3A_230 = arith.addi %parallel_loop3A_202, %parallel_loop3A_229 : vector<16xi32>
          %parallel_loop3A_231 = tpu.vector_load_idx %arg5[%parallel_loop3A_230] : memref<32768xf32, #tpu.memory_space<vmem>>[vector<16xi32>], vector<16xf32>,
          %parallel_loop3A_232 = arith.index_cast %parallel_loop3A_199 : i32 to index
          %parallel_loop3A_233 = arith.constant 48 : index
          %parallel_loop3A_234 = tpu.vector_load %arg8[%parallel_loop3A_232, %parallel_loop3A_233] {strides = array<i32>} : memref<64x64xf32, #tpu.memory_space<vmem>>, vector<16xf32>,
          tpu.vector_store %arg8[%parallel_loop3A_232, %parallel_loop3A_233], %parallel_loop3A_231 {strides = array<i32>} : memref<64x64xf32, #tpu.memory_space<vmem>>, vector<16xf32>,
        } {sc.loop_unroll_factor = 2 : i64, sc.parallel_access}
        %parallel_loop3A_197 = arith.constant 64 : i32
        %parallel_loop3A_198 = arith.constant 1 : i32
        scf.for %parallel_loop3A_199 = %reduce_max3A_125 to %parallel_loop3A_197 step %parallel_loop3A_198  : i32 {
          %parallel_loop3A_200 = arith.index_cast %parallel_loop3A_199 : i32 to index
          %parallel_loop3A_201 = arith.constant 0 : index
          %parallel_loop3A_202 = tpu.vector_load %arg8[%parallel_loop3A_200, %parallel_loop3A_201] {strides = array<i32>} : memref<64x64xf32, #tpu.memory_space<vmem>>, vector<16xf32>,
          tpu.vector_store %arg8[%parallel_loop3A_200, %parallel_loop3A_201], %broadcast_in_dim3A_7 {strides = array<i32>} : memref<64x64xf32, #tpu.memory_space<vmem>>, vector<16xf32>,
          %parallel_loop3A_203 = arith.index_cast %parallel_loop3A_199 : i32 to index
          %parallel_loop3A_204 = arith.constant 16 : index
          %parallel_loop3A_205 = tpu.vector_load %arg8[%parallel_loop3A_203, %parallel_loop3A_204] {strides = array<i32>} : memref<64x64xf32, #tpu.memory_space<vmem>>, vector<16xf32>,
          tpu.vector_store %arg8[%parallel_loop3A_203, %parallel_loop3A_204], %broadcast_in_dim3A_7 {strides = array<i32>} : memref<64x64xf32, #tpu.memory_space<vmem>>, vector<16xf32>,
          %parallel_loop3A_206 = arith.index_cast %parallel_loop3A_199 : i32 to index
          %parallel_loop3A_207 = arith.constant 32 : index
          %parallel_loop3A_208 = tpu.vector_load %arg8[%parallel_loop3A_206, %parallel_loop3A_207] {strides = array<i32>} : memref<64x64xf32, #tpu.memory_space<vmem>>, vector<16xf32>,
          tpu.vector_store %arg8[%parallel_loop3A_206, %parallel_loop3A_207], %broadcast_in_dim3A_7 {strides = array<i32>} : memref<64x64xf32, #tpu.memory_space<vmem>>, vector<16xf32>,
          %parallel_loop3A_209 = arith.index_cast %parallel_loop3A_199 : i32 to index
          %parallel_loop3A_210 = arith.constant 48 : index
          %parallel_loop3A_211 = tpu.vector_load %arg8[%parallel_loop3A_209, %parallel_loop3A_210] {strides = array<i32>} : memref<64x64xf32, #tpu.memory_space<vmem>>, vector<16xf32>,
          tpu.vector_store %arg8[%parallel_loop3A_209, %parallel_loop3A_210], %broadcast_in_dim3A_7 {strides = array<i32>} : memref<64x64xf32, #tpu.memory_space<vmem>>, vector<16xf32>,
        } {sc.loop_unroll_factor = 2 : i64, sc.parallel_access}
      } else {
        %ge3A_196 = arith.constant 48 : i32
        %ge3A_197 = arith.cmpi sge, %reduce_max3A_117, %ge3A_196 : i32
        %convert_element_type3A_198 = arith.extui %ge3A_197 : i1 to i32
        %cond3A_199 = arith.constant 0 : i32
        %cond3A_200 = arith.cmpi ne, %convert_element_type3A_198, %cond3A_199 : i32
        scf.if %cond3A_200 {
          %add3A_201 = arith.constant 48 : i32
          %add3A_202 = vector.broadcast %add3A_201 : i32 to vector<16xi32>
          %add3A_203 = arith.addi %add3A_202, %iota3A : vector<16xi32>
          %sub3A_204 = arith.constant 1 : i32
          %sub3A_205 = vector.broadcast %sub3A_204 : i32 to vector<16xi32>
          %sub3A_206 = arith.subi %get3A_99, %sub3A_205 : vector<16xi32>
          %min3A = arith.minsi %add3A_203, %sub3A_206 : vector<16xi32>
          %lt3A = arith.cmpi slt, %add3A_203, %get3A_99 : vector<16xi32>
          %jit3A = arith.constant 1.000000e+00 : f32
          %jit3A_207 = arith.constant 0.000000e+00 : f32
          %broadcast_in_dim3A_208 = vector.broadcast %jit3A : f32 to vector<16xf32>
          %broadcast_in_dim3A_209 = vector.broadcast %jit3A_207 : f32 to vector<16xf32>
          %select_n3A = arith.select %lt3A, %broadcast_in_dim3A_208, %broadcast_in_dim3A_209 : vector<16xi1>, vector<16xf32>
          %parallel_loop3A = arith.constant 0 : i32
          %parallel_loop3A_210 = arith.constant 1 : i32
          scf.for %parallel_loop3A_213 = %parallel_loop3A to %reduce_max3A_125 step %parallel_loop3A_210  : i32 {
            %parallel_loop3A_214 = vector.broadcast %parallel_loop3A_213 : i32 to vector<16xi32>
            %parallel_loop3A_215 = arith.muli %parallel_loop3A_214, %get3A_99 : vector<16xi32>
            %parallel_loop3A_216 = arith.addi %add3A_105, %parallel_loop3A_215 : vector<16xi32>
            %parallel_loop3A_217 = arith.constant 0 : i32
            %parallel_loop3A_218 = vector.broadcast %parallel_loop3A_217 : i32 to vector<16xi32>
            %parallel_loop3A_219 = arith.addi %parallel_loop3A_218, %iota3A : vector<16xi32>
            %parallel_loop3A_220 = arith.addi %parallel_loop3A_216, %parallel_loop3A_219 : vector<16xi32>
            %parallel_loop3A_221 = tpu.vector_load_idx %arg5[%parallel_loop3A_220] : memref<32768xf32, #tpu.memory_space<vmem>>[vector<16xi32>], vector<16xf32>,
            %parallel_loop3A_222 = arith.index_cast %parallel_loop3A_213 : i32 to index
            %parallel_loop3A_223 = arith.constant 0 : index
            %parallel_loop3A_224 = tpu.vector_load %arg8[%parallel_loop3A_222, %parallel_loop3A_223] {strides = array<i32>} : memref<64x64xf32, #tpu.memory_space<vmem>>, vector<16xf32>,
            tpu.vector_store %arg8[%parallel_loop3A_222, %parallel_loop3A_223], %parallel_loop3A_221 {strides = array<i32>} : memref<64x64xf32, #tpu.memory_space<vmem>>, vector<16xf32>,
            %parallel_loop3A_225 = arith.constant 16 : i32
            %parallel_loop3A_226 = vector.broadcast %parallel_loop3A_225 : i32 to vector<16xi32>
            %parallel_loop3A_227 = arith.addi %parallel_loop3A_226, %iota3A : vector<16xi32>
            %parallel_loop3A_228 = arith.addi %parallel_loop3A_216, %parallel_loop3A_227 : vector<16xi32>
            %parallel_loop3A_229 = tpu.vector_load_idx %arg5[%parallel_loop3A_228] : memref<32768xf32, #tpu.memory_space<vmem>>[vector<16xi32>], vector<16xf32>,
            %parallel_loop3A_230 = arith.index_cast %parallel_loop3A_213 : i32 to index
            %parallel_loop3A_231 = arith.constant 16 : index
            %parallel_loop3A_232 = tpu.vector_load %arg8[%parallel_loop3A_230, %parallel_loop3A_231] {strides = array<i32>} : memref<64x64xf32, #tpu.memory_space<vmem>>, vector<16xf32>,
            tpu.vector_store %arg8[%parallel_loop3A_230, %parallel_loop3A_231], %parallel_loop3A_229 {strides = array<i32>} : memref<64x64xf32, #tpu.memory_space<vmem>>, vector<16xf32>,
            %parallel_loop3A_233 = arith.constant 32 : i32
            %parallel_loop3A_234 = vector.broadcast %parallel_loop3A_233 : i32 to vector<16xi32>
            %parallel_loop3A_235 = arith.addi %parallel_loop3A_234, %iota3A : vector<16xi32>
            %parallel_loop3A_236 = arith.addi %parallel_loop3A_216, %parallel_loop3A_235 : vector<16xi32>
            %parallel_loop3A_237 = tpu.vector_load_idx %arg5[%parallel_loop3A_236] : memref<32768xf32, #tpu.memory_space<vmem>>[vector<16xi32>], vector<16xf32>,
            %parallel_loop3A_238 = arith.index_cast %parallel_loop3A_213 : i32 to index
            %parallel_loop3A_239 = arith.constant 32 : index
            %parallel_loop3A_240 = tpu.vector_load %arg8[%parallel_loop3A_238, %parallel_loop3A_239] {strides = array<i32>} : memref<64x64xf32, #tpu.memory_space<vmem>>, vector<16xf32>,
            tpu.vector_store %arg8[%parallel_loop3A_238, %parallel_loop3A_239], %parallel_loop3A_237 {strides = array<i32>} : memref<64x64xf32, #tpu.memory_space<vmem>>, vector<16xf32>,
            %parallel_loop3A_241 = arith.addi %parallel_loop3A_216, %min3A : vector<16xi32>
            %parallel_loop3A_242 = tpu.vector_load_idx %arg5[%parallel_loop3A_241] : memref<32768xf32, #tpu.memory_space<vmem>>[vector<16xi32>], vector<16xf32>,
            %parallel_loop3A_243 = arith.mulf %parallel_loop3A_242, %select_n3A : vector<16xf32>
            %parallel_loop3A_244 = arith.index_cast %parallel_loop3A_213 : i32 to index
            %parallel_loop3A_245 = arith.constant 48 : index
            %parallel_loop3A_246 = tpu.vector_load %arg8[%parallel_loop3A_244, %parallel_loop3A_245] {strides = array<i32>} : memref<64x64xf32, #tpu.memory_space<vmem>>, vector<16xf32>,
            tpu.vector_store %arg8[%parallel_loop3A_244, %parallel_loop3A_245], %parallel_loop3A_243 {strides = array<i32>} : memref<64x64xf32, #tpu.memory_space<vmem>>, vector<16xf32>,
          } {sc.loop_unroll_factor = 2 : i64, sc.parallel_access}
          %parallel_loop3A_211 = arith.constant 64 : i32
          %parallel_loop3A_212 = arith.constant 1 : i32
          scf.for %parallel_loop3A_213 = %reduce_max3A_125 to %parallel_loop3A_211 step %parallel_loop3A_212  : i32 {
            %parallel_loop3A_214 = arith.index_cast %parallel_loop3A_213 : i32 to index
            %parallel_loop3A_215 = arith.constant 0 : index
            %parallel_loop3A_216 = tpu.vector_load %arg8[%parallel_loop3A_214, %parallel_loop3A_215] {strides = array<i32>} : memref<64x64xf32, #tpu.memory_space<vmem>>, vector<16xf32>,
            tpu.vector_store %arg8[%parallel_loop3A_214, %parallel_loop3A_215], %broadcast_in_dim3A_7 {strides = array<i32>} : memref<64x64xf32, #tpu.memory_space<vmem>>, vector<16xf32>,
            %parallel_loop3A_217 = arith.index_cast %parallel_loop3A_213 : i32 to index
            %parallel_loop3A_218 = arith.constant 16 : index
            %parallel_loop3A_219 = tpu.vector_load %arg8[%parallel_loop3A_217, %parallel_loop3A_218] {strides = array<i32>} : memref<64x64xf32, #tpu.memory_space<vmem>>, vector<16xf32>,
            tpu.vector_store %arg8[%parallel_loop3A_217, %parallel_loop3A_218], %broadcast_in_dim3A_7 {strides = array<i32>} : memref<64x64xf32, #tpu.memory_space<vmem>>, vector<16xf32>,
            %parallel_loop3A_220 = arith.index_cast %parallel_loop3A_213 : i32 to index
            %parallel_loop3A_221 = arith.constant 32 : index
            %parallel_loop3A_222 = tpu.vector_load %arg8[%parallel_loop3A_220, %parallel_loop3A_221] {strides = array<i32>} : memref<64x64xf32, #tpu.memory_space<vmem>>, vector<16xf32>,
            tpu.vector_store %arg8[%parallel_loop3A_220, %parallel_loop3A_221], %broadcast_in_dim3A_7 {strides = array<i32>} : memref<64x64xf32, #tpu.memory_space<vmem>>, vector<16xf32>,
            %parallel_loop3A_223 = arith.index_cast %parallel_loop3A_213 : i32 to index
            %parallel_loop3A_224 = arith.constant 48 : index
            %parallel_loop3A_225 = tpu.vector_load %arg8[%parallel_loop3A_223, %parallel_loop3A_224] {strides = array<i32>} : memref<64x64xf32, #tpu.memory_space<vmem>>, vector<16xf32>,
            tpu.vector_store %arg8[%parallel_loop3A_223, %parallel_loop3A_224], %broadcast_in_dim3A_7 {strides = array<i32>} : memref<64x64xf32, #tpu.memory_space<vmem>>, vector<16xf32>,
          } {sc.loop_unroll_factor = 2 : i64, sc.parallel_access}
        } else {
          %add3A_201 = arith.constant 32 : i32
          %add3A_202 = vector.broadcast %add3A_201 : i32 to vector<16xi32>
          %add3A_203 = arith.addi %add3A_202, %iota3A : vector<16xi32>
          %sub3A_204 = arith.constant 1 : i32
          %sub3A_205 = vector.broadcast %sub3A_204 : i32 to vector<16xi32>
          %sub3A_206 = arith.subi %get3A_99, %sub3A_205 : vector<16xi32>
          %min3A = arith.minsi %add3A_203, %sub3A_206 : vector<16xi32>
          %lt3A = arith.cmpi slt, %add3A_203, %get3A_99 : vector<16xi32>
          %jit3A = arith.constant 1.000000e+00 : f32
          %jit3A_207 = arith.constant 0.000000e+00 : f32
          %broadcast_in_dim3A_208 = vector.broadcast %jit3A : f32 to vector<16xf32>
          %broadcast_in_dim3A_209 = vector.broadcast %jit3A_207 : f32 to vector<16xf32>
          %select_n3A = arith.select %lt3A, %broadcast_in_dim3A_208, %broadcast_in_dim3A_209 : vector<16xi1>, vector<16xf32>
          %parallel_loop3A = arith.constant 0 : i32
          %parallel_loop3A_210 = arith.constant 1 : i32
          scf.for %parallel_loop3A_213 = %parallel_loop3A to %reduce_max3A_125 step %parallel_loop3A_210  : i32 {
            %parallel_loop3A_214 = vector.broadcast %parallel_loop3A_213 : i32 to vector<16xi32>
            %parallel_loop3A_215 = arith.muli %parallel_loop3A_214, %get3A_99 : vector<16xi32>
            %parallel_loop3A_216 = arith.addi %add3A_105, %parallel_loop3A_215 : vector<16xi32>
            %parallel_loop3A_217 = arith.constant 0 : i32
            %parallel_loop3A_218 = vector.broadcast %parallel_loop3A_217 : i32 to vector<16xi32>
            %parallel_loop3A_219 = arith.addi %parallel_loop3A_218, %iota3A : vector<16xi32>
            %parallel_loop3A_220 = arith.addi %parallel_loop3A_216, %parallel_loop3A_219 : vector<16xi32>
            %parallel_loop3A_221 = tpu.vector_load_idx %arg5[%parallel_loop3A_220] : memref<32768xf32, #tpu.memory_space<vmem>>[vector<16xi32>], vector<16xf32>,
            %parallel_loop3A_222 = arith.index_cast %parallel_loop3A_213 : i32 to index
            %parallel_loop3A_223 = arith.constant 0 : index
            %parallel_loop3A_224 = tpu.vector_load %arg8[%parallel_loop3A_222, %parallel_loop3A_223] {strides = array<i32>} : memref<64x64xf32, #tpu.memory_space<vmem>>, vector<16xf32>,
            tpu.vector_store %arg8[%parallel_loop3A_222, %parallel_loop3A_223], %parallel_loop3A_221 {strides = array<i32>} : memref<64x64xf32, #tpu.memory_space<vmem>>, vector<16xf32>,
            %parallel_loop3A_225 = arith.constant 16 : i32
            %parallel_loop3A_226 = vector.broadcast %parallel_loop3A_225 : i32 to vector<16xi32>
            %parallel_loop3A_227 = arith.addi %parallel_loop3A_226, %iota3A : vector<16xi32>
            %parallel_loop3A_228 = arith.addi %parallel_loop3A_216, %parallel_loop3A_227 : vector<16xi32>
            %parallel_loop3A_229 = tpu.vector_load_idx %arg5[%parallel_loop3A_228] : memref<32768xf32, #tpu.memory_space<vmem>>[vector<16xi32>], vector<16xf32>,
            %parallel_loop3A_230 = arith.index_cast %parallel_loop3A_213 : i32 to index
            %parallel_loop3A_231 = arith.constant 16 : index
            %parallel_loop3A_232 = tpu.vector_load %arg8[%parallel_loop3A_230, %parallel_loop3A_231] {strides = array<i32>} : memref<64x64xf32, #tpu.memory_space<vmem>>, vector<16xf32>,
            tpu.vector_store %arg8[%parallel_loop3A_230, %parallel_loop3A_231], %parallel_loop3A_229 {strides = array<i32>} : memref<64x64xf32, #tpu.memory_space<vmem>>, vector<16xf32>,
            %parallel_loop3A_233 = arith.addi %parallel_loop3A_216, %min3A : vector<16xi32>
            %parallel_loop3A_234 = tpu.vector_load_idx %arg5[%parallel_loop3A_233] : memref<32768xf32, #tpu.memory_space<vmem>>[vector<16xi32>], vector<16xf32>,
            %parallel_loop3A_235 = arith.mulf %parallel_loop3A_234, %select_n3A : vector<16xf32>
            %parallel_loop3A_236 = arith.index_cast %parallel_loop3A_213 : i32 to index
            %parallel_loop3A_237 = arith.constant 32 : index
            %parallel_loop3A_238 = tpu.vector_load %arg8[%parallel_loop3A_236, %parallel_loop3A_237] {strides = array<i32>} : memref<64x64xf32, #tpu.memory_space<vmem>>, vector<16xf32>,
            tpu.vector_store %arg8[%parallel_loop3A_236, %parallel_loop3A_237], %parallel_loop3A_235 {strides = array<i32>} : memref<64x64xf32, #tpu.memory_space<vmem>>, vector<16xf32>,
            %parallel_loop3A_239 = arith.index_cast %parallel_loop3A_213 : i32 to index
            %parallel_loop3A_240 = arith.constant 48 : index
            %parallel_loop3A_241 = tpu.vector_load %arg8[%parallel_loop3A_239, %parallel_loop3A_240] {strides = array<i32>} : memref<64x64xf32, #tpu.memory_space<vmem>>, vector<16xf32>,
            tpu.vector_store %arg8[%parallel_loop3A_239, %parallel_loop3A_240], %broadcast_in_dim3A_7 {strides = array<i32>} : memref<64x64xf32, #tpu.memory_space<vmem>>, vector<16xf32>,
          } {sc.loop_unroll_factor = 2 : i64, sc.parallel_access}
          %parallel_loop3A_211 = arith.constant 64 : i32
          %parallel_loop3A_212 = arith.constant 1 : i32
          scf.for %parallel_loop3A_213 = %reduce_max3A_125 to %parallel_loop3A_211 step %parallel_loop3A_212  : i32 {
            %parallel_loop3A_214 = arith.index_cast %parallel_loop3A_213 : i32 to index
            %parallel_loop3A_215 = arith.constant 0 : index
            %parallel_loop3A_216 = tpu.vector_load %arg8[%parallel_loop3A_214, %parallel_loop3A_215] {strides = array<i32>} : memref<64x64xf32, #tpu.memory_space<vmem>>, vector<16xf32>,
            tpu.vector_store %arg8[%parallel_loop3A_214, %parallel_loop3A_215], %broadcast_in_dim3A_7 {strides = array<i32>} : memref<64x64xf32, #tpu.memory_space<vmem>>, vector<16xf32>,
            %parallel_loop3A_217 = arith.index_cast %parallel_loop3A_213 : i32 to index
            %parallel_loop3A_218 = arith.constant 16 : index
            %parallel_loop3A_219 = tpu.vector_load %arg8[%parallel_loop3A_217, %parallel_loop3A_218] {strides = array<i32>} : memref<64x64xf32, #tpu.memory_space<vmem>>, vector<16xf32>,
            tpu.vector_store %arg8[%parallel_loop3A_217, %parallel_loop3A_218], %broadcast_in_dim3A_7 {strides = array<i32>} : memref<64x64xf32, #tpu.memory_space<vmem>>, vector<16xf32>,
            %parallel_loop3A_220 = arith.index_cast %parallel_loop3A_213 : i32 to index
            %parallel_loop3A_221 = arith.constant 32 : index
            %parallel_loop3A_222 = tpu.vector_load %arg8[%parallel_loop3A_220, %parallel_loop3A_221] {strides = array<i32>} : memref<64x64xf32, #tpu.memory_space<vmem>>, vector<16xf32>,
            tpu.vector_store %arg8[%parallel_loop3A_220, %parallel_loop3A_221], %broadcast_in_dim3A_7 {strides = array<i32>} : memref<64x64xf32, #tpu.memory_space<vmem>>, vector<16xf32>,
            %parallel_loop3A_223 = arith.index_cast %parallel_loop3A_213 : i32 to index
            %parallel_loop3A_224 = arith.constant 48 : index
            %parallel_loop3A_225 = tpu.vector_load %arg8[%parallel_loop3A_223, %parallel_loop3A_224] {strides = array<i32>} : memref<64x64xf32, #tpu.memory_space<vmem>>, vector<16xf32>,
            tpu.vector_store %arg8[%parallel_loop3A_223, %parallel_loop3A_224], %broadcast_in_dim3A_7 {strides = array<i32>} : memref<64x64xf32, #tpu.memory_space<vmem>>, vector<16xf32>,
          } {sc.loop_unroll_factor = 2 : i64, sc.parallel_access}
        }
      }
      %dma_start3A_136 = arith.constant 1 : i32
      %dma_start3A_137 = arith.constant 0 : i32
      %dma_start3A_138 = arith.constant 0 : i32
      %dma_start3A_139 = tpu.memref_slice %arg4[%add3A_47, %dma_start3A_136, %dma_start3A_137, %dma_start3A_138] : memref<512x3x64x64xf32, #tpu.memory_space<hbm>> -> memref<1x1x64x64xf32, #tpu.memory_space<hbm>>
      %dma_start3A_140 = tpu.memref_squeeze %dma_start3A_139 : memref<1x1x64x64xf32, #tpu.memory_space<hbm>> -> memref<64x64xf32, #tpu.memory_space<hbm>>
      %dma_start3A_141 = arith.constant 0 : i32
      %dma_start3A_142 = arith.constant 0 : i32
      %dma_start3A_143 = tpu.memref_slice %arg4[%add3A_47, %dma_start3A_136, %dma_start3A_141, %dma_start3A_142] : memref<512x3x64x64xf32, #tpu.memory_space<hbm>> -> memref<1x1x64x64xf32, #tpu.memory_space<hbm>>
      %dma_start3A_144 = tpu.memref_squeeze %dma_start3A_143 : memref<1x1x64x64xf32, #tpu.memory_space<hbm>> -> memref<64x64xf32, #tpu.memory_space<hbm>>
      tpu.enqueue_dma source(%arg8 : memref<64x64xf32, #tpu.memory_space<vmem>>) target(%dma_start3A_144 : memref<64x64xf32, #tpu.memory_space<hbm>>) target_semaphore(%arg11 : memref<!tpu.dma_semaphore, #tpu.memory_space<semaphore_mem>>)
      %mul3A_145 = arith.constant 256 : i32
      %mul3A_146 = arith.muli %scan3A_44, %mul3A_145 : i32
      %add3A_147 = arith.constant 96 : i32
      %add3A_148 = arith.addi %mul3A_146, %add3A_147 : i32
      %get3A_149 = arith.index_cast %add3A_148 : i32 to index
      %get3A_150 = tpu.vector_load %arg6[%get3A_149] {strides = array<i32>} : memref<4096xi32, #tpu.memory_space<vmem>>, vector<16xi32>,
      %add3A_151 = arith.constant 16 : i32
      %add3A_152 = arith.addi %add3A_148, %add3A_151 : i32
      %get3A_153 = arith.index_cast %add3A_152 : i32 to index
      %get3A_154 = tpu.vector_load %arg6[%get3A_153] {strides = array<i32>} : memref<4096xi32, #tpu.memory_space<vmem>>, vector<16xi32>,
      %add3A_155 = vector.broadcast %mul3A_49 : i32 to vector<16xi32>
      %add3A_156 = arith.addi %get3A_154, %add3A_155 : vector<16xi32>
      %add3A_157 = arith.constant 32 : i32
      %add3A_158 = arith.addi %add3A_148, %add3A_157 : i32
      %get3A_159 = arith.index_cast %add3A_158 : i32 to index
      %get3A_160 = tpu.vector_load %arg6[%get3A_159] {strides = array<i32>} : memref<4096xi32, #tpu.memory_space<vmem>>, vector<16xi32>,
      %reduce_max3A_161 = arith.constant true
      %reduce_max3A_162 = vector.broadcast %reduce_max3A_161 : i1 to vector<16xi1>
      %reduce_max3A_163 = arith.constant -2147483648 : i32
      %reduce_max3A_164 = vector.broadcast %reduce_max3A_163 : i32 to vector<16xi32>
      %reduce_max3A_165 = arith.xori %get3A_150, %reduce_max3A_164 : vector<16xi32>
      %reduce_max3A_166 = tpu.scan <max>, %reduce_max3A_165 masked %reduce_max3A_162 : vector<16xi32>, vector<16xi1> -> vector<16xi32>
      %reduce_max3A_167 = arith.xori %reduce_max3A_166, %reduce_max3A_164 : vector<16xi32>
      %reduce_max3A_168 = vector.extract %reduce_max3A_167[15] : i32 from vector<16xi32>
      %reduce_max3A_169 = arith.constant true
      %reduce_max3A_170 = vector.broadcast %reduce_max3A_169 : i1 to vector<16xi1>
      %reduce_max3A_171 = arith.constant -2147483648 : i32
      %reduce_max3A_172 = vector.broadcast %reduce_max3A_171 : i32 to vector<16xi32>
      %reduce_max3A_173 = arith.xori %get3A_160, %reduce_max3A_172 : vector<16xi32>
      %reduce_max3A_174 = tpu.scan <max>, %reduce_max3A_173 masked %reduce_max3A_170 : vector<16xi32>, vector<16xi1> -> vector<16xi32>
      %reduce_max3A_175 = arith.xori %reduce_max3A_174, %reduce_max3A_172 : vector<16xi32>
      %reduce_max3A_176 = vector.extract %reduce_max3A_175[15] : i32 from vector<16xi32>
      %gt3A_177 = arith.constant 0 : i32
      %gt3A_178 = arith.cmpi sgt, %scan3A_44, %gt3A_177 : i32
      %convert_element_type3A_179 = arith.extui %gt3A_178 : i1 to i32
      %cond3A_180 = arith.constant 0 : i32
      %cond3A_181 = arith.cmpi ne, %convert_element_type3A_179, %cond3A_180 : i32
      scf.if %cond3A_181 {
        %sub3A_196 = arith.constant 1 : i32
        %sub3A_197 = arith.subi %add3A_47, %sub3A_196 : i32
        %dma_wait3A_198 = arith.constant 2 : i32
        %dma_wait3A_199 = arith.constant 0 : i32
        %dma_wait3A_200 = arith.constant 0 : i32
        %dma_wait3A_201 = tpu.memref_slice %arg4[%sub3A_197, %dma_wait3A_198, %dma_wait3A_199, %dma_wait3A_200] : memref<512x3x64x64xf32, #tpu.memory_space<hbm>> -> memref<1x1x64x64xf32, #tpu.memory_space<hbm>>
        %dma_wait3A_202 = tpu.memref_squeeze %dma_wait3A_201 : memref<1x1x64x64xf32, #tpu.memory_space<hbm>> -> memref<64x64xf32, #tpu.memory_space<hbm>>
        %dma_wait3A_203 = arith.constant 0 : i32
        %dma_wait3A_204 = arith.constant 0 : i32
        %dma_wait3A_205 = tpu.memref_slice %arg4[%sub3A_197, %dma_wait3A_198, %dma_wait3A_203, %dma_wait3A_204] : memref<512x3x64x64xf32, #tpu.memory_space<hbm>> -> memref<1x1x64x64xf32, #tpu.memory_space<hbm>>
        %dma_wait3A_206 = tpu.memref_squeeze %dma_wait3A_205 : memref<1x1x64x64xf32, #tpu.memory_space<hbm>> -> memref<64x64xf32, #tpu.memory_space<hbm>>
        tpu.wait_dma2 semaphore(%arg12 : memref<!tpu.dma_semaphore, #tpu.memory_space<semaphore_mem>>) src(%arg9 : memref<64x64xf32, #tpu.memory_space<vmem>>) dst(%dma_wait3A_206 : memref<64x64xf32, #tpu.memory_space<hbm>>)
      } else {
      }
      %ge3A_182 = arith.constant 64 : i32
      %ge3A_183 = arith.cmpi sge, %reduce_max3A_168, %ge3A_182 : i32
      %convert_element_type3A_184 = arith.extui %ge3A_183 : i1 to i32
      %cond3A_185 = arith.constant 0 : i32
      %cond3A_186 = arith.cmpi ne, %convert_element_type3A_184, %cond3A_185 : i32
      scf.if %cond3A_186 {
        %parallel_loop3A = arith.constant 0 : i32
        %parallel_loop3A_196 = arith.constant 1 : i32
        scf.for %parallel_loop3A_199 = %parallel_loop3A to %reduce_max3A_176 step %parallel_loop3A_196  : i32 {
          %parallel_loop3A_200 = vector.broadcast %parallel_loop3A_199 : i32 to vector<16xi32>
          %parallel_loop3A_201 = arith.muli %parallel_loop3A_200, %get3A_150 : vector<16xi32>
          %parallel_loop3A_202 = arith.addi %add3A_156, %parallel_loop3A_201 : vector<16xi32>
          %parallel_loop3A_203 = arith.constant 0 : i32
          %parallel_loop3A_204 = vector.broadcast %parallel_loop3A_203 : i32 to vector<16xi32>
          %parallel_loop3A_205 = arith.addi %parallel_loop3A_204, %iota3A : vector<16xi32>
          %parallel_loop3A_206 = arith.addi %parallel_loop3A_202, %parallel_loop3A_205 : vector<16xi32>
          %parallel_loop3A_207 = tpu.vector_load_idx %arg5[%parallel_loop3A_206] : memref<32768xf32, #tpu.memory_space<vmem>>[vector<16xi32>], vector<16xf32>,
          %parallel_loop3A_208 = arith.index_cast %parallel_loop3A_199 : i32 to index
          %parallel_loop3A_209 = arith.constant 0 : index
          %parallel_loop3A_210 = tpu.vector_load %arg9[%parallel_loop3A_208, %parallel_loop3A_209] {strides = array<i32>} : memref<64x64xf32, #tpu.memory_space<vmem>>, vector<16xf32>,
          tpu.vector_store %arg9[%parallel_loop3A_208, %parallel_loop3A_209], %parallel_loop3A_207 {strides = array<i32>} : memref<64x64xf32, #tpu.memory_space<vmem>>, vector<16xf32>,
          %parallel_loop3A_211 = arith.constant 16 : i32
          %parallel_loop3A_212 = vector.broadcast %parallel_loop3A_211 : i32 to vector<16xi32>
          %parallel_loop3A_213 = arith.addi %parallel_loop3A_212, %iota3A : vector<16xi32>
          %parallel_loop3A_214 = arith.addi %parallel_loop3A_202, %parallel_loop3A_213 : vector<16xi32>
          %parallel_loop3A_215 = tpu.vector_load_idx %arg5[%parallel_loop3A_214] : memref<32768xf32, #tpu.memory_space<vmem>>[vector<16xi32>], vector<16xf32>,
          %parallel_loop3A_216 = arith.index_cast %parallel_loop3A_199 : i32 to index
          %parallel_loop3A_217 = arith.constant 16 : index
          %parallel_loop3A_218 = tpu.vector_load %arg9[%parallel_loop3A_216, %parallel_loop3A_217] {strides = array<i32>} : memref<64x64xf32, #tpu.memory_space<vmem>>, vector<16xf32>,
          tpu.vector_store %arg9[%parallel_loop3A_216, %parallel_loop3A_217], %parallel_loop3A_215 {strides = array<i32>} : memref<64x64xf32, #tpu.memory_space<vmem>>, vector<16xf32>,
          %parallel_loop3A_219 = arith.constant 32 : i32
          %parallel_loop3A_220 = vector.broadcast %parallel_loop3A_219 : i32 to vector<16xi32>
          %parallel_loop3A_221 = arith.addi %parallel_loop3A_220, %iota3A : vector<16xi32>
          %parallel_loop3A_222 = arith.addi %parallel_loop3A_202, %parallel_loop3A_221 : vector<16xi32>
          %parallel_loop3A_223 = tpu.vector_load_idx %arg5[%parallel_loop3A_222] : memref<32768xf32, #tpu.memory_space<vmem>>[vector<16xi32>], vector<16xf32>,
          %parallel_loop3A_224 = arith.index_cast %parallel_loop3A_199 : i32 to index
          %parallel_loop3A_225 = arith.constant 32 : index
          %parallel_loop3A_226 = tpu.vector_load %arg9[%parallel_loop3A_224, %parallel_loop3A_225] {strides = array<i32>} : memref<64x64xf32, #tpu.memory_space<vmem>>, vector<16xf32>,
          tpu.vector_store %arg9[%parallel_loop3A_224, %parallel_loop3A_225], %parallel_loop3A_223 {strides = array<i32>} : memref<64x64xf32, #tpu.memory_space<vmem>>, vector<16xf32>,
          %parallel_loop3A_227 = arith.constant 48 : i32
          %parallel_loop3A_228 = vector.broadcast %parallel_loop3A_227 : i32 to vector<16xi32>
          %parallel_loop3A_229 = arith.addi %parallel_loop3A_228, %iota3A : vector<16xi32>
          %parallel_loop3A_230 = arith.addi %parallel_loop3A_202, %parallel_loop3A_229 : vector<16xi32>
          %parallel_loop3A_231 = tpu.vector_load_idx %arg5[%parallel_loop3A_230] : memref<32768xf32, #tpu.memory_space<vmem>>[vector<16xi32>], vector<16xf32>,
          %parallel_loop3A_232 = arith.index_cast %parallel_loop3A_199 : i32 to index
          %parallel_loop3A_233 = arith.constant 48 : index
          %parallel_loop3A_234 = tpu.vector_load %arg9[%parallel_loop3A_232, %parallel_loop3A_233] {strides = array<i32>} : memref<64x64xf32, #tpu.memory_space<vmem>>, vector<16xf32>,
          tpu.vector_store %arg9[%parallel_loop3A_232, %parallel_loop3A_233], %parallel_loop3A_231 {strides = array<i32>} : memref<64x64xf32, #tpu.memory_space<vmem>>, vector<16xf32>,
        } {sc.loop_unroll_factor = 2 : i64, sc.parallel_access}
        %parallel_loop3A_197 = arith.constant 64 : i32
        %parallel_loop3A_198 = arith.constant 1 : i32
        scf.for %parallel_loop3A_199 = %reduce_max3A_176 to %parallel_loop3A_197 step %parallel_loop3A_198  : i32 {
          %parallel_loop3A_200 = arith.index_cast %parallel_loop3A_199 : i32 to index
          %parallel_loop3A_201 = arith.constant 0 : index
          %parallel_loop3A_202 = tpu.vector_load %arg9[%parallel_loop3A_200, %parallel_loop3A_201] {strides = array<i32>} : memref<64x64xf32, #tpu.memory_space<vmem>>, vector<16xf32>,
          tpu.vector_store %arg9[%parallel_loop3A_200, %parallel_loop3A_201], %broadcast_in_dim3A_7 {strides = array<i32>} : memref<64x64xf32, #tpu.memory_space<vmem>>, vector<16xf32>,
          %parallel_loop3A_203 = arith.index_cast %parallel_loop3A_199 : i32 to index
          %parallel_loop3A_204 = arith.constant 16 : index
          %parallel_loop3A_205 = tpu.vector_load %arg9[%parallel_loop3A_203, %parallel_loop3A_204] {strides = array<i32>} : memref<64x64xf32, #tpu.memory_space<vmem>>, vector<16xf32>,
          tpu.vector_store %arg9[%parallel_loop3A_203, %parallel_loop3A_204], %broadcast_in_dim3A_7 {strides = array<i32>} : memref<64x64xf32, #tpu.memory_space<vmem>>, vector<16xf32>,
          %parallel_loop3A_206 = arith.index_cast %parallel_loop3A_199 : i32 to index
          %parallel_loop3A_207 = arith.constant 32 : index
          %parallel_loop3A_208 = tpu.vector_load %arg9[%parallel_loop3A_206, %parallel_loop3A_207] {strides = array<i32>} : memref<64x64xf32, #tpu.memory_space<vmem>>, vector<16xf32>,
          tpu.vector_store %arg9[%parallel_loop3A_206, %parallel_loop3A_207], %broadcast_in_dim3A_7 {strides = array<i32>} : memref<64x64xf32, #tpu.memory_space<vmem>>, vector<16xf32>,
          %parallel_loop3A_209 = arith.index_cast %parallel_loop3A_199 : i32 to index
          %parallel_loop3A_210 = arith.constant 48 : index
          %parallel_loop3A_211 = tpu.vector_load %arg9[%parallel_loop3A_209, %parallel_loop3A_210] {strides = array<i32>} : memref<64x64xf32, #tpu.memory_space<vmem>>, vector<16xf32>,
          tpu.vector_store %arg9[%parallel_loop3A_209, %parallel_loop3A_210], %broadcast_in_dim3A_7 {strides = array<i32>} : memref<64x64xf32, #tpu.memory_space<vmem>>, vector<16xf32>,
        } {sc.loop_unroll_factor = 2 : i64, sc.parallel_access}
      } else {
        %ge3A_196 = arith.constant 48 : i32
        %ge3A_197 = arith.cmpi sge, %reduce_max3A_168, %ge3A_196 : i32
        %convert_element_type3A_198 = arith.extui %ge3A_197 : i1 to i32
        %cond3A_199 = arith.constant 0 : i32
        %cond3A_200 = arith.cmpi ne, %convert_element_type3A_198, %cond3A_199 : i32
        scf.if %cond3A_200 {
          %add3A_201 = arith.constant 48 : i32
          %add3A_202 = vector.broadcast %add3A_201 : i32 to vector<16xi32>
          %add3A_203 = arith.addi %add3A_202, %iota3A : vector<16xi32>
          %sub3A_204 = arith.constant 1 : i32
          %sub3A_205 = vector.broadcast %sub3A_204 : i32 to vector<16xi32>
          %sub3A_206 = arith.subi %get3A_150, %sub3A_205 : vector<16xi32>
          %min3A = arith.minsi %add3A_203, %sub3A_206 : vector<16xi32>
          %lt3A = arith.cmpi slt, %add3A_203, %get3A_150 : vector<16xi32>
          %jit3A = arith.constant 1.000000e+00 : f32
          %jit3A_207 = arith.constant 0.000000e+00 : f32
          %broadcast_in_dim3A_208 = vector.broadcast %jit3A : f32 to vector<16xf32>
          %broadcast_in_dim3A_209 = vector.broadcast %jit3A_207 : f32 to vector<16xf32>
          %select_n3A = arith.select %lt3A, %broadcast_in_dim3A_208, %broadcast_in_dim3A_209 : vector<16xi1>, vector<16xf32>
          %parallel_loop3A = arith.constant 0 : i32
          %parallel_loop3A_210 = arith.constant 1 : i32
          scf.for %parallel_loop3A_213 = %parallel_loop3A to %reduce_max3A_176 step %parallel_loop3A_210  : i32 {
            %parallel_loop3A_214 = vector.broadcast %parallel_loop3A_213 : i32 to vector<16xi32>
            %parallel_loop3A_215 = arith.muli %parallel_loop3A_214, %get3A_150 : vector<16xi32>
            %parallel_loop3A_216 = arith.addi %add3A_156, %parallel_loop3A_215 : vector<16xi32>
            %parallel_loop3A_217 = arith.constant 0 : i32
            %parallel_loop3A_218 = vector.broadcast %parallel_loop3A_217 : i32 to vector<16xi32>
            %parallel_loop3A_219 = arith.addi %parallel_loop3A_218, %iota3A : vector<16xi32>
            %parallel_loop3A_220 = arith.addi %parallel_loop3A_216, %parallel_loop3A_219 : vector<16xi32>
            %parallel_loop3A_221 = tpu.vector_load_idx %arg5[%parallel_loop3A_220] : memref<32768xf32, #tpu.memory_space<vmem>>[vector<16xi32>], vector<16xf32>,
            %parallel_loop3A_222 = arith.index_cast %parallel_loop3A_213 : i32 to index
            %parallel_loop3A_223 = arith.constant 0 : index
            %parallel_loop3A_224 = tpu.vector_load %arg9[%parallel_loop3A_222, %parallel_loop3A_223] {strides = array<i32>} : memref<64x64xf32, #tpu.memory_space<vmem>>, vector<16xf32>,
            tpu.vector_store %arg9[%parallel_loop3A_222, %parallel_loop3A_223], %parallel_loop3A_221 {strides = array<i32>} : memref<64x64xf32, #tpu.memory_space<vmem>>, vector<16xf32>,
            %parallel_loop3A_225 = arith.constant 16 : i32
            %parallel_loop3A_226 = vector.broadcast %parallel_loop3A_225 : i32 to vector<16xi32>
            %parallel_loop3A_227 = arith.addi %parallel_loop3A_226, %iota3A : vector<16xi32>
            %parallel_loop3A_228 = arith.addi %parallel_loop3A_216, %parallel_loop3A_227 : vector<16xi32>
            %parallel_loop3A_229 = tpu.vector_load_idx %arg5[%parallel_loop3A_228] : memref<32768xf32, #tpu.memory_space<vmem>>[vector<16xi32>], vector<16xf32>,
            %parallel_loop3A_230 = arith.index_cast %parallel_loop3A_213 : i32 to index
            %parallel_loop3A_231 = arith.constant 16 : index
            %parallel_loop3A_232 = tpu.vector_load %arg9[%parallel_loop3A_230, %parallel_loop3A_231] {strides = array<i32>} : memref<64x64xf32, #tpu.memory_space<vmem>>, vector<16xf32>,
            tpu.vector_store %arg9[%parallel_loop3A_230, %parallel_loop3A_231], %parallel_loop3A_229 {strides = array<i32>} : memref<64x64xf32, #tpu.memory_space<vmem>>, vector<16xf32>,
            %parallel_loop3A_233 = arith.constant 32 : i32
            %parallel_loop3A_234 = vector.broadcast %parallel_loop3A_233 : i32 to vector<16xi32>
            %parallel_loop3A_235 = arith.addi %parallel_loop3A_234, %iota3A : vector<16xi32>
            %parallel_loop3A_236 = arith.addi %parallel_loop3A_216, %parallel_loop3A_235 : vector<16xi32>
            %parallel_loop3A_237 = tpu.vector_load_idx %arg5[%parallel_loop3A_236] : memref<32768xf32, #tpu.memory_space<vmem>>[vector<16xi32>], vector<16xf32>,
            %parallel_loop3A_238 = arith.index_cast %parallel_loop3A_213 : i32 to index
            %parallel_loop3A_239 = arith.constant 32 : index
            %parallel_loop3A_240 = tpu.vector_load %arg9[%parallel_loop3A_238, %parallel_loop3A_239] {strides = array<i32>} : memref<64x64xf32, #tpu.memory_space<vmem>>, vector<16xf32>,
            tpu.vector_store %arg9[%parallel_loop3A_238, %parallel_loop3A_239], %parallel_loop3A_237 {strides = array<i32>} : memref<64x64xf32, #tpu.memory_space<vmem>>, vector<16xf32>,
            %parallel_loop3A_241 = arith.addi %parallel_loop3A_216, %min3A : vector<16xi32>
            %parallel_loop3A_242 = tpu.vector_load_idx %arg5[%parallel_loop3A_241] : memref<32768xf32, #tpu.memory_space<vmem>>[vector<16xi32>], vector<16xf32>,
            %parallel_loop3A_243 = arith.mulf %parallel_loop3A_242, %select_n3A : vector<16xf32>
            %parallel_loop3A_244 = arith.index_cast %parallel_loop3A_213 : i32 to index
            %parallel_loop3A_245 = arith.constant 48 : index
            %parallel_loop3A_246 = tpu.vector_load %arg9[%parallel_loop3A_244, %parallel_loop3A_245] {strides = array<i32>} : memref<64x64xf32, #tpu.memory_space<vmem>>, vector<16xf32>,
            tpu.vector_store %arg9[%parallel_loop3A_244, %parallel_loop3A_245], %parallel_loop3A_243 {strides = array<i32>} : memref<64x64xf32, #tpu.memory_space<vmem>>, vector<16xf32>,
          } {sc.loop_unroll_factor = 2 : i64, sc.parallel_access}
          %parallel_loop3A_211 = arith.constant 64 : i32
          %parallel_loop3A_212 = arith.constant 1 : i32
          scf.for %parallel_loop3A_213 = %reduce_max3A_176 to %parallel_loop3A_211 step %parallel_loop3A_212  : i32 {
            %parallel_loop3A_214 = arith.index_cast %parallel_loop3A_213 : i32 to index
            %parallel_loop3A_215 = arith.constant 0 : index
            %parallel_loop3A_216 = tpu.vector_load %arg9[%parallel_loop3A_214, %parallel_loop3A_215] {strides = array<i32>} : memref<64x64xf32, #tpu.memory_space<vmem>>, vector<16xf32>,
            tpu.vector_store %arg9[%parallel_loop3A_214, %parallel_loop3A_215], %broadcast_in_dim3A_7 {strides = array<i32>} : memref<64x64xf32, #tpu.memory_space<vmem>>, vector<16xf32>,
            %parallel_loop3A_217 = arith.index_cast %parallel_loop3A_213 : i32 to index
            %parallel_loop3A_218 = arith.constant 16 : index
            %parallel_loop3A_219 = tpu.vector_load %arg9[%parallel_loop3A_217, %parallel_loop3A_218] {strides = array<i32>} : memref<64x64xf32, #tpu.memory_space<vmem>>, vector<16xf32>,
            tpu.vector_store %arg9[%parallel_loop3A_217, %parallel_loop3A_218], %broadcast_in_dim3A_7 {strides = array<i32>} : memref<64x64xf32, #tpu.memory_space<vmem>>, vector<16xf32>,
            %parallel_loop3A_220 = arith.index_cast %parallel_loop3A_213 : i32 to index
            %parallel_loop3A_221 = arith.constant 32 : index
            %parallel_loop3A_222 = tpu.vector_load %arg9[%parallel_loop3A_220, %parallel_loop3A_221] {strides = array<i32>} : memref<64x64xf32, #tpu.memory_space<vmem>>, vector<16xf32>,
            tpu.vector_store %arg9[%parallel_loop3A_220, %parallel_loop3A_221], %broadcast_in_dim3A_7 {strides = array<i32>} : memref<64x64xf32, #tpu.memory_space<vmem>>, vector<16xf32>,
            %parallel_loop3A_223 = arith.index_cast %parallel_loop3A_213 : i32 to index
            %parallel_loop3A_224 = arith.constant 48 : index
            %parallel_loop3A_225 = tpu.vector_load %arg9[%parallel_loop3A_223, %parallel_loop3A_224] {strides = array<i32>} : memref<64x64xf32, #tpu.memory_space<vmem>>, vector<16xf32>,
            tpu.vector_store %arg9[%parallel_loop3A_223, %parallel_loop3A_224], %broadcast_in_dim3A_7 {strides = array<i32>} : memref<64x64xf32, #tpu.memory_space<vmem>>, vector<16xf32>,
          } {sc.loop_unroll_factor = 2 : i64, sc.parallel_access}
        } else {
          %add3A_201 = arith.constant 32 : i32
          %add3A_202 = vector.broadcast %add3A_201 : i32 to vector<16xi32>
          %add3A_203 = arith.addi %add3A_202, %iota3A : vector<16xi32>
          %sub3A_204 = arith.constant 1 : i32
          %sub3A_205 = vector.broadcast %sub3A_204 : i32 to vector<16xi32>
          %sub3A_206 = arith.subi %get3A_150, %sub3A_205 : vector<16xi32>
          %min3A = arith.minsi %add3A_203, %sub3A_206 : vector<16xi32>
          %lt3A = arith.cmpi slt, %add3A_203, %get3A_150 : vector<16xi32>
          %jit3A = arith.constant 1.000000e+00 : f32
          %jit3A_207 = arith.constant 0.000000e+00 : f32
          %broadcast_in_dim3A_208 = vector.broadcast %jit3A : f32 to vector<16xf32>
          %broadcast_in_dim3A_209 = vector.broadcast %jit3A_207 : f32 to vector<16xf32>
          %select_n3A = arith.select %lt3A, %broadcast_in_dim3A_208, %broadcast_in_dim3A_209 : vector<16xi1>, vector<16xf32>
          %parallel_loop3A = arith.constant 0 : i32
          %parallel_loop3A_210 = arith.constant 1 : i32
          scf.for %parallel_loop3A_213 = %parallel_loop3A to %reduce_max3A_176 step %parallel_loop3A_210  : i32 {
            %parallel_loop3A_214 = vector.broadcast %parallel_loop3A_213 : i32 to vector<16xi32>
            %parallel_loop3A_215 = arith.muli %parallel_loop3A_214, %get3A_150 : vector<16xi32>
            %parallel_loop3A_216 = arith.addi %add3A_156, %parallel_loop3A_215 : vector<16xi32>
            %parallel_loop3A_217 = arith.constant 0 : i32
            %parallel_loop3A_218 = vector.broadcast %parallel_loop3A_217 : i32 to vector<16xi32>
            %parallel_loop3A_219 = arith.addi %parallel_loop3A_218, %iota3A : vector<16xi32>
            %parallel_loop3A_220 = arith.addi %parallel_loop3A_216, %parallel_loop3A_219 : vector<16xi32>
            %parallel_loop3A_221 = tpu.vector_load_idx %arg5[%parallel_loop3A_220] : memref<32768xf32, #tpu.memory_space<vmem>>[vector<16xi32>], vector<16xf32>,
            %parallel_loop3A_222 = arith.index_cast %parallel_loop3A_213 : i32 to index
            %parallel_loop3A_223 = arith.constant 0 : index
            %parallel_loop3A_224 = tpu.vector_load %arg9[%parallel_loop3A_222, %parallel_loop3A_223] {strides = array<i32>} : memref<64x64xf32, #tpu.memory_space<vmem>>, vector<16xf32>,
            tpu.vector_store %arg9[%parallel_loop3A_222, %parallel_loop3A_223], %parallel_loop3A_221 {strides = array<i32>} : memref<64x64xf32, #tpu.memory_space<vmem>>, vector<16xf32>,
            %parallel_loop3A_225 = arith.constant 16 : i32
            %parallel_loop3A_226 = vector.broadcast %parallel_loop3A_225 : i32 to vector<16xi32>
            %parallel_loop3A_227 = arith.addi %parallel_loop3A_226, %iota3A : vector<16xi32>
            %parallel_loop3A_228 = arith.addi %parallel_loop3A_216, %parallel_loop3A_227 : vector<16xi32>
            %parallel_loop3A_229 = tpu.vector_load_idx %arg5[%parallel_loop3A_228] : memref<32768xf32, #tpu.memory_space<vmem>>[vector<16xi32>], vector<16xf32>,
            %parallel_loop3A_230 = arith.index_cast %parallel_loop3A_213 : i32 to index
            %parallel_loop3A_231 = arith.constant 16 : index
            %parallel_loop3A_232 = tpu.vector_load %arg9[%parallel_loop3A_230, %parallel_loop3A_231] {strides = array<i32>} : memref<64x64xf32, #tpu.memory_space<vmem>>, vector<16xf32>,
            tpu.vector_store %arg9[%parallel_loop3A_230, %parallel_loop3A_231], %parallel_loop3A_229 {strides = array<i32>} : memref<64x64xf32, #tpu.memory_space<vmem>>, vector<16xf32>,
            %parallel_loop3A_233 = arith.addi %parallel_loop3A_216, %min3A : vector<16xi32>
            %parallel_loop3A_234 = tpu.vector_load_idx %arg5[%parallel_loop3A_233] : memref<32768xf32, #tpu.memory_space<vmem>>[vector<16xi32>], vector<16xf32>,
            %parallel_loop3A_235 = arith.mulf %parallel_loop3A_234, %select_n3A : vector<16xf32>
            %parallel_loop3A_236 = arith.index_cast %parallel_loop3A_213 : i32 to index
            %parallel_loop3A_237 = arith.constant 32 : index
            %parallel_loop3A_238 = tpu.vector_load %arg9[%parallel_loop3A_236, %parallel_loop3A_237] {strides = array<i32>} : memref<64x64xf32, #tpu.memory_space<vmem>>, vector<16xf32>,
            tpu.vector_store %arg9[%parallel_loop3A_236, %parallel_loop3A_237], %parallel_loop3A_235 {strides = array<i32>} : memref<64x64xf32, #tpu.memory_space<vmem>>, vector<16xf32>,
            %parallel_loop3A_239 = arith.index_cast %parallel_loop3A_213 : i32 to index
            %parallel_loop3A_240 = arith.constant 48 : index
            %parallel_loop3A_241 = tpu.vector_load %arg9[%parallel_loop3A_239, %parallel_loop3A_240] {strides = array<i32>} : memref<64x64xf32, #tpu.memory_space<vmem>>, vector<16xf32>,
            tpu.vector_store %arg9[%parallel_loop3A_239, %parallel_loop3A_240], %broadcast_in_dim3A_7 {strides = array<i32>} : memref<64x64xf32, #tpu.memory_space<vmem>>, vector<16xf32>,
          } {sc.loop_unroll_factor = 2 : i64, sc.parallel_access}
          %parallel_loop3A_211 = arith.constant 64 : i32
          %parallel_loop3A_212 = arith.constant 1 : i32
          scf.for %parallel_loop3A_213 = %reduce_max3A_176 to %parallel_loop3A_211 step %parallel_loop3A_212  : i32 {
            %parallel_loop3A_214 = arith.index_cast %parallel_loop3A_213 : i32 to index
            %parallel_loop3A_215 = arith.constant 0 : index
            %parallel_loop3A_216 = tpu.vector_load %arg9[%parallel_loop3A_214, %parallel_loop3A_215] {strides = array<i32>} : memref<64x64xf32, #tpu.memory_space<vmem>>, vector<16xf32>,
            tpu.vector_store %arg9[%parallel_loop3A_214, %parallel_loop3A_215], %broadcast_in_dim3A_7 {strides = array<i32>} : memref<64x64xf32, #tpu.memory_space<vmem>>, vector<16xf32>,
            %parallel_loop3A_217 = arith.index_cast %parallel_loop3A_213 : i32 to index
            %parallel_loop3A_218 = arith.constant 16 : index
            %parallel_loop3A_219 = tpu.vector_load %arg9[%parallel_loop3A_217, %parallel_loop3A_218] {strides = array<i32>} : memref<64x64xf32, #tpu.memory_space<vmem>>, vector<16xf32>,
            tpu.vector_store %arg9[%parallel_loop3A_217, %parallel_loop3A_218], %broadcast_in_dim3A_7 {strides = array<i32>} : memref<64x64xf32, #tpu.memory_space<vmem>>, vector<16xf32>,
            %parallel_loop3A_220 = arith.index_cast %parallel_loop3A_213 : i32 to index
            %parallel_loop3A_221 = arith.constant 32 : index
            %parallel_loop3A_222 = tpu.vector_load %arg9[%parallel_loop3A_220, %parallel_loop3A_221] {strides = array<i32>} : memref<64x64xf32, #tpu.memory_space<vmem>>, vector<16xf32>,
            tpu.vector_store %arg9[%parallel_loop3A_220, %parallel_loop3A_221], %broadcast_in_dim3A_7 {strides = array<i32>} : memref<64x64xf32, #tpu.memory_space<vmem>>, vector<16xf32>,
            %parallel_loop3A_223 = arith.index_cast %parallel_loop3A_213 : i32 to index
            %parallel_loop3A_224 = arith.constant 48 : index
            %parallel_loop3A_225 = tpu.vector_load %arg9[%parallel_loop3A_223, %parallel_loop3A_224] {strides = array<i32>} : memref<64x64xf32, #tpu.memory_space<vmem>>, vector<16xf32>,
            tpu.vector_store %arg9[%parallel_loop3A_223, %parallel_loop3A_224], %broadcast_in_dim3A_7 {strides = array<i32>} : memref<64x64xf32, #tpu.memory_space<vmem>>, vector<16xf32>,
          } {sc.loop_unroll_factor = 2 : i64, sc.parallel_access}
        }
      }
      %dma_start3A_187 = arith.constant 2 : i32
      %dma_start3A_188 = arith.constant 0 : i32
      %dma_start3A_189 = arith.constant 0 : i32
      %dma_start3A_190 = tpu.memref_slice %arg4[%add3A_47, %dma_start3A_187, %dma_start3A_188, %dma_start3A_189] : memref<512x3x64x64xf32, #tpu.memory_space<hbm>> -> memref<1x1x64x64xf32, #tpu.memory_space<hbm>>
      %dma_start3A_191 = tpu.memref_squeeze %dma_start3A_190 : memref<1x1x64x64xf32, #tpu.memory_space<hbm>> -> memref<64x64xf32, #tpu.memory_space<hbm>>
      %dma_start3A_192 = arith.constant 0 : i32
      %dma_start3A_193 = arith.constant 0 : i32
      %dma_start3A_194 = tpu.memref_slice %arg4[%add3A_47, %dma_start3A_187, %dma_start3A_192, %dma_start3A_193] : memref<512x3x64x64xf32, #tpu.memory_space<hbm>> -> memref<1x1x64x64xf32, #tpu.memory_space<hbm>>
      %dma_start3A_195 = tpu.memref_squeeze %dma_start3A_194 : memref<1x1x64x64xf32, #tpu.memory_space<hbm>> -> memref<64x64xf32, #tpu.memory_space<hbm>>
      tpu.enqueue_dma source(%arg9 : memref<64x64xf32, #tpu.memory_space<vmem>>) target(%dma_start3A_195 : memref<64x64xf32, #tpu.memory_space<hbm>>) target_semaphore(%arg12 : memref<!tpu.dma_semaphore, #tpu.memory_space<semaphore_mem>>)
    }
    %scan3A_12 = arith.constant 16 : i32
    %mul3A_13 = arith.constant 16 : i32
    %mul3A_14 = arith.muli %add3A, %mul3A_13 : i32
    %add3A_15 = arith.constant 16 : i32
    %add3A_16 = arith.addi %mul3A_14, %add3A_15 : i32
    %sub3A = arith.constant 1 : i32
    %sub3A_17 = arith.subi %add3A_16, %sub3A : i32
    %dma_wait3A = arith.constant 0 : i32
    %dma_wait3A_18 = arith.constant 0 : i32
    %dma_wait3A_19 = arith.constant 0 : i32
    %dma_wait3A_20 = tpu.memref_slice %arg4[%sub3A_17, %dma_wait3A, %dma_wait3A_18, %dma_wait3A_19] : memref<512x3x64x64xf32, #tpu.memory_space<hbm>> -> memref<1x1x64x64xf32, #tpu.memory_space<hbm>>
    %dma_wait3A_21 = tpu.memref_squeeze %dma_wait3A_20 : memref<1x1x64x64xf32, #tpu.memory_space<hbm>> -> memref<64x64xf32, #tpu.memory_space<hbm>>
    %dma_wait3A_22 = arith.constant 0 : i32
    %dma_wait3A_23 = arith.constant 0 : i32
    %dma_wait3A_24 = tpu.memref_slice %arg4[%sub3A_17, %dma_wait3A, %dma_wait3A_22, %dma_wait3A_23] : memref<512x3x64x64xf32, #tpu.memory_space<hbm>> -> memref<1x1x64x64xf32, #tpu.memory_space<hbm>>
    %dma_wait3A_25 = tpu.memref_squeeze %dma_wait3A_24 : memref<1x1x64x64xf32, #tpu.memory_space<hbm>> -> memref<64x64xf32, #tpu.memory_space<hbm>>
    tpu.wait_dma2 semaphore(%arg10 : memref<!tpu.dma_semaphore, #tpu.memory_space<semaphore_mem>>) src(%arg7 : memref<64x64xf32, #tpu.memory_space<vmem>>) dst(%dma_wait3A_25 : memref<64x64xf32, #tpu.memory_space<hbm>>)
    %dma_wait3A_26 = arith.constant 1 : i32
    %dma_wait3A_27 = arith.constant 0 : i32
    %dma_wait3A_28 = arith.constant 0 : i32
    %dma_wait3A_29 = tpu.memref_slice %arg4[%sub3A_17, %dma_wait3A_26, %dma_wait3A_27, %dma_wait3A_28] : memref<512x3x64x64xf32, #tpu.memory_space<hbm>> -> memref<1x1x64x64xf32, #tpu.memory_space<hbm>>
    %dma_wait3A_30 = tpu.memref_squeeze %dma_wait3A_29 : memref<1x1x64x64xf32, #tpu.memory_space<hbm>> -> memref<64x64xf32, #tpu.memory_space<hbm>>
    %dma_wait3A_31 = arith.constant 0 : i32
    %dma_wait3A_32 = arith.constant 0 : i32
    %dma_wait3A_33 = tpu.memref_slice %arg4[%sub3A_17, %dma_wait3A_26, %dma_wait3A_31, %dma_wait3A_32] : memref<512x3x64x64xf32, #tpu.memory_space<hbm>> -> memref<1x1x64x64xf32, #tpu.memory_space<hbm>>
    %dma_wait3A_34 = tpu.memref_squeeze %dma_wait3A_33 : memref<1x1x64x64xf32, #tpu.memory_space<hbm>> -> memref<64x64xf32, #tpu.memory_space<hbm>>
    tpu.wait_dma2 semaphore(%arg11 : memref<!tpu.dma_semaphore, #tpu.memory_space<semaphore_mem>>) src(%arg8 : memref<64x64xf32, #tpu.memory_space<vmem>>) dst(%dma_wait3A_34 : memref<64x64xf32, #tpu.memory_space<hbm>>)
    %dma_wait3A_35 = arith.constant 2 : i32
    %dma_wait3A_36 = arith.constant 0 : i32
    %dma_wait3A_37 = arith.constant 0 : i32
    %dma_wait3A_38 = tpu.memref_slice %arg4[%sub3A_17, %dma_wait3A_35, %dma_wait3A_36, %dma_wait3A_37] : memref<512x3x64x64xf32, #tpu.memory_space<hbm>> -> memref<1x1x64x64xf32, #tpu.memory_space<hbm>>
    %dma_wait3A_39 = tpu.memref_squeeze %dma_wait3A_38 : memref<1x1x64x64xf32, #tpu.memory_space<hbm>> -> memref<64x64xf32, #tpu.memory_space<hbm>>
    %dma_wait3A_40 = arith.constant 0 : i32
    %dma_wait3A_41 = arith.constant 0 : i32
    %dma_wait3A_42 = tpu.memref_slice %arg4[%sub3A_17, %dma_wait3A_35, %dma_wait3A_40, %dma_wait3A_41] : memref<512x3x64x64xf32, #tpu.memory_space<hbm>> -> memref<1x1x64x64xf32, #tpu.memory_space<hbm>>
    %dma_wait3A_43 = tpu.memref_squeeze %dma_wait3A_42 : memref<1x1x64x64xf32, #tpu.memory_space<hbm>> -> memref<64x64xf32, #tpu.memory_space<hbm>>
    tpu.wait_dma2 semaphore(%arg12 : memref<!tpu.dma_semaphore, #tpu.memory_space<semaphore_mem>>) src(%arg9 : memref<64x64xf32, #tpu.memory_space<vmem>>) dst(%dma_wait3A_43 : memref<64x64xf32, #tpu.memory_space<hbm>>)
    return
  }
}

module attributes {stable_mosaic.version = 14 : i64} {
  func.func @_spec_body(%arg0: i32, %arg1: memref<512x2048xf32, #tpu.memory_space<vmem>>, %arg2: memref<2048x2048xbf16, #tpu.memory_space<vmem>>, %arg3: memref<2048x2048xbf16, #tpu.memory_space<vmem>>, %arg4: memref<512x128xf32, #tpu.memory_space<vmem>>, %arg5: memref<512x256xi32, #tpu.memory_space<vmem>>) attributes {dimension_semantics = [#tpu.dimension_semantics<arbitrary>], iteration_bounds = array<i64: 1>, scalar_prefetch = 0 : i64, scratch_operands = 0 : i64, tpu.core_type = #tpu.core_type<tc>, window_params = [{pipeline_mode = #tpu.pipeline_mode<synchronous>, transform_indices = @transform_0, window_bounds = array<i64: 512, 2048>}, {pipeline_mode = #tpu.pipeline_mode<synchronous>, transform_indices = @transform_1, window_bounds = array<i64: 2048, 2048>}, {pipeline_mode = #tpu.pipeline_mode<synchronous>, transform_indices = @transform_2, window_bounds = array<i64: 2048, 2048>}, {pipeline_mode = #tpu.pipeline_mode<synchronous>, transform_indices = @transform_3, window_bounds = array<i64: 512, 128>}, {pipeline_mode = #tpu.pipeline_mode<synchronous>, transform_indices = @transform_4, window_bounds = array<i64: 512, 256>}]} {
    %get3A = arith.constant 0 : index
    %get3A_0 = arith.constant 0 : index
    %get3A_1 = vector.load %arg1[%get3A, %get3A_0] : memref<512x2048xf32, #tpu.memory_space<vmem>>, vector<512x2048xf32>
    %convert_element_type3A = arith.truncf %get3A_1 : vector<512x2048xf32> to vector<512x2048xbf16>
    %convert_element_type3A_2 = arith.extf %convert_element_type3A : vector<512x2048xbf16> to vector<512x2048xf32>
    %sub3A = arith.subf %get3A_1, %convert_element_type3A_2 : vector<512x2048xf32>
    %convert_element_type3A_3 = arith.truncf %sub3A : vector<512x2048xf32> to vector<512x2048xbf16>
    %get3A_4 = arith.constant 0 : index
    %get3A_5 = arith.constant 0 : index
    %get3A_6 = vector.load %arg2[%get3A_4, %get3A_5] : memref<2048x2048xbf16, #tpu.memory_space<vmem>>, vector<2048x2048xbf16>
    %dot_general3A = arith.constant dense<0.000000e+00> : vector<512x2048xf32>
    %dot_general3A_7 = tpu.matmul %convert_element_type3A, %get3A_6, %dot_general3A {dimension_numbers = #tpu.dot_dimension_numbers<[1], [0], [0], [1], [0, 0, 1, 1], [], []>, transpose_lhs_hint = false} : vector<512x2048xbf16>, vector<2048x2048xbf16>, vector<512x2048xf32> -> vector<512x2048xf32>
    %get3A_8 = arith.constant 0 : index
    %get3A_9 = arith.constant 0 : index
    %get3A_10 = vector.load %arg3[%get3A_8, %get3A_9] : memref<2048x2048xbf16, #tpu.memory_space<vmem>>, vector<2048x2048xbf16>
    %dot_general3A_11 = arith.constant dense<0.000000e+00> : vector<512x2048xf32>
    %dot_general3A_12 = tpu.matmul %convert_element_type3A, %get3A_10, %dot_general3A_11 {dimension_numbers = #tpu.dot_dimension_numbers<[1], [0], [0], [1], [0, 0, 1, 1], [], []>, transpose_lhs_hint = false} : vector<512x2048xbf16>, vector<2048x2048xbf16>, vector<512x2048xf32> -> vector<512x2048xf32>
    %add3A = arith.addf %dot_general3A_7, %dot_general3A_12 : vector<512x2048xf32>
    %dot_general3A_13 = arith.constant dense<0.000000e+00> : vector<512x2048xf32>
    %dot_general3A_14 = tpu.matmul %convert_element_type3A_3, %get3A_6, %dot_general3A_13 {dimension_numbers = #tpu.dot_dimension_numbers<[1], [0], [0], [1], [0, 0, 1, 1], [], []>, transpose_lhs_hint = false} : vector<512x2048xbf16>, vector<2048x2048xbf16>, vector<512x2048xf32> -> vector<512x2048xf32>
    %add3A_15 = arith.addf %add3A, %dot_general3A_14 : vector<512x2048xf32>
    %slice3A = vector.extract_strided_slice %add3A_15 {offsets = [0, 0], sizes = [512, 1024], strides = [1, 1]} : vector<512x2048xf32> to vector<512x1024xf32>
    %slice3A_16 = vector.extract_strided_slice %add3A_15 {offsets = [0, 1024], sizes = [512, 1024], strides = [1, 1]} : vector<512x2048xf32> to vector<512x1024xf32>
    %mul3A = arith.mulf %slice3A, %slice3A : vector<512x1024xf32>
    %mul3A_17 = arith.mulf %slice3A_16, %slice3A_16 : vector<512x1024xf32>
    %add3A_18 = arith.addf %mul3A, %mul3A_17 : vector<512x1024xf32>
    %iota3A = tpu.iota {dimensions = array<i32: 1>} : vector<512x1024xi32>
    %reduce_max3A = arith.constant dense<0xFF800000> : vector<512xf32>
    %reduce_max3A_19 = vector.multi_reduction <maximumf>, %add3A_18, %reduce_max3A [1] : vector<512x1024xf32> to vector<512xf32>
    %broadcast_in_dim3A = vector.shape_cast %reduce_max3A_19 : vector<512xf32> to vector<512x1xf32>
    %eq3A = vector.broadcast %broadcast_in_dim3A : vector<512x1xf32> to vector<512x1024xf32>
    %eq3A_20 = arith.cmpf oeq, %add3A_18, %eq3A : vector<512x1024xf32>
    %jit3A = arith.constant 2048 : i32
    %broadcast_in_dim3A_21 = vector.broadcast %jit3A : i32 to vector<512x1024xi32>
    %select_n3A = arith.select %eq3A_20, %iota3A, %broadcast_in_dim3A_21 : vector<512x1024xi1>, vector<512x1024xi32>
    %reduce_min3A = arith.constant dense<2147483647> : vector<512xi32>
    %reduce_min3A_22 = vector.multi_reduction <minsi>, %select_n3A, %reduce_min3A [1] : vector<512x1024xi32> to vector<512xi32>
    %broadcast_in_dim3A_23 = vector.shape_cast %reduce_min3A_22 : vector<512xi32> to vector<512x1xi32>
    %eq3A_24 = vector.broadcast %broadcast_in_dim3A_23 : vector<512x1xi32> to vector<512x1024xi32>
    %eq3A_25 = arith.cmpi eq, %iota3A, %eq3A_24 : vector<512x1024xi32>
    %jit3A_26 = arith.constant -1.000000e+00 : f32
    %broadcast_in_dim3A_27 = vector.broadcast %jit3A_26 : f32 to vector<512x1024xf32>
    %select_n3A_28 = arith.select %eq3A_25, %broadcast_in_dim3A_27, %add3A_18 : vector<512x1024xi1>, vector<512x1024xf32>
    %reduce_max3A_29 = arith.constant dense<0xFF800000> : vector<512xf32>
    %reduce_max3A_30 = vector.multi_reduction <maximumf>, %select_n3A_28, %reduce_max3A_29 [1] : vector<512x1024xf32> to vector<512xf32>
    %broadcast_in_dim3A_31 = vector.shape_cast %reduce_max3A_30 : vector<512xf32> to vector<512x1xf32>
    %eq3A_32 = vector.broadcast %broadcast_in_dim3A_31 : vector<512x1xf32> to vector<512x1024xf32>
    %eq3A_33 = arith.cmpf oeq, %select_n3A_28, %eq3A_32 : vector<512x1024xf32>
    %jit3A_34 = arith.constant 2048 : i32
    %broadcast_in_dim3A_35 = vector.broadcast %jit3A_34 : i32 to vector<512x1024xi32>
    %select_n3A_36 = arith.select %eq3A_33, %iota3A, %broadcast_in_dim3A_35 : vector<512x1024xi1>, vector<512x1024xi32>
    %reduce_min3A_37 = arith.constant dense<2147483647> : vector<512xi32>
    %reduce_min3A_38 = vector.multi_reduction <minsi>, %select_n3A_36, %reduce_min3A_37 [1] : vector<512x1024xi32> to vector<512xi32>
    %broadcast_in_dim3A_39 = vector.shape_cast %reduce_min3A_38 : vector<512xi32> to vector<512x1xi32>
    %eq3A_40 = vector.broadcast %broadcast_in_dim3A_39 : vector<512x1xi32> to vector<512x1024xi32>
    %eq3A_41 = arith.cmpi eq, %iota3A, %eq3A_40 : vector<512x1024xi32>
    %jit3A_42 = arith.constant -1.000000e+00 : f32
    %broadcast_in_dim3A_43 = vector.broadcast %jit3A_42 : f32 to vector<512x1024xf32>
    %select_n3A_44 = arith.select %eq3A_41, %broadcast_in_dim3A_43, %select_n3A_28 : vector<512x1024xi1>, vector<512x1024xf32>
    %reduce_max3A_45 = arith.constant dense<0xFF800000> : vector<512xf32>
    %reduce_max3A_46 = vector.multi_reduction <maximumf>, %select_n3A_44, %reduce_max3A_45 [1] : vector<512x1024xf32> to vector<512xf32>
    %broadcast_in_dim3A_47 = vector.shape_cast %reduce_max3A_46 : vector<512xf32> to vector<512x1xf32>
    %eq3A_48 = vector.broadcast %broadcast_in_dim3A_47 : vector<512x1xf32> to vector<512x1024xf32>
    %eq3A_49 = arith.cmpf oeq, %select_n3A_44, %eq3A_48 : vector<512x1024xf32>
    %jit3A_50 = arith.constant 2048 : i32
    %broadcast_in_dim3A_51 = vector.broadcast %jit3A_50 : i32 to vector<512x1024xi32>
    %select_n3A_52 = arith.select %eq3A_49, %iota3A, %broadcast_in_dim3A_51 : vector<512x1024xi1>, vector<512x1024xi32>
    %reduce_min3A_53 = arith.constant dense<2147483647> : vector<512xi32>
    %reduce_min3A_54 = vector.multi_reduction <minsi>, %select_n3A_52, %reduce_min3A_53 [1] : vector<512x1024xi32> to vector<512xi32>
    %broadcast_in_dim3A_55 = vector.shape_cast %reduce_min3A_54 : vector<512xi32> to vector<512x1xi32>
    %iota3A_56 = tpu.iota {dimensions = array<i32: 1>} : vector<512x128xi32>
    %iota3A_57 = tpu.iota {dimensions = array<i32: 1>} : vector<512x256xi32>
    %broadcast_in_dim3A_58 = arith.constant 0.000000e+00 : f32
    %broadcast_in_dim3A_59 = vector.broadcast %broadcast_in_dim3A_58 : f32 to vector<512x128xf32>
    %broadcast_in_dim3A_60 = arith.constant 0 : i32
    %broadcast_in_dim3A_61 = vector.broadcast %broadcast_in_dim3A_60 : i32 to vector<512x256xi32>
    %add3A_62 = arith.constant 1 : i32
    %add3A_63 = vector.broadcast %add3A_62 : i32 to vector<512x1xi32>
    %add3A_64 = arith.addi %broadcast_in_dim3A_23, %add3A_63 : vector<512x1xi32>
    %sqrt3A = math.sqrt %broadcast_in_dim3A : vector<512x1xf32>
    %convert_element_type3A_65 = arith.sitofp %add3A_64 : vector<512x1xi32> to vector<512x1xf32>
    %div3A = arith.constant 2.048000e+03 : f32
    %div3A_66 = vector.broadcast %div3A : f32 to vector<512x1xf32>
    %div3A_67 = arith.divf %div3A_66, %convert_element_type3A_65 : vector<512x1xf32>
    %floor3A = math.floor %div3A_67 : vector<512x1xf32>
    %convert_element_type3A_68 = arith.fptosi %floor3A : vector<512x1xf32> to vector<512x1xi32>
    %jit3A_69 = arith.constant 32 : i32
    %jit3A_70 = arith.constant 64 : i32
    %max3A = vector.broadcast %jit3A_69 : i32 to vector<512x1xi32>
    %max3A_71 = arith.maxsi %max3A, %convert_element_type3A_68 : vector<512x1xi32>
    %min3A = vector.broadcast %jit3A_70 : i32 to vector<512x1xi32>
    %min3A_72 = arith.minsi %min3A, %max3A_71 : vector<512x1xi32>
    %convert_element_type3A_73 = arith.sitofp %min3A_72 : vector<512x1xi32> to vector<512x1xf32>
    %div3A_74 = arith.constant 2.048000e+03 : f32
    %div3A_75 = vector.broadcast %div3A_74 : f32 to vector<512x1xf32>
    %div3A_76 = arith.divf %div3A_75, %convert_element_type3A_73 : vector<512x1xf32>
    %floor3A_77 = math.floor %div3A_76 : vector<512x1xf32>
    %convert_element_type3A_78 = arith.fptosi %floor3A_77 : vector<512x1xf32> to vector<512x1xi32>
    %mul3A_79 = arith.muli %convert_element_type3A_78, %min3A_72 : vector<512x1xi32>
    %sub3A_80 = arith.constant 2048 : i32
    %sub3A_81 = vector.broadcast %sub3A_80 : i32 to vector<512x1xi32>
    %sub3A_82 = arith.subi %sub3A_81, %mul3A_79 : vector<512x1xi32>
    %eq3A_83 = arith.constant 0 : i32
    %eq3A_84 = vector.broadcast %eq3A_83 : i32 to vector<512x128xi32>
    %eq3A_85 = arith.cmpi eq, %iota3A_56, %eq3A_84 : vector<512x128xi32>
    %broadcast_in_dim3A_86 = vector.shape_cast %sqrt3A : vector<512x1xf32> to vector<512x1xf32>
    %broadcast_in_dim3A_87 = vector.broadcast %broadcast_in_dim3A_86 : vector<512x1xf32> to vector<512x128xf32>
    %select_n3A_88 = arith.select %eq3A_85, %broadcast_in_dim3A_87, %broadcast_in_dim3A_59 : vector<512x128xi1>, vector<512x128xf32>
    %sub3A_89 = arith.constant 0 : i32
    %sub3A_90 = vector.broadcast %sub3A_89 : i32 to vector<512x256xi32>
    %sub3A_91 = arith.subi %iota3A_57, %sub3A_90 : vector<512x256xi32>
    %ge3A = arith.constant 0 : i32
    %ge3A_92 = vector.broadcast %ge3A : i32 to vector<512x256xi32>
    %ge3A_93 = arith.cmpi sge, %sub3A_91, %ge3A_92 : vector<512x256xi32>
    %lt3A = arith.constant 16 : i32
    %lt3A_94 = vector.broadcast %lt3A : i32 to vector<512x256xi32>
    %lt3A_95 = arith.cmpi slt, %sub3A_91, %lt3A_94 : vector<512x256xi32>
    %and3A = arith.andi %ge3A_93, %lt3A_95 : vector<512x256xi1>
    %broadcast_in_dim3A_96 = vector.shape_cast %min3A_72 : vector<512x1xi32> to vector<512x1xi32>
    %broadcast_in_dim3A_97 = vector.broadcast %broadcast_in_dim3A_96 : vector<512x1xi32> to vector<512x256xi32>
    %select_n3A_98 = arith.select %and3A, %broadcast_in_dim3A_97, %broadcast_in_dim3A_61 : vector<512x256xi1>, vector<512x256xi32>
    %ge3A_99 = arith.constant 16 : i32
    %ge3A_100 = vector.broadcast %ge3A_99 : i32 to vector<512x256xi32>
    %ge3A_101 = arith.cmpi sge, %sub3A_91, %ge3A_100 : vector<512x256xi32>
    %lt3A_102 = arith.constant 32 : i32
    %lt3A_103 = vector.broadcast %lt3A_102 : i32 to vector<512x256xi32>
    %lt3A_104 = arith.cmpi slt, %sub3A_91, %lt3A_103 : vector<512x256xi32>
    %and3A_105 = arith.andi %ge3A_101, %lt3A_104 : vector<512x256xi1>
    %broadcast_in_dim3A_106 = vector.shape_cast %sub3A_82 : vector<512x1xi32> to vector<512x1xi32>
    %broadcast_in_dim3A_107 = vector.broadcast %broadcast_in_dim3A_106 : vector<512x1xi32> to vector<512x256xi32>
    %select_n3A_108 = arith.select %and3A_105, %broadcast_in_dim3A_107, %select_n3A_98 : vector<512x256xi1>, vector<512x256xi32>
    %ge3A_109 = arith.constant 32 : i32
    %ge3A_110 = vector.broadcast %ge3A_109 : i32 to vector<512x256xi32>
    %ge3A_111 = arith.cmpi sge, %sub3A_91, %ge3A_110 : vector<512x256xi32>
    %lt3A_112 = arith.constant 48 : i32
    %lt3A_113 = vector.broadcast %lt3A_112 : i32 to vector<512x256xi32>
    %lt3A_114 = arith.cmpi slt, %sub3A_91, %lt3A_113 : vector<512x256xi32>
    %and3A_115 = arith.andi %ge3A_111, %lt3A_114 : vector<512x256xi1>
    %broadcast_in_dim3A_116 = vector.shape_cast %convert_element_type3A_78 : vector<512x1xi32> to vector<512x1xi32>
    %broadcast_in_dim3A_117 = vector.broadcast %broadcast_in_dim3A_116 : vector<512x1xi32> to vector<512x256xi32>
    %select_n3A_118 = arith.select %and3A_115, %broadcast_in_dim3A_117, %select_n3A_108 : vector<512x256xi1>, vector<512x256xi32>
    %add3A_119 = arith.constant 1 : i32
    %add3A_120 = vector.broadcast %add3A_119 : i32 to vector<512x1xi32>
    %add3A_121 = arith.addi %broadcast_in_dim3A_39, %add3A_120 : vector<512x1xi32>
    %sqrt3A_122 = math.sqrt %broadcast_in_dim3A_31 : vector<512x1xf32>
    %convert_element_type3A_123 = arith.sitofp %add3A_121 : vector<512x1xi32> to vector<512x1xf32>
    %div3A_124 = arith.constant 2.048000e+03 : f32
    %div3A_125 = vector.broadcast %div3A_124 : f32 to vector<512x1xf32>
    %div3A_126 = arith.divf %div3A_125, %convert_element_type3A_123 : vector<512x1xf32>
    %floor3A_127 = math.floor %div3A_126 : vector<512x1xf32>
    %convert_element_type3A_128 = arith.fptosi %floor3A_127 : vector<512x1xf32> to vector<512x1xi32>
    %jit3A_129 = arith.constant 32 : i32
    %jit3A_130 = arith.constant 64 : i32
    %max3A_131 = vector.broadcast %jit3A_129 : i32 to vector<512x1xi32>
    %max3A_132 = arith.maxsi %max3A_131, %convert_element_type3A_128 : vector<512x1xi32>
    %min3A_133 = vector.broadcast %jit3A_130 : i32 to vector<512x1xi32>
    %min3A_134 = arith.minsi %min3A_133, %max3A_132 : vector<512x1xi32>
    %convert_element_type3A_135 = arith.sitofp %min3A_134 : vector<512x1xi32> to vector<512x1xf32>
    %div3A_136 = arith.constant 2.048000e+03 : f32
    %div3A_137 = vector.broadcast %div3A_136 : f32 to vector<512x1xf32>
    %div3A_138 = arith.divf %div3A_137, %convert_element_type3A_135 : vector<512x1xf32>
    %floor3A_139 = math.floor %div3A_138 : vector<512x1xf32>
    %convert_element_type3A_140 = arith.fptosi %floor3A_139 : vector<512x1xf32> to vector<512x1xi32>
    %mul3A_141 = arith.muli %convert_element_type3A_140, %min3A_134 : vector<512x1xi32>
    %sub3A_142 = arith.constant 2048 : i32
    %sub3A_143 = vector.broadcast %sub3A_142 : i32 to vector<512x1xi32>
    %sub3A_144 = arith.subi %sub3A_143, %mul3A_141 : vector<512x1xi32>
    %eq3A_145 = arith.constant 1 : i32
    %eq3A_146 = vector.broadcast %eq3A_145 : i32 to vector<512x128xi32>
    %eq3A_147 = arith.cmpi eq, %iota3A_56, %eq3A_146 : vector<512x128xi32>
    %broadcast_in_dim3A_148 = vector.shape_cast %sqrt3A_122 : vector<512x1xf32> to vector<512x1xf32>
    %broadcast_in_dim3A_149 = vector.broadcast %broadcast_in_dim3A_148 : vector<512x1xf32> to vector<512x128xf32>
    %select_n3A_150 = arith.select %eq3A_147, %broadcast_in_dim3A_149, %select_n3A_88 : vector<512x128xi1>, vector<512x128xf32>
    %sub3A_151 = arith.constant 48 : i32
    %sub3A_152 = vector.broadcast %sub3A_151 : i32 to vector<512x256xi32>
    %sub3A_153 = arith.subi %iota3A_57, %sub3A_152 : vector<512x256xi32>
    %ge3A_154 = arith.constant 0 : i32
    %ge3A_155 = vector.broadcast %ge3A_154 : i32 to vector<512x256xi32>
    %ge3A_156 = arith.cmpi sge, %sub3A_153, %ge3A_155 : vector<512x256xi32>
    %lt3A_157 = arith.constant 16 : i32
    %lt3A_158 = vector.broadcast %lt3A_157 : i32 to vector<512x256xi32>
    %lt3A_159 = arith.cmpi slt, %sub3A_153, %lt3A_158 : vector<512x256xi32>
    %and3A_160 = arith.andi %ge3A_156, %lt3A_159 : vector<512x256xi1>
    %broadcast_in_dim3A_161 = vector.shape_cast %min3A_134 : vector<512x1xi32> to vector<512x1xi32>
    %broadcast_in_dim3A_162 = vector.broadcast %broadcast_in_dim3A_161 : vector<512x1xi32> to vector<512x256xi32>
    %select_n3A_163 = arith.select %and3A_160, %broadcast_in_dim3A_162, %select_n3A_118 : vector<512x256xi1>, vector<512x256xi32>
    %ge3A_164 = arith.constant 16 : i32
    %ge3A_165 = vector.broadcast %ge3A_164 : i32 to vector<512x256xi32>
    %ge3A_166 = arith.cmpi sge, %sub3A_153, %ge3A_165 : vector<512x256xi32>
    %lt3A_167 = arith.constant 32 : i32
    %lt3A_168 = vector.broadcast %lt3A_167 : i32 to vector<512x256xi32>
    %lt3A_169 = arith.cmpi slt, %sub3A_153, %lt3A_168 : vector<512x256xi32>
    %and3A_170 = arith.andi %ge3A_166, %lt3A_169 : vector<512x256xi1>
    %broadcast_in_dim3A_171 = vector.shape_cast %sub3A_144 : vector<512x1xi32> to vector<512x1xi32>
    %broadcast_in_dim3A_172 = vector.broadcast %broadcast_in_dim3A_171 : vector<512x1xi32> to vector<512x256xi32>
    %select_n3A_173 = arith.select %and3A_170, %broadcast_in_dim3A_172, %select_n3A_163 : vector<512x256xi1>, vector<512x256xi32>
    %ge3A_174 = arith.constant 32 : i32
    %ge3A_175 = vector.broadcast %ge3A_174 : i32 to vector<512x256xi32>
    %ge3A_176 = arith.cmpi sge, %sub3A_153, %ge3A_175 : vector<512x256xi32>
    %lt3A_177 = arith.constant 48 : i32
    %lt3A_178 = vector.broadcast %lt3A_177 : i32 to vector<512x256xi32>
    %lt3A_179 = arith.cmpi slt, %sub3A_153, %lt3A_178 : vector<512x256xi32>
    %and3A_180 = arith.andi %ge3A_176, %lt3A_179 : vector<512x256xi1>
    %broadcast_in_dim3A_181 = vector.shape_cast %convert_element_type3A_140 : vector<512x1xi32> to vector<512x1xi32>
    %broadcast_in_dim3A_182 = vector.broadcast %broadcast_in_dim3A_181 : vector<512x1xi32> to vector<512x256xi32>
    %select_n3A_183 = arith.select %and3A_180, %broadcast_in_dim3A_182, %select_n3A_173 : vector<512x256xi1>, vector<512x256xi32>
    %add3A_184 = arith.constant 1 : i32
    %add3A_185 = vector.broadcast %add3A_184 : i32 to vector<512x1xi32>
    %add3A_186 = arith.addi %broadcast_in_dim3A_55, %add3A_185 : vector<512x1xi32>
    %sqrt3A_187 = math.sqrt %broadcast_in_dim3A_47 : vector<512x1xf32>
    %convert_element_type3A_188 = arith.sitofp %add3A_186 : vector<512x1xi32> to vector<512x1xf32>
    %div3A_189 = arith.constant 2.048000e+03 : f32
    %div3A_190 = vector.broadcast %div3A_189 : f32 to vector<512x1xf32>
    %div3A_191 = arith.divf %div3A_190, %convert_element_type3A_188 : vector<512x1xf32>
    %floor3A_192 = math.floor %div3A_191 : vector<512x1xf32>
    %convert_element_type3A_193 = arith.fptosi %floor3A_192 : vector<512x1xf32> to vector<512x1xi32>
    %jit3A_194 = arith.constant 32 : i32
    %jit3A_195 = arith.constant 64 : i32
    %max3A_196 = vector.broadcast %jit3A_194 : i32 to vector<512x1xi32>
    %max3A_197 = arith.maxsi %max3A_196, %convert_element_type3A_193 : vector<512x1xi32>
    %min3A_198 = vector.broadcast %jit3A_195 : i32 to vector<512x1xi32>
    %min3A_199 = arith.minsi %min3A_198, %max3A_197 : vector<512x1xi32>
    %convert_element_type3A_200 = arith.sitofp %min3A_199 : vector<512x1xi32> to vector<512x1xf32>
    %div3A_201 = arith.constant 2.048000e+03 : f32
    %div3A_202 = vector.broadcast %div3A_201 : f32 to vector<512x1xf32>
    %div3A_203 = arith.divf %div3A_202, %convert_element_type3A_200 : vector<512x1xf32>
    %floor3A_204 = math.floor %div3A_203 : vector<512x1xf32>
    %convert_element_type3A_205 = arith.fptosi %floor3A_204 : vector<512x1xf32> to vector<512x1xi32>
    %mul3A_206 = arith.muli %convert_element_type3A_205, %min3A_199 : vector<512x1xi32>
    %sub3A_207 = arith.constant 2048 : i32
    %sub3A_208 = vector.broadcast %sub3A_207 : i32 to vector<512x1xi32>
    %sub3A_209 = arith.subi %sub3A_208, %mul3A_206 : vector<512x1xi32>
    %eq3A_210 = arith.constant 2 : i32
    %eq3A_211 = vector.broadcast %eq3A_210 : i32 to vector<512x128xi32>
    %eq3A_212 = arith.cmpi eq, %iota3A_56, %eq3A_211 : vector<512x128xi32>
    %broadcast_in_dim3A_213 = vector.shape_cast %sqrt3A_187 : vector<512x1xf32> to vector<512x1xf32>
    %broadcast_in_dim3A_214 = vector.broadcast %broadcast_in_dim3A_213 : vector<512x1xf32> to vector<512x128xf32>
    %select_n3A_215 = arith.select %eq3A_212, %broadcast_in_dim3A_214, %select_n3A_150 : vector<512x128xi1>, vector<512x128xf32>
    %sub3A_216 = arith.constant 96 : i32
    %sub3A_217 = vector.broadcast %sub3A_216 : i32 to vector<512x256xi32>
    %sub3A_218 = arith.subi %iota3A_57, %sub3A_217 : vector<512x256xi32>
    %ge3A_219 = arith.constant 0 : i32
    %ge3A_220 = vector.broadcast %ge3A_219 : i32 to vector<512x256xi32>
    %ge3A_221 = arith.cmpi sge, %sub3A_218, %ge3A_220 : vector<512x256xi32>
    %lt3A_222 = arith.constant 16 : i32
    %lt3A_223 = vector.broadcast %lt3A_222 : i32 to vector<512x256xi32>
    %lt3A_224 = arith.cmpi slt, %sub3A_218, %lt3A_223 : vector<512x256xi32>
    %and3A_225 = arith.andi %ge3A_221, %lt3A_224 : vector<512x256xi1>
    %broadcast_in_dim3A_226 = vector.shape_cast %min3A_199 : vector<512x1xi32> to vector<512x1xi32>
    %broadcast_in_dim3A_227 = vector.broadcast %broadcast_in_dim3A_226 : vector<512x1xi32> to vector<512x256xi32>
    %select_n3A_228 = arith.select %and3A_225, %broadcast_in_dim3A_227, %select_n3A_183 : vector<512x256xi1>, vector<512x256xi32>
    %ge3A_229 = arith.constant 16 : i32
    %ge3A_230 = vector.broadcast %ge3A_229 : i32 to vector<512x256xi32>
    %ge3A_231 = arith.cmpi sge, %sub3A_218, %ge3A_230 : vector<512x256xi32>
    %lt3A_232 = arith.constant 32 : i32
    %lt3A_233 = vector.broadcast %lt3A_232 : i32 to vector<512x256xi32>
    %lt3A_234 = arith.cmpi slt, %sub3A_218, %lt3A_233 : vector<512x256xi32>
    %and3A_235 = arith.andi %ge3A_231, %lt3A_234 : vector<512x256xi1>
    %broadcast_in_dim3A_236 = vector.shape_cast %sub3A_209 : vector<512x1xi32> to vector<512x1xi32>
    %broadcast_in_dim3A_237 = vector.broadcast %broadcast_in_dim3A_236 : vector<512x1xi32> to vector<512x256xi32>
    %select_n3A_238 = arith.select %and3A_235, %broadcast_in_dim3A_237, %select_n3A_228 : vector<512x256xi1>, vector<512x256xi32>
    %ge3A_239 = arith.constant 32 : i32
    %ge3A_240 = vector.broadcast %ge3A_239 : i32 to vector<512x256xi32>
    %ge3A_241 = arith.cmpi sge, %sub3A_218, %ge3A_240 : vector<512x256xi32>
    %lt3A_242 = arith.constant 48 : i32
    %lt3A_243 = vector.broadcast %lt3A_242 : i32 to vector<512x256xi32>
    %lt3A_244 = arith.cmpi slt, %sub3A_218, %lt3A_243 : vector<512x256xi32>
    %and3A_245 = arith.andi %ge3A_241, %lt3A_244 : vector<512x256xi1>
    %broadcast_in_dim3A_246 = vector.shape_cast %convert_element_type3A_205 : vector<512x1xi32> to vector<512x1xi32>
    %broadcast_in_dim3A_247 = vector.broadcast %broadcast_in_dim3A_246 : vector<512x1xi32> to vector<512x256xi32>
    %select_n3A_248 = arith.select %and3A_245, %broadcast_in_dim3A_247, %select_n3A_238 : vector<512x256xi1>, vector<512x256xi32>
    %swap3A = arith.constant 0 : index
    %swap3A_249 = arith.constant 0 : index
    %swap3A_250 = vector.load %arg4[%swap3A, %swap3A_249] : memref<512x128xf32, #tpu.memory_space<vmem>>, vector<512x128xf32>
    tpu.vector_store %arg4[%swap3A, %swap3A_249], %select_n3A_215 {strides = array<i32>} : memref<512x128xf32, #tpu.memory_space<vmem>>, vector<512x128xf32>,
    %swap3A_251 = arith.constant 0 : index
    %swap3A_252 = arith.constant 0 : index
    %swap3A_253 = vector.load %arg5[%swap3A_251, %swap3A_252] : memref<512x256xi32, #tpu.memory_space<vmem>>, vector<512x256xi32>
    tpu.vector_store %arg5[%swap3A_251, %swap3A_252], %select_n3A_248 {strides = array<i32>} : memref<512x256xi32, #tpu.memory_space<vmem>>, vector<512x256xi32>,
    return
  }
  func.func @transform_0(%arg0: i32) -> (i32, i32) {
    %c0_i32 = arith.constant 0 : i32
    %c0_i32_0 = arith.constant 0 : i32
    %c0_i32_1 = arith.constant 0 : i32
    return %c0_i32, %c0_i32_0 : i32, i32
  }
  func.func @transform_1(%arg0: i32) -> (i32, i32) {
    %c0_i32 = arith.constant 0 : i32
    %c0_i32_0 = arith.constant 0 : i32
    %c0_i32_1 = arith.constant 0 : i32
    return %c0_i32, %c0_i32_0 : i32, i32
  }
  func.func @transform_2(%arg0: i32) -> (i32, i32) {
    %c0_i32 = arith.constant 0 : i32
    %c0_i32_0 = arith.constant 0 : i32
    %c0_i32_1 = arith.constant 0 : i32
    return %c0_i32, %c0_i32_0 : i32, i32
  }
  func.func @transform_3(%arg0: i32) -> (i32, i32) {
    %c0_i32 = arith.constant 0 : i32
    %c0_i32_0 = arith.constant 0 : i32
    %c0_i32_1 = arith.constant 0 : i32
    return %c0_i32, %c0_i32_0 : i32, i32
  }
  func.func @transform_4(%arg0: i32) -> (i32, i32) {
    %c0_i32 = arith.constant 0 : i32
    %c0_i32_0 = arith.constant 0 : i32
    %c0_i32_1 = arith.constant 0 : i32
    return %c0_i32, %c0_i32_0 : i32, i32
  }
}

module attributes {stable_mosaic.version = 14 : i64} {
  func.func @_mask_body(%arg0: i32, %arg1: memref<64x256xi32, #tpu.memory_space<vmem>>, %arg2: memref<64x3x64x64xf32, #tpu.memory_space<vmem>>) attributes {dimension_semantics = [#tpu.dimension_semantics<arbitrary>], iteration_bounds = array<i64: 8>, scalar_prefetch = 0 : i64, scratch_operands = 0 : i64, tpu.core_type = #tpu.core_type<tc>, window_params = [{transform_indices = @transform_0, window_bounds = array<i64: 64, 256>}, {transform_indices = @transform_1, window_bounds = array<i64: 64, 3, 64, 64>}]} {
    %iota3A = tpu.iota {dimensions = array<i32: 1>} : vector<64x64x64xi32>
    %iota3A_0 = tpu.iota {dimensions = array<i32: 2>} : vector<64x64x64xi32>
    %get3A = arith.constant 0 : index
    %get3A_1 = arith.constant 0 : index
    %get3A_2 = vector.load %arg1[%get3A, %get3A_1] : memref<64x256xi32, #tpu.memory_space<vmem>>, vector<64x1xi32>
    %get3A_3 = arith.constant 0 : index
    %get3A_4 = arith.constant 32 : index
    %get3A_5 = vector.load %arg1[%get3A_3, %get3A_4] : memref<64x256xi32, #tpu.memory_space<vmem>>, vector<64x1xi32>
    %broadcast_in_dim3A = vector.shape_cast %get3A_2 : vector<64x1xi32> to vector<64x1x1xi32>
    %lt3A = vector.broadcast %broadcast_in_dim3A : vector<64x1x1xi32> to vector<64x64x64xi32>
    %lt3A_6 = arith.cmpi slt, %iota3A_0, %lt3A : vector<64x64x64xi32>
    %broadcast_in_dim3A_7 = vector.shape_cast %get3A_5 : vector<64x1xi32> to vector<64x1x1xi32>
    %lt3A_8 = vector.broadcast %broadcast_in_dim3A_7 : vector<64x1x1xi32> to vector<64x64x64xi32>
    %lt3A_9 = arith.cmpi slt, %iota3A, %lt3A_8 : vector<64x64x64xi32>
    %and3A = arith.andi %lt3A_6, %lt3A_9 : vector<64x64x64xi1>
    %convert_element_type3A = arith.extui %and3A : vector<64x64x64xi1> to vector<64x64x64xi32>
    %convert_element_type3A_10 = arith.sitofp %convert_element_type3A : vector<64x64x64xi32> to vector<64x64x64xf32>
    %swap3A = arith.constant 0 : index
    %swap3A_11 = arith.constant 0 : index
    %swap3A_12 = arith.constant 0 : index
    %swap3A_13 = arith.constant 0 : index
    %swap3A_14 = vector.load %arg2[%swap3A, %swap3A_11, %swap3A_12, %swap3A_13] : memref<64x3x64x64xf32, #tpu.memory_space<vmem>>, vector<64x1x64x64xf32>
    %swap3A_15 = vector.shape_cast %swap3A_14 : vector<64x1x64x64xf32> to vector<64x64x64xf32>
    %swap3A_16 = vector.shape_cast %convert_element_type3A_10 : vector<64x64x64xf32> to vector<64x1x64x64xf32>
    tpu.vector_store %arg2[%swap3A, %swap3A_11, %swap3A_12, %swap3A_13], %swap3A_16 {strides = array<i32>} : memref<64x3x64x64xf32, #tpu.memory_space<vmem>>, vector<64x1x64x64xf32>,
    %get3A_17 = arith.constant 0 : index
    %get3A_18 = arith.constant 48 : index
    %get3A_19 = vector.load %arg1[%get3A_17, %get3A_18] : memref<64x256xi32, #tpu.memory_space<vmem>>, vector<64x1xi32>
    %get3A_20 = arith.constant 0 : index
    %get3A_21 = arith.constant 80 : index
    %get3A_22 = vector.load %arg1[%get3A_20, %get3A_21] : memref<64x256xi32, #tpu.memory_space<vmem>>, vector<64x1xi32>
    %broadcast_in_dim3A_23 = vector.shape_cast %get3A_19 : vector<64x1xi32> to vector<64x1x1xi32>
    %lt3A_24 = vector.broadcast %broadcast_in_dim3A_23 : vector<64x1x1xi32> to vector<64x64x64xi32>
    %lt3A_25 = arith.cmpi slt, %iota3A_0, %lt3A_24 : vector<64x64x64xi32>
    %broadcast_in_dim3A_26 = vector.shape_cast %get3A_22 : vector<64x1xi32> to vector<64x1x1xi32>
    %lt3A_27 = vector.broadcast %broadcast_in_dim3A_26 : vector<64x1x1xi32> to vector<64x64x64xi32>
    %lt3A_28 = arith.cmpi slt, %iota3A, %lt3A_27 : vector<64x64x64xi32>
    %and3A_29 = arith.andi %lt3A_25, %lt3A_28 : vector<64x64x64xi1>
    %convert_element_type3A_30 = arith.extui %and3A_29 : vector<64x64x64xi1> to vector<64x64x64xi32>
    %convert_element_type3A_31 = arith.sitofp %convert_element_type3A_30 : vector<64x64x64xi32> to vector<64x64x64xf32>
    %swap3A_32 = arith.constant 0 : index
    %swap3A_33 = arith.constant 1 : index
    %swap3A_34 = arith.constant 0 : index
    %swap3A_35 = arith.constant 0 : index
    %swap3A_36 = vector.load %arg2[%swap3A_32, %swap3A_33, %swap3A_34, %swap3A_35] : memref<64x3x64x64xf32, #tpu.memory_space<vmem>>, vector<64x1x64x64xf32>
    %swap3A_37 = vector.shape_cast %swap3A_36 : vector<64x1x64x64xf32> to vector<64x64x64xf32>
    %swap3A_38 = vector.shape_cast %convert_element_type3A_31 : vector<64x64x64xf32> to vector<64x1x64x64xf32>
    tpu.vector_store %arg2[%swap3A_32, %swap3A_33, %swap3A_34, %swap3A_35], %swap3A_38 {strides = array<i32>} : memref<64x3x64x64xf32, #tpu.memory_space<vmem>>, vector<64x1x64x64xf32>,
    %get3A_39 = arith.constant 0 : index
    %get3A_40 = arith.constant 96 : index
    %get3A_41 = vector.load %arg1[%get3A_39, %get3A_40] : memref<64x256xi32, #tpu.memory_space<vmem>>, vector<64x1xi32>
    %get3A_42 = arith.constant 0 : index
    %get3A_43 = arith.constant 128 : index
    %get3A_44 = vector.load %arg1[%get3A_42, %get3A_43] : memref<64x256xi32, #tpu.memory_space<vmem>>, vector<64x1xi32>
    %broadcast_in_dim3A_45 = vector.shape_cast %get3A_41 : vector<64x1xi32> to vector<64x1x1xi32>
    %lt3A_46 = vector.broadcast %broadcast_in_dim3A_45 : vector<64x1x1xi32> to vector<64x64x64xi32>
    %lt3A_47 = arith.cmpi slt, %iota3A_0, %lt3A_46 : vector<64x64x64xi32>
    %broadcast_in_dim3A_48 = vector.shape_cast %get3A_44 : vector<64x1xi32> to vector<64x1x1xi32>
    %lt3A_49 = vector.broadcast %broadcast_in_dim3A_48 : vector<64x1x1xi32> to vector<64x64x64xi32>
    %lt3A_50 = arith.cmpi slt, %iota3A, %lt3A_49 : vector<64x64x64xi32>
    %and3A_51 = arith.andi %lt3A_47, %lt3A_50 : vector<64x64x64xi1>
    %convert_element_type3A_52 = arith.extui %and3A_51 : vector<64x64x64xi1> to vector<64x64x64xi32>
    %convert_element_type3A_53 = arith.sitofp %convert_element_type3A_52 : vector<64x64x64xi32> to vector<64x64x64xf32>
    %swap3A_54 = arith.constant 0 : index
    %swap3A_55 = arith.constant 2 : index
    %swap3A_56 = arith.constant 0 : index
    %swap3A_57 = arith.constant 0 : index
    %swap3A_58 = vector.load %arg2[%swap3A_54, %swap3A_55, %swap3A_56, %swap3A_57] : memref<64x3x64x64xf32, #tpu.memory_space<vmem>>, vector<64x1x64x64xf32>
    %swap3A_59 = vector.shape_cast %swap3A_58 : vector<64x1x64x64xf32> to vector<64x64x64xf32>
    %swap3A_60 = vector.shape_cast %convert_element_type3A_53 : vector<64x64x64xf32> to vector<64x1x64x64xf32>
    tpu.vector_store %arg2[%swap3A_54, %swap3A_55, %swap3A_56, %swap3A_57], %swap3A_60 {strides = array<i32>} : memref<64x3x64x64xf32, #tpu.memory_space<vmem>>, vector<64x1x64x64xf32>,
    return
  }
  func.func @transform_0(%arg0: i32) -> (i32, i32) {
    %c0_i32 = arith.constant 0 : i32
    %c0_i32_0 = arith.constant 0 : i32
    return %arg0, %c0_i32 : i32, i32
  }
  func.func @transform_1(%arg0: i32) -> (i32, i32, i32, i32) {
    %c0_i32 = arith.constant 0 : i32
    %c0_i32_0 = arith.constant 0 : i32
    %c0_i32_1 = arith.constant 0 : i32
    %c0_i32_2 = arith.constant 0 : i32
    return %arg0, %c0_i32, %c0_i32_0, %c0_i32_1 : i32, i32, i32, i32
  }
}

</mosaic_0001>

<sc_bundles>
// kernel: kernel.5.cloned.1.call-start
scs
__scs_entry_jumppad:
0x0: {  	(pc) =	sbr.rel $0x88, $3  }
0x1: {  	(tag) =	ssettag $0x0;
	lr =	simm.s32 $0x1  }
0x2: {  	[smem:$0x3FA0] =	sst lr;
	_ =	strace $0xD0000000  }
0x3: {  	_ = 	snop  }
0x4: {  	_ = 	snop  }
0x5: {  	_ = 	snop  }
0x6: {  	_ = 	snop  }
0x7: {  	_ = 	snop  }
__scs_overlays_trampoline_lowered:
0x8: {  	[smem:$0x3FAF] =	sst s0  }
0x9: {  	[smem:$0x3FB0] =	sst s1  }
0xa: {  	[smem:$0x3FB1] =	sst s2  }
0xb: {  	[smem:$0x3FB2] =	sst s3  }
0xc: {  	[smem:$0x3FB3] =	sst s4  }
0xd: {  	[smem:$0x3FB4] =	sst s5  }
0xe: {  	[smem:$0x3FB5] =	sst s6  }
0xf: {  	[smem:$0x3FB6] =	sst s7  }
0x10: {  	[smem:$0x3FB7] =	sst s8  }
0x11: {  	[smem:$0x3FB8] =	sst s9;
	s0 =	simm.s32 @!p0 $0x0  }
0x12: {  	s1 =	sld [smem:$0x3F9E];
	s0 =	simm.s32 @p0 $0x1  }
0x13: {  	[smem:$0x3FB9] =	sst s0;
	s0 =	simm.s32 @!p1 $0x0  }
0x14: {  	s2 =	sld [smem:$0x3F9D];
	s0 =	simm.s32 @p1 $0x1  }
0x15: {  	[smem:$0x3FBA] =	sst s0;
	s0 =	simm.s32 @!p2 $0x0  }
0x16: {  	s3 =	sld [smem:$0x3FDB];
	s0 =	simm.s32 @p2 $0x1  }
0x17: {  	s4 =	simm.s32 $0x1BF5;
	[smem:$0x3FBC] =	sst s0  }
0x18: {  	s0 =	sld [smem:$0x3F9F];
	_ =	swait.ge [sflag:s4], $0x0  }
0x19: {  	s7 =	sld [smem:$0x3FA0]  }
0x1a: {  	s8 =	sadd.s32 $0xFFFFE003, lr  }
0x1b: {  	s9 =	sadd.s32 $0xFFFFFEF7, lr;
	s5 =	simm.s32 $0xFFFFFFFF;
	p2 =	slt.u32 s8, $0xFFFFF086  }
0x1c: {  	p1 =	slt.u32 s9, $0xF7A;
	s5 =	simm.s32 @!p2 $0x0  }
0x1d: {  	s5 =	simm.s32 @p1 $0x1;
	p0 =	seq.s32 s7, s2  }
0x1e: {  	s7 =	smul.u32 @!p0 $0xF7A, s2;
	p2 =	seq.s32 @!p0 s5, $0x0  }
0x1f: {  	s9 =	smul.u32 $0xF7A, s1;
	s8 =	simm.s32 @!p0 $0x1BF5;
	p2 =	por !p2, p0  }
0x20: {  	[sflag:s8] =	ssyncset.s32 @!p0 $0xFFFFF086;
	s6 =	sadd.s32 @!p0 s3, s7;
	s7 =	simm.s32 @!p0 $0x108  }
0x21: {  	s3 =	sadd.s32 s3, s9;
	s6 =	sadd.s32 @!p0 $0x88, s6;
	s7 =	simm.s32 @p2 $0x1082  }
0x22: {  	[simem:s7], [sflag:s8] =	dma.local @!p0 [hbm:s6], $0xF7A  }
0x23: {  	s9 =	sor.u32 $0xD0000000, s2;
	s6 =	simm.s32 $0x108;
	_ =	swait.ge @!p0 [sflag:s8], $0x0  }
0x24: {  	s3 =	sadd.s32 $0x88, s3;
	s6 =	simm.s32 @!p1 $0x1082;
	[sflag:s4] =	ssyncset.s32 $0xFFFFF086  }
0x25: {  	[simem:s6], [sflag:s4] =	dma.local [hbm:s3], $0xF7A  }
0x26: {  	[smem:$0x3FA0] =	sst s1;
	(tag) =	ssettag s2;
	_ =	strace s9  }
0x27: {  	s1 =	sld [smem:$0x3FB0]  }
0x28: {  	s2 =	sld [smem:$0x3FB1]  }
0x29: {  	s4 =	sld [smem:$0x3FB3]  }
0x2a: {  	p0 =	seq.s32 s5, $0x0;
	s5 =	sld [smem:$0x3FB4]  }
0x2b: {  	s6 =	sld [smem:$0x3FB5]  }
0x2c: {  	s7 =	sld [smem:$0x3FB6]  }
0x2d: {  	s3 =	simm.s32 $0x108;
	s8 =	sld [smem:$0x3FB7]  }
0x2e: {  	s3 =	simm.s32 @!p0 $0x1082;
	s9 =	sld [smem:$0x3FB8]  }
0x2f: {  	lr =	sadd.s32 s0, s3;
	s0 =	sld [smem:$0x3FAF]  }
0x30: {  	s3 =	sld [smem:$0x3FB2]  }
0x31: {  	[smem:$0x3FBB] =	sst s10  }
0x32: {  	s10 =	sld [smem:$0x3FB9];
	_ =	sdelay $0x3  }
0x33: {  	p0 =	seq.s32 s10, $0x1;
	s10 =	sld [smem:$0x3FBB];
	_ =	sdelay $0x3  }
0x34: {  	[smem:$0x3FBB] =	sst s10  }
0x35: {  	s10 =	sld [smem:$0x3FBA];
	_ =	sdelay $0x3  }
0x36: {  	p1 =	seq.s32 s10, $0x1;
	s10 =	sld [smem:$0x3FBB];
	_ =	sdelay $0x3  }
0x37: {  	[smem:$0x3FBB] =	sst s10  }
0x38: {  	s10 =	sld [smem:$0x3FBC]  }
0x39: {  	_ = 	snop;
	(pc) =	sbr.ind lr, $3  }
0x3a: {  	_ = 	snop  }
0x3b: {  	_ = 	snop  }
0x3c: {  	p2 =	seq.s32 s10, $0x1;
	s10 =	sld [smem:$0x3FBB]  }
0x3d: {  	_ =	shalt  }
0x3e: {  	_ =	shalt  }
0x3f: {  	_ =	shalt  }
0x40: {  	_ =	shalt  }
0x41: {  	_ =	shalt  }
0x42: {  	_ =	shalt  }
0x43: {  	_ =	shalt  }
0x44: {  	_ =	shalt  }
0x45: {  	_ =	shalt  }
0x46: {  	_ =	shalt  }
0x47: {  	_ =	shalt  }
0x48: {  	_ =	shalt  }
0x49: {  	_ =	shalt  }
0x4a: {  	_ =	shalt  }
0x4b: {  	_ =	shalt  }
0x4c: {  	_ =	shalt  }
0x4d: {  	_ =	shalt  }
0x4e: {  	_ =	shalt  }
0x4f: {  	_ =	shalt  }
0x50: {  	_ =	shalt  }
0x51: {  	_ =	shalt  }
0x52: {  	_ =	shalt  }
0x53: {  	_ =	shalt  }
0x54: {  	_ =	shalt  }
0x55: {  	_ =	shalt  }
0x56: {  	_ =	shalt  }
0x57: {  	_ =	shalt  }
0x58: {  	_ =	shalt  }
0x59: {  	_ =	shalt  }
0x5a: {  	_ =	shalt  }
0x5b: {  	_ =	shalt  }
0x5c: {  	_ =	shalt  }
0x5d: {  	_ =	shalt  }
0x5e: {  	_ =	shalt  }
0x5f: {  	_ =	shalt  }
0x60: {  	_ =	shalt  }
0x61: {  	_ =	shalt  }
0x62: {  	_ =	shalt  }
0x63: {  	_ =	shalt  }
0x64: {  	_ =	shalt  }
0x65: {  	_ =	shalt  }
0x66: {  	_ =	shalt  }
0x67: {  	_ =	shalt  }
0x68: {  	_ =	shalt  }
0x69: {  	_ =	shalt  }
0x6a: {  	_ =	shalt  }
0x6b: {  	_ =	shalt  }
0x6c: {  	_ =	shalt  }
0x6d: {  	_ =	shalt  }
0x6e: {  	_ =	shalt  }
0x6f: {  	_ =	shalt  }
0x70: {  	_ =	shalt  }
0x71: {  	_ =	shalt  }
0x72: {  	_ =	shalt  }
0x73: {  	_ =	shalt  }
0x74: {  	_ =	shalt  }
0x75: {  	_ =	shalt  }
0x76: {  	_ =	shalt  }
0x77: {  	_ =	shalt  }
0x78: {  	_ =	shalt  }
0x79: {  	_ =	shalt  }
0x7a: {  	_ =	shalt  }
0x7b: {  	_ =	shalt  }
0x7c: {  	_ =	shalt  }
0x7d: {  	_ =	shalt  }
0x7e: {  	_ =	shalt  }
0x7f: {  	_ =	shalt  }
0x80: {  	_ =	shalt  }
0x81: {  	_ =	shalt  }
0x82: {  	_ =	shalt  }
0x83: {  	_ =	shalt  }
0x84: {  	_ =	shalt  }
0x85: {  	_ =	shalt  }
0x86: {  	_ =	shalt  }
0x87: {  	_ =	shalt  }
.Lfunc_end0:
.L_simem_size_0:
called_computation_lowered:
.L_overlay_start_0:
0x88: {  	s2 =	sld [smem:$0x3FD9]  }
0x89: {  	s3 =	sld [smem:$0x3FFE];
	_ =	sdelay $0x1  }
0x8a: {  	s1 =	srdreg.scid  }
0x8b: {  	s0 =	sand.u32 $0x1, s1  }
0x8c: {  	s14 =	sshll.u32 s0, $0xA;
	s2 =	sadd.s32 s3, s2  }
0x8d: {  	s2 =	sadd.s32 s2, s14  }
0x8e: {  	[smem:$0x3FC7] =	sst s2  }
0x8f: {  	_ = 	snop  }
0x90: {  	s2 =	sld [smem:$0x3FD0];
	_ =	sdelay $0x2  }
0x91: {  	s15 =	simm.s32 $0xA;
	s4 =	simm.s32 $0x10  }
0x92: {  	[smem:s4], [sflag:s15] =	dma.local [hbm:s2], $0x1  }
0x93: {  	_ =	swait.eq [sflag:s15], $0x1  }
0x94: {  	[sflag:s15] =	ssyncset.done $0x0  }
0x95: {  	[sflag:s15] =	ssyncadd.s32 $0xFFFFFFFF  }
0x96: {  	s16 =	sld [smem:$0x10];
	(tm) =	ssettm $0x1  }
0x97: {  	s17 =	sld [smem:$0x3FFB];
	_ =	sdelay $0x3  }
0x98: {  	_ =	strace s17  }
0x99: {  	s3 =	sld [smem:$0x3FFC];
	_ =	sdelay $0x3  }
0x9a: {  	_ =	strace s3  }
0x9b: {  	s3 =	sld [smem:$0x3FFD];
	_ =	sdelay $0x3  }
0x9c: {  	_ =	strace s3  }
0x9d: {  	_ =	strace $0x8FFFFFFF  }
0x9e: {  	s18 =	sld [smem:$0x3FDB];
	_ =	sdelay $0x1  }
0x9f: {  	s19 =	simm.s32 $_scs_section_size  }
0xa0: {  	s5 =	simm.s32 $_size__tile_overlayer_lowered;
	s6 =	simm.s32 $_tile_overlayer_lowered  }
0xa1: {  	s22 =	simm.s32 $0x1BFF;
	s21 =	sshll.u32 s6, $0x1;
	s3 =	sadd.s32 s19, s18  }
0xa2: {  	s7 =	simm.s32 $0x0;
	s20 =	sshll.u32 s5, $0x1;
	s5 =	sadd.s32 s21, s3  }
0xa3: {  	[timem:s7], [sflag:s22] =	dma.local [hbm:s5], s20  }
0xa4: {  	_ =	swait.ge [sflag:s22], s20  }
0xa5: {  	s4 =	ssub.s32 $0x0, s20;
	[sflag:s22] =	ssyncset.done $0x0  }
0xa6: {  	[sflag:s22] =	ssyncadd.s32 s4;
	_ =	sdelay $0x1  }
0xa7: {  	s23 =	simm.s32 $0x1B8B  }
0xa8: {  	_ =	swait.ge [sflag:s23], $0x1  }
0xa9: {  	[sflag:s23] =	ssyncset.done $0x0  }
0xaa: {  	s25 =	simm.s32 $0x1B8E;
	s24 =	sld [smem:$0x3FFE];
	[sflag:s23] =	ssyncadd.s32 $0xFFFFFFFF  }
0xab: {  	s26 =	simm.s32 $execute0_lowered;
	[smem:$0x3FD2] =	sst s25  }
0xac: {  	s5 =	sshll.u32 s26, $0x1;
	_ =	strace $0x80000046;
	[dreg:$0x1] =	wrdreg $0xFFFFFFFF  }
0xad: {  	s28 =	simm.s32 $_size_execute0_lowered;
	s3 =	sadd.s32 s3, s5;
	[dreg:$0x0] =	wrdreg $0x0  }
0xae: {  	s5 =	sshll.u32 s28, $0x1;
	[dreg:$0x2] =	wrdreg s3  }
0xaf: {  	[dreg:$0x3] =	wrdreg s5  }
0xb0: {  	[dreg:$0x4] =	wrdreg $0xC0  }
0xb1: {  	_ =	task [dreg:s7], $0x5FFFF  }
0xb2: {  	[dreg:$0x1] =	wrdreg $0xFFFFFFFF  }
0xb3: {  	[dreg:$0x0] =	wrdreg $0x60  }
0xb4: {  	[dreg:$0x2] =	wrdreg s24  }
0xb5: {  	[dreg:$0x3] =	wrdreg s16  }
0xb6: {  	[dreg:$0x4] =	wrdreg $0x9  }
0xb7: {  	_ =	task.clear_ibuf [dreg:s7], $0x5FFFF;
	_ =	strace $0x90000046  }
0xb8: {  	s29 =	simm.s32 $0x9;
	_ =	strace $0x80000048  }
0xb9: {  	_ =	swait.ge [sflag:s29], $0x1  }
0xba: {  	[sflag:s29] =	ssyncadd.s32 $0xFFFFFFFF  }
0xbb: {  	_ =	strace $0x90000048  }
0xbc: {  	_ =	sfence  }
0xbd: {  	s30 =	sld [smem:$0x0];
	_ =	sdelay $0x2  }
0xbe: {  	s31 =	sshll.u32 s1, $0xD;
	s1 =	sshrl.u32 s1, $0x2  }
0xbf: {  	s3 =	sand.u32 $0x4000, s31;
	s1 =	sadd.s32 s1, s30  }
0xc0: {  	s0 =	sor.u32 s3, s0;
	s1 =	sshll.u32 s1, $0x11  }
0xc1: {  	s0 =	sor.u32 s1, s0  }
0xc2: {  	s0 =	sadd.s32 $0x8F2B, s0  }
0xc3: {  	[sflag:s0] =	ssyncadd.remote.s32 $0x1  }
0xc4: {  	_ =	sfence.sel $0xFFFF  }
0xc5: {  	[dreg:$0x0] =	wrdreg $0xFFFFFFFF;
	(pc) =	sbr.abs _section_cstart, $3  }
0xc6: {  	[dreg:$0x1] =	wrdreg $0xFFFFFFFF  }
0xc7: {  	_ =	task.clear_ibuf [dreg:s7], $0x2FFFF;
	_ =	strace $0x9FFFFFFF  }
0xc8: {  	(tm) =	ssettm $0x7FFFFFFF  }
0xc9: {  	_ =	shalt  }
tec
execute0_lowered:
.L_overlay_start_1:
0x0: {  	(tag) =	ssettag $0x1  }
0x1: {  	s0 =	rddreg [dreg:$0x0]  }
0x2: {  	s2 =	rddreg [dreg:$0x1];
	s4 =	srdreg.scid  }
0x3: {  	s1 =	stileid.u32;
	s3 =	simm.s32 $0x0;
	s10 =	simm.s32 $0x9000  }
0x4: {  	s11 =	simm.s32 $0xB000;
	s12 =	simm.s32 $0xD000;
	s13 =	simm.s32 $0x1  }
0x5: {  	s14 =	simm.s32 $0x2;
	s15 =	simm.s32 $0x3;
	s16 =	simm.s32 $0x0  }
0x6: {  	s4 =	sand.u32 $0x1, s4;
	s5 =	sshll.u32 s1, $0x1;
	[smem:$0x7FF] =	sst s3  }
.Ltmp0:
0x7: {  	s6 =	sor.u32 s4, s5;
	_ =	strace $0x80000047;
	(pc) =	sbr.rel .LBB2_1-.Ltmp0, $4  }
0x8: {  	s4 =	ssub.s32 $0x2, s4;
	s5 =	sshll.u32 s6, $0xC;
	s7 =	sshll.u32 s6, $0x9  }
0x9: {  	s8 =	sshrl.u32 s4, $0x1;
	s6 =	sshll.u32 s6, $0x4;
	s5 =	sadd.s32 s5, s0  }
0xa: {  	v0 =	vlaneseq.u32;
	v4 =	vimm.f32 $0.0e+00;
	s0 =	sadd.s32 s7, s0;
	s31 =	ssub.s32 s4, s8;
	s8 =	simm.s32 $0x4  }
0xb: {  	v1 =	vor.u32 $0x10, v0;
	v2 =	vor.u32 $0x20, v0;
	v3 =	vor.u32 $0x30, v0;
	s4 =	sadd.s32 $0x1200, s5;
	s5 =	sadd.s32 $0x21200, s0;
	s7 =	smax.u32 s31, $0x1  }
.LBB2_172:
0xc: {  	_ =	swait.ge [sflag:s13], $0x2000  }
0xd: {  	[sflag:s13] =	ssyncset.done $0x0  }
0xe: {  	s16 =	sadd.s32 $0x1, s16;
	[sflag:s13] =	ssyncadd.s32 $0xFFFFE000  }
0xf: {  	p0 =	sne.s32 s16, s7;
	_ =	swait.ge [sflag:s14], $0x2000  }
.Ltmp1:
0x10: {  	[sflag:s14] =	ssyncset.done $0x0;
	(pc) =	sbr.rel @!p0 .LBB2_173-.Ltmp1, $4  }
0x11: {  	[sflag:s14] =	ssyncadd.s32 $0xFFFFE000  }
0x12: {  	_ =	swait.ge [sflag:s15], $0x2000  }
0x13: {  	[sflag:s15] =	ssyncset.done $0x0  }
0x14: {  	[sflag:s15] =	ssyncadd.s32 $0xFFFFE000  }
.LBB2_1:
0x15: {  	[tilespmem:s3], [sflag:$0x4] =	stream.linear.gather [hbm4b:s4+s3], $0x8000, $0x38;
	[tilespmem:$0xF000] =	vst v63  }
0x16: {  	_ =	swait.ge [sflag:s8], $0x8000  }
0x17: {  	[sflag:s8] =	ssyncset.done $0x0  }
.Ltmp2:
0x18: {  	s0 =	simm.s32 $0x8000;
	[sflag:s8] =	ssyncadd.s32 $0xFFFF8000;
	(pc) =	sbr.rel .LBB2_2-.Ltmp2, $4  }
0x19: {  	[tilespmem:s0], [sflag:$0x4] =	stream.linear.gather [hbm4b:s5+s3], $0x1000, $0x38;
	[tilespmem:$0xF000] =	vst v63  }
0x1a: {  	_ =	swait.ge [sflag:s8], $0x1000  }
0x1b: {  	[sflag:s8] =	ssyncset.done $0x0  }
0x1c: {  	s17 =	simm.s32 $0x0;
	[sflag:s8] =	ssyncadd.s32 $0xFFFFF000  }
.LBB2_196:
0x1d: {  	s0 =	sshll.u32 s21, $0x9  }
0x1e: {  	s0 =	sshra.s32 s0, $0x2  }
0x1f: {  	[tilespmem:s0+$0xD000] =	vst v4  }
0x20: {  	[tilespmem:s0+$0xD010] =	vst v4  }
0x21: {  	[tilespmem:s0+$0xD020] =	vst v4  }
0x22: {  	[tilespmem:s0+$0xD030] =	vst v4  }
.LBB2_171:
0x23: {  	s17 =	sadd.s32 $0x1, s17  }
0x24: {  	p0 =	sne.s32 s17, $0x10  }
.Ltmp3:
0x25: {  	_ = 	snop;
	(pc) =	sbr.rel @!p0 .LBB2_172-.Ltmp3, $3  }
0x26: {  	_ =	sdelay $0x1  }
0x27: {  	s0 =	sadd.s32 $0x800, s19  }
0x28: {  	[hbm4b:s0+s3] =	stream.linear.scatter [tilespmem:s12], [sflag:$0x3], $0x2000, $0x38;
	[tilespmem:$0xF000] =	vst v63  }
.LBB2_2:
0x29: {  	s0 =	sshll.u32 s17, $0x8  }
0x2a: {  	s18 =	sand.u32 $0x3FFFFF00, s0  }
0x2b: {  	v5 =	vld [tilespmem:s18+$0x8000];
	_ =	sdelay $0x3  }
0x2c: {  	v6 =	vld [tilespmem:s18+$0x8020]  }
0x2d: {  	v7 =	vxor.u32 $0x80000000, v5  }
0x2e: {  	(xrf0) =	vmax.scan.msk.u32 $0xffff, v7;
	_ =	sdelay $0x2  }
0x2f: {  	v6 =	vxor.u32 $0x80000000, v6  }
0x30: {  	(xrf0) =	vmax.scan.msk.u32 $0xffff, v6;
	_ =	sdelay $0x1  }
0x31: {  	v6, _, _ =	vpop (xrf0)  }
0x32: {  	(v2sf) =	vpush v6, $0xF;
	_ =	sdelay $0x2  }
0x33: {  	v6, _, _ =	vpop (xrf0)  }
0x34: {  	(v2sf) =	vpush v6, $0xF;
	_ =	sdelay $0xa  }
0x35: {  	s31 =	spop (v2sf)  }
0x36: {  	s0 =	sxor.u32 $0x80000000, s31  }
0x37: {  	v6 =	vld [tilespmem:s18+$0x8010];
	p1 =	slt.s32 s0, $0x40  }
.Ltmp4:
0x38: {  	p0 =	seq.s32 s17, $0x0;
	(pc) =	sbr.rel @p1 .LBB2_25-.Ltmp4, $4  }
0x39: {  	s22 =	simm.s32 @!p0 $0x1;
	s21 =	spop (v2sf)  }
0x3a: {  	_ =	swait.ge @!p0 [sflag:s22], $0x2000  }
0x3b: {  	s20 =	sshll.u32 s17, $0xB;
	s19 =	sxor.u32 $0x80000000, s21;
	[sflag:s22] =	ssyncset.done @!p0 $0x0  }
0x3c: {  	v6 =	vadd.s32 s20, v6;
	[sflag:s22] =	ssyncadd.s32 @!p0 $0xFFFFE000;
	s22 =	sshrl.u32 s19, $0x1F  }
0x3d: {  	s0 =	sadd.s32 s22, s19  }
0x3e: {  	s22 =	sand.u32 $0xFFFFFFFE, s0  }
0x3f: {  	p1 =	slt.s32 s22, $0x1  }
.Ltmp5:
0x40: {  	_ = 	snop;
	(pc) =	sbr.rel @p1 .LBB2_6-.Ltmp5, $1  }
0x41: {  	_ =	sdelay $0x3  }
0x42: {  	p5 =	sgt.s32 s22, $0x2  }
.Ltmp6:
0x43: {  	s0 =	simm.s32 $0x0;
	s24 =	simm.s32 $0x1;
	(pc) =	sbr.rel @!p5 .LBB2_5-.Ltmp6, $3  }
0x44: {  	v7 =	vmul.u32 s0, v5;
	v8 =	vmul.u32 s24, v5;
	_ =	sdelay $0x1  }
0x45: {  	s23 =	simm.s32 $0x9080;
	p1 =	por $0x0, $0x0;
	p2 =	por $0x0, $0x0;
	v9 =	vadd.s32 v6, v7;
	v7 =	vadd.s32 v6, v8  }
0x46: {  	p3 =	por $0x0, $0x0;
	p4 =	por $0x0, $0x0;
	s0 =	simm.s32 $0x2;
	v12 =	vadd.s32 v0, v9;
	v13 =	vadd.s32 v0, v7  }
0x47: {  	p5 =	sgt.s32 s22, $0x4  }
.Ltmp7:
0x48: {  	s24 =	simm.s32 $0x3;
	(pc) =	sbr.rel @!p5 .LBB2_15-.Ltmp7, $3  }
0x49: {  	v8 =	vmul.u32 s0, v5;
	v10 =	vmul.u32 s24, v5;
	_ =	sdelay $0x1  }
0x4a: {  	v25 =	vld.idx.msk [tilespmem:v12+s3+$0x0], $0xffff;
	v11 =	vadd.s32 v6, v8;
	v10 =	vadd.s32 v6, v10  }
0x4b: {  	v14 =	vld.idx.msk [tilespmem:v13+s3+$0x0], $0xffff;
	s0 =	simm.s32 $0x4;
	v17 =	vadd.s32 v1, v7;
	p1 =	por $0x1, $0x1;
	v12 =	vadd.s32 v0, v11;
	v13 =	vadd.s32 v0, v10  }
0x4c: {  	_ =	sdelay $0x1  }
0x4d: {  	v15 =	vadd.s32 v1, v9;
	p5 =	sgt.s32 s22, $0x6  }
.Ltmp8:
0x4e: {  	s31 =	simm.s32 $0x5;
	(pc) =	sbr.rel @!p5 .LBB2_17-.Ltmp8, $4  }
0x4f: {  	v8 =	vmul.u32 s0, v5;
	v18 =	vld.idx.msk [tilespmem:v12+s3+$0x0], $0xffff;
	v16 =	vmul.u32 s31, v5  }
0x50: {  	v28 =	vadd.s32 v2, v7;
	[tilespmem:s23+$0x0] =	vst v14;
	v14 =	vld.idx.msk [tilespmem:v13+s3+$0x0], $0xffff  }
0x51: {  	v8 =	vadd.s32 v6, v8;
	[tilespmem:s23+$0xFFFFFF80] =	vst v25;
	v26 =	vadd.s32 v6, v16;
	v20 =	vld.idx.msk [tilespmem:v17+s3+$0x0], $0xffff  }
0x52: {  	s0 =	simm.s32 $0x6;
	p2 =	por $0x1, $0x1;
	v12 =	vadd.s32 v0, v8;
	v13 =	vadd.s32 v0, v26;
	v23 =	vld.idx.msk [tilespmem:v15+s3+$0x0], $0xffff;
	v17 =	vadd.s32 v1, v10  }
0x53: {  	_ =	sdelay $0x2  }
0x54: {  	v21 =	vadd.s32 v1, v11  }
0x55: {  	v25 =	vld.idx.msk [tilespmem:v12+s3+$0x0], $0xffff;
	v22 =	vadd.s32 v2, v9;
	s24 =	simm.s32 $0x9180;
	p5 =	sgt.s32 s22, $0x8  }
.Ltmp9:
0x56: {  	s31 =	simm.s32 $0x7;
	[tilespmem:s24+$0x0] =	vst v14;
	v14 =	vld.idx.msk [tilespmem:v13+s3+$0x0], $0xffff;
	(pc) =	sbr.rel @!p5 .LBB2_19-.Ltmp9, $4  }
0x57: {  	v12 =	vmul.u32 s0, v5;
	[tilespmem:s23+$0x10] =	vst v20;
	v16 =	vld.idx.msk [tilespmem:v17+s3+$0x0], $0xffff;
	v17 =	vmul.u32 s31, v5  }
0x58: {  	v19 =	vadd.s32 v3, v7;
	v24 =	vadd.s32 v2, v10;
	[tilespmem:s24+$0xFFFFFF80] =	vst v18;
	v15 =	vld.idx.msk [tilespmem:v28+s3+$0x0], $0xffff  }
0x59: {  	v34 =	vadd.s32 v6, v12;
	[tilespmem:s23+$0xFFFFFF90] =	vst v23;
	v21 =	vld.idx.msk [tilespmem:v21+s3+$0x0], $0xffff;
	v7 =	vadd.s32 v6, v17  }
0x5a: {  	s0 =	simm.s32 $0x8;
	p3 =	por $0x1, $0x1;
	v12 =	vadd.s32 v0, v34;
	v17 =	vadd.s32 v1, v26;
	v18 =	vld.idx.msk [tilespmem:v22+s3+$0x0], $0xffff;
	v13 =	vadd.s32 v0, v7  }
0x5b: {  	_ =	sdelay $0x2  }
0x5c: {  	s25 =	simm.s32 $0x9280  }
0x5d: {  	v37 =	vld.idx.msk [tilespmem:v12+s3+$0x0], $0xffff;
	v23 =	vadd.s32 v1, v8;
	v12 =	vmul.u32 s0, v5;
	[tilespmem:s25+$0x0] =	vst v14  }
0x5e: {  	v29 =	vadd.s32 v2, v11;
	v14 =	vld.idx.msk [tilespmem:v13+s3+$0x0], $0xffff;
	[tilespmem:s23+$0x20] =	vst v15  }
0x5f: {  	v32 =	vadd.s32 v3, v9;
	p5 =	sgt.s32 s22, $0xA;
	[tilespmem:s24+$0x10] =	vst v16;
	v36 =	vadd.s32 v6, v12;
	v31 =	vld.idx.msk [tilespmem:v19+s3+$0x0], $0xffff  }
.Ltmp10:
0x60: {  	s31 =	simm.s32 $0x9;
	v22 =	vld.idx.msk [tilespmem:v24+s3+$0x0], $0xffff;
	v12 =	vadd.s32 v0, v36;
	(pc) =	sbr.rel @!p5 .LBB2_21-.Ltmp10, $4  }
0x61: {  	v27 =	vadd.s32 v3, v10;
	[tilespmem:s25+$0xFFFFFF80] =	vst v25;
	v20 =	vld.idx.msk [tilespmem:v17+s3+$0x0], $0xffff;
	v17 =	vmul.u32 s31, v5  }
0x62: {  	v28 =	vadd.s32 v2, v26;
	[tilespmem:s24+$0xFFFFFF90] =	vst v21;
	v23 =	vld.idx.msk [tilespmem:v23+s3+$0x0], $0xffff  }
0x63: {  	s0 =	simm.s32 $0xA;
	p4 =	por $0x1, $0x1;
	[tilespmem:s23+$0xFFFFFFA0] =	vst v18;
	v38 =	vadd.s32 v6, v17;
	v17 =	vadd.s32 v1, v7;
	v30 =	vld.idx.msk [tilespmem:v29+s3+$0x0], $0xffff  }
0x64: {  	s26 =	simm.s32 $0x9180;
	s28 =	simm.s32 $0x9280;
	s29 =	simm.s32 $0x9080;
	v13 =	vadd.s32 v0, v38;
	v32 =	vld.idx.msk [tilespmem:v32+s3+$0x0], $0xffff;
	v29 =	vmov v11;
	[tilespmem:s23+$0x30] =	vst v31  }
.LBB2_22:
0x65: {  	v25 =	vmul.u32 s0, v5;
	v31 =	vld.idx.msk [tilespmem:v12+s3+$0x0], $0xffff;
	v33 =	vadd.s32 v1, v34;
	[tilespmem:s26+$0x20] =	vst v22  }
0x66: {  	v35 =	vadd.s32 v2, v8;
	s28 =	sadd.s32 $0x100, s28;
	s30 =	sadd.s32 $0x1, s0;
	s0 =	sadd.s32 $0x2, s0;
	[tilespmem:s25+$0x10] =	vst v20;
	v39 =	vld.idx.msk [tilespmem:v27+s3+$0x0], $0xffff  }
0x67: {  	v40 =	vadd.s32 v3, v29;
	v29 =	vmov v8;
	p5 =	slt.s32 s0, s22;
	v25 =	vadd.s32 v6, v25;
	[tilespmem:s28+$0x0] =	vst v14;
	v22 =	vld.idx.msk [tilespmem:v28+s3+$0x0], $0xffff  }
.Ltmp11:
0x68: {  	v8 =	vmovc v34;
	v34 =	vmov v36;
	v12 =	vadd.s32 v0, v25;
	[tilespmem:s28+$0xFFFFFF80] =	vst v37;
	v20 =	vld.idx.msk [tilespmem:v17+s3+$0x0], $0xffff;
	v36 =	vmov v25;
	(pc) =	sbr.rel @p5 .LBB2_22-.Ltmp11, $4  }
0x69: {  	v27 =	vadd.s32 v3, v26;
	v26 =	vmovc v7;
	v7 =	vmov v38;
	v17 =	vmul.u32 s30, v5;
	v14 =	vld.idx.msk [tilespmem:v13+s3+$0x0], $0xffff;
	[tilespmem:s25+$0xFFFFFF90] =	vst v23  }
0x6a: {  	v28 =	vadd.s32 v2, v26;
	v23 =	vld.idx.msk [tilespmem:v33+s3+$0x0], $0xffff;
	[tilespmem:s26+$0xFFFFFFA0] =	vst v30  }
0x6b: {  	v38 =	vadd.s32 v6, v17;
	v17 =	vadd.s32 v1, v7;
	v37 =	vmov v31;
	v30 =	vld.idx.msk [tilespmem:v35+s3+$0x0], $0xffff;
	[tilespmem:s29+$0xFFFFFFB0] =	vst v32;
	s29 =	smov.u32 s26;
	s26 =	smov.u32 s25;
	s25 =	smov.u32 s28  }
0x6c: {  	v13 =	vadd.s32 v0, v38;
	v32 =	vld.idx.msk [tilespmem:v40+s3+$0x0], $0xffff;
	[tilespmem:s29+$0x30] =	vst v39  }
0x6d: {  	v31 =	vmov v8;
	v35 =	vmov v7  }
0x6e: {  	v33 =	vmovc v34;
	v25 =	vmovc v37;
	v8 =	vmov v36;
	v34 =	vmov v26;
	v7 =	vmov v38  }
.LBB2_24:
0x6f: {  	_ =	sdelay $0x2  }
0x70: {  	s0 =	sadd.s32 @p2 $0x100, s28;
	s28 =	smov.u32 s23;
	v26 =	vadd.s32 @p1 v1, v33;
	[tilespmem:s25+$0x10] =	vst @p2 v20  }
0x71: {  	[tilespmem:s26+$0x20] =	vst @p3 v22;
	v13 =	vld.idx.msk [tilespmem:v13+s3+$0x0], $0xffff;
	s28 =	smov.u32 @p2 s0  }
0x72: {  	v12 =	vld.idx.msk [tilespmem:v12+s3+$0x0], $0xffff;
	v57 =	vadd.s32 v1, v7;
	[tilespmem:s28+$0x0] =	vst @p1 v14  }
0x73: {  	v58 =	vadd.s32 v1, v8;
	v14 =	vld.idx.msk @p2 [tilespmem:v28+s3+$0x0], $0xffff;
	[tilespmem:s28+$0xFFFFFF80] =	vst @p1 v25  }
0x74: {  	v22 =	vmov @p1 v35;
	[tilespmem:s29+$0xFFFFFFB0] =	vst @p4 v32;
	s29 =	sadd.s32 @p1 $0x100, s28;
	v17 =	vld.idx.msk @p1 [tilespmem:v17+s3+$0x0], $0xffff  }
0x75: {  	v20 =	vadd.s32 @p2 v2, v31;
	[tilespmem:s25+$0xFFFFFF90] =	vst @p2 v23;
	s0 =	smov.u32 s23;
	v28 =	vmov @p1 v33;
	s23 =	smov.u32 @p1 s29;
	v23 =	vld.idx.msk @p1 [tilespmem:v26+s3+$0x0], $0xffff;
	v26 =	vadd.s32 @p1 v2, v22  }
0x76: {  	v27 =	vld.idx.msk @p3 [tilespmem:v27+s3+$0x0], $0xffff;
	v11 =	vpsel p1, v28, v11;
	[tilespmem:s23+$0x0] =	vst v13;
	v24 =	vpsel p1, v26, v24  }
0x77: {  	[tilespmem:s23+$0xFFFFFF80] =	vst v12;
	v26 =	vadd.s32 @p3 v3, v29;
	v29 =	vadd.s32 @p1 v2, v11;
	v59 =	vld.idx.msk [tilespmem:v57+s3+$0x0], $0xffff  }
0x78: {  	v61 =	vadd.s32 v2, v7;
	v62 =	vadd.s32 v2, v8;
	v60 =	vld.idx.msk [tilespmem:v58+s3+$0x0], $0xffff  }
0x79: {  	[tilespmem:s26+$0xFFFFFFA0] =	vst @p3 v30;
	s24 =	smov.u32 @p1 s28;
	v28 =	vadd.s32 @p2 v3, v34;
	v14 =	vpsel p2, v14, v15;
	v15 =	vpsel p1, v17, v16  }
0x7a: {  	v30 =	vmov @p2 v31;
	v20 =	vld.idx.msk @p2 [tilespmem:v20+s3+$0x0], $0xffff;
	v13 =	vpsel p2, v28, v19;
	[tilespmem:s24+$0x10] =	vst @p1 v15;
	v16 =	vpsel p1, v23, v21  }
0x7b: {  	v10 =	vpsel p1, v22, v10;
	v9 =	vpsel p2, v30, v9;
	v19 =	vld.idx.msk @p1 [tilespmem:v24+s3+$0x0], $0xffff;
	[tilespmem:s24+$0xFFFFFF90] =	vst @p1 v16  }
0x7c: {  	v10 =	vadd.s32 @p1 v3, v10;
	v9 =	vadd.s32 @p2 v3, v9;
	[tilespmem:s23+$0x10] =	vst v59;
	v21 =	vld.idx.msk @p1 [tilespmem:v29+s3+$0x0], $0xffff  }
0x7d: {  	s0 =	smov.u32 @p2 s25;
	v10 =	vpsel p1, v10, v0;
	[tilespmem:s23+$0xFFFFFF90] =	vst v60;
	v63 =	vld.idx.msk [tilespmem:v61+s3+$0x0], $0xffff  }
0x7e: {  	v7 =	vadd.s32 v3, v7;
	v8 =	vadd.s32 v3, v8;
	[tilespmem:s0+$0x20] =	vst @p2 v14;
	v15 =	vld.idx.msk [tilespmem:v62+s3+$0x0], $0xffff  }
0x7f: {  	[tilespmem:s26+$0x30] =	vst @p3 v27;
	v11 =	vpsel p1, v11, v0;
	v13 =	vld.idx.msk @p2 [tilespmem:v13+s3+$0x0], $0xffff;
	v12 =	vpsel p2, v20, v18  }
0x80: {  	v11 =	vadd.s32 @p1 v3, v11;
	v22 =	vld.idx.msk @p3 [tilespmem:v26+s3+$0x0], $0xffff;
	[tilespmem:s0+$0xFFFFFFA0] =	vst @p2 v12;
	s24 =	smov.u32 @p1 s24;
	v12 =	vpsel p1, v19, v0  }
0x81: {  	v9 =	vld.idx.msk @p2 [tilespmem:v9+s3+$0x0], $0xffff;
	[tilespmem:s24+$0x20] =	vst @p1 v12  }
0x82: {  	[tilespmem:s23+$0x20] =	vst v63;
	v10 =	vld.idx.msk @p1 [tilespmem:v10+s3+$0x0], $0xffff  }
0x83: {  	v16 =	vpsel p1, v21, v0;
	[tilespmem:s23+$0xFFFFFFA0] =	vst v15;
	v7 =	vld.idx.msk [tilespmem:v7+s3+$0x0], $0xffff  }
0x84: {  	[tilespmem:s24+$0xFFFFFFA0] =	vst @p1 v16;
	v8 =	vld.idx.msk [tilespmem:v8+s3+$0x0], $0xffff  }
0x85: {  	s25 =	smov.u32 @p3 s26;
	[tilespmem:s0+$0x30] =	vst @p2 v13;
	v12 =	vpsel p3, v22, v0;
	v11 =	vld.idx.msk @p1 [tilespmem:v11+s3+$0x0], $0xffff  }
0x86: {  	s0 =	smov.u32 @p2 s0;
	v9 =	vpsel p2, v9, v0;
	[tilespmem:s25+$0xFFFFFFB0] =	vst @p3 v12  }
0x87: {  	[tilespmem:s0+$0xFFFFFFB0] =	vst @p2 v9;
	s0 =	smov.u32 @p1 s24  }
0x88: {  	[tilespmem:s0+$0x30] =	vst @p1 v10  }
0x89: {  	[tilespmem:s23+$0x30] =	vst v7  }
0x8a: {  	s0 =	smov.u32 @p1 s0;
	[tilespmem:s23+$0xFFFFFFB0] =	vst v8;
	v9 =	vpsel p1, v11, v0  }
0x8b: {  	[tilespmem:s0+$0xFFFFFFB0] =	vst @p1 v9  }
.LBB2_6:
0x8c: {  	p1 =	sge.s32 s22, s19  }
.Ltmp12:
0x8d: {  	_ = 	snop;
	(pc) =	sbr.rel @p1 .LBB2_9-.Ltmp12, $1  }
0x8e: {  	_ =	sdelay $0x3  }
0x8f: {  	s0 =	ssub.s32 s19, s22  }
0x90: {  	s31 =	sshll.u32 s21, $0x9;
	s23 =	sshll.u32 s0, $0x9  }
0x91: {  	s22 =	ssub.s32 s31, s23  }
0x92: {  	s22 =	sshra.s32 s22, $0x2  }
0x93: {  	s0 =	ssub.s32 $0x0, s0;
	s22 =	sadd.s32 $0x9020, s22  }
.LBB2_8:
0x94: {  	s23 =	sadd.s32 s0, s19  }
0x95: {  	v7 =	vmul.u32 s23, v5;
	_ =	sdelay $0x1  }
0x96: {  	v7 =	vadd.s32 v6, v7  }
0x97: {  	v8 =	vadd.s32 v0, v7;
	_ =	sdelay $0x4  }
0x98: {  	v8 =	vld.idx.msk [tilespmem:v8+s3+$0x0], $0xffff  }
0x99: {  	v9 =	vadd.s32 v1, v7;
	_ =	sdelay $0x3  }
0x9a: {  	[tilespmem:s22+$0xFFFFFFE0] =	vst v8  }
0x9b: {  	v8 =	vld.idx.msk [tilespmem:v9+s3+$0x0], $0xffff  }
0x9c: {  	v63 =	vadd.s32 v2, v7;
	_ =	sdelay $0x3  }
0x9d: {  	[tilespmem:s22+$0xFFFFFFF0] =	vst v8  }
0x9e: {  	v8 =	vld.idx.msk [tilespmem:v63+s3+$0x0], $0xffff  }
0x9f: {  	v7 =	vadd.s32 v3, v7;
	_ =	sdelay $0x3  }
0xa0: {  	s0 =	sadd.s32 $0x1, s0;
	[tilespmem:s22+$0x0] =	vst v8  }
0xa1: {  	p1 =	seq.s32 s0, $0x0;
	v7 =	vld.idx.msk [tilespmem:v7+s3+$0x0], $0xffff  }
.Ltmp13:
0xa2: {  	_ = 	snop;
	(pc) =	sbr.rel @!p1 .LBB2_8-.Ltmp13, $2  }
0xa3: {  	_ =	sdelay $0x2  }
0xa4: {  	[tilespmem:s22+$0x10] =	vst v7;
	s22 =	sadd.s32 $0x80, s22  }
.LBB2_9:
0xa5: {  	s0 =	ssub.s32 $0x40, s19  }
0xa6: {  	s22 =	sshrl.u32 s0, $0x1F  }
0xa7: {  	s0 =	sadd.s32 s22, s0  }
0xa8: {  	s0 =	sand.u32 $0xFFFFFFFE, s0  }
0xa9: {  	s22 =	sadd.s32 s19, s0  }
0xaa: {  	p1 =	sge.s32 s19, s22  }
.Ltmp14:
0xab: {  	_ = 	snop;
	(pc) =	sbr.rel @p1 .LBB2_13-.Ltmp14, $1  }
0xac: {  	_ =	sdelay $0x3  }
0xad: {  	s0 =	sshll.u32 s21, $0x9  }
0xae: {  	s0 =	sshra.s32 s0, $0x2  }
0xaf: {  	s0 =	sadd.s32 $0x9080, s0  }
0xb0: {  	s19 =	sadd.s32 $0x2, s19;
	[tilespmem:s0+$0xFFFFFF80] =	vst v4  }
0xb1: {  	p1 =	slt.s32 s19, s22;
	[tilespmem:s0+$0x30] =	vst v4  }
.Ltmp15:
0xb2: {  	[tilespmem:s0+$0x20] =	vst v4;
	(pc) =	sbr.rel @!p1 .LBB2_12-.Ltmp15, $4  }
0xb3: {  	[tilespmem:s0+$0x10] =	vst v4  }
0xb4: {  	[tilespmem:s0+$0x0] =	vst v4  }
0xb5: {  	[tilespmem:s0+$0xFFFFFFB0] =	vst v4  }
0xb6: {  	[tilespmem:s0+$0xFFFFFFA0] =	vst v4  }
.LBB2_11:
0xb7: {  	s19 =	sadd.s32 $0x2, s19;
	[tilespmem:s0+$0xFFFFFF90] =	vst v4;
	s0 =	sadd.s32 $0x100, s0  }
0xb8: {  	[tilespmem:s0+$0xFFFFFF80] =	vst v4;
	p1 =	slt.s32 s19, s22  }
0xb9: {  	[tilespmem:s0+$0x30] =	vst v4  }
.Ltmp16:
0xba: {  	[tilespmem:s0+$0x20] =	vst v4;
	(pc) =	sbr.rel @p1 .LBB2_11-.Ltmp16, $4  }
0xbb: {  	[tilespmem:s0+$0x10] =	vst v4  }
0xbc: {  	[tilespmem:s0+$0x0] =	vst v4  }
0xbd: {  	[tilespmem:s0+$0xFFFFFFB0] =	vst v4  }
0xbe: {  	[tilespmem:s0+$0xFFFFFFA0] =	vst v4  }
.LBB2_12:
0xbf: {  	[tilespmem:s0+$0xFFFFFF90] =	vst v4  }
.LBB2_13:
0xc0: {  	p1 =	slt.s32 s22, $0x40  }
.Ltmp17:
0xc1: {  	_ = 	snop;
	(pc) =	sbr.rel @!p1 .LBB2_37-.Ltmp17, $1  }
0xc2: {  	_ =	sdelay $0x3  }
.LBB2_63:
0xc3: {  	s0 =	sshll.u32 s22, $0x9  }
0xc4: {  	s0 =	sshra.s32 s0, $0x2  }
0xc5: {  	[tilespmem:s0+$0x9000] =	vst v4  }
0xc6: {  	[tilespmem:s0+$0x9010] =	vst v4  }
0xc7: {  	[tilespmem:s0+$0x9020] =	vst v4  }
0xc8: {  	[tilespmem:s0+$0x9030] =	vst v4  }
.LBB2_37:
0xc9: {  	s0 =	sadd.s32 s6, s17  }
0xca: {  	s0 =	smul.u32 $0x6000, s0;
	_ =	sdelay $0x1  }
0xcb: {  	s0 =	sshrl.u32 s0, $0x3  }
0xcc: {  	s19 =	sadd.s32 s2, s0  }
0xcd: {  	[hbm4b:s19+s3] =	stream.linear.scatter [tilespmem:s10], [sflag:$0x1], $0x2000, $0x38;
	[tilespmem:$0xF000] =	vst v63  }
0xce: {  	v6 =	vld [tilespmem:s18+$0x8030];
	_ =	sdelay $0x3  }
0xcf: {  	v5 =	vld [tilespmem:s18+$0x8050]  }
0xd0: {  	v7 =	vxor.u32 $0x80000000, v6  }
0xd1: {  	(xrf0) =	vmax.scan.msk.u32 $0xffff, v7;
	_ =	sdelay $0x2  }
0xd2: {  	v5 =	vxor.u32 $0x80000000, v5  }
0xd3: {  	(xrf0) =	vmax.scan.msk.u32 $0xffff, v5;
	_ =	sdelay $0x1  }
0xd4: {  	v5, _, _ =	vpop (xrf0)  }
0xd5: {  	(v2sf) =	vpush v5, $0xF;
	_ =	sdelay $0x2  }
0xd6: {  	v5, _, _ =	vpop (xrf0)  }
0xd7: {  	(v2sf) =	vpush v5, $0xF;
	_ =	sdelay $0xa  }
0xd8: {  	s31 =	spop (v2sf)  }
0xd9: {  	s0 =	sxor.u32 $0x80000000, s31  }
0xda: {  	v7 =	vld [tilespmem:s18+$0x8040];
	p1 =	slt.s32 s0, $0x40  }
.Ltmp18:
0xdb: {  	_ = 	snop;
	(pc) =	sbr.rel @p1 .LBB2_92-.Ltmp18, $4  }
0xdc: {  	s1 =	simm.s32 @!p0 $0x2;
	s21 =	spop (v2sf)  }
0xdd: {  	_ =	swait.ge @!p0 [sflag:s1], $0x2000  }
0xde: {  	v5 =	vmov s20;
	s20 =	sxor.u32 $0x80000000, s21;
	[sflag:s1] =	ssyncset.done @!p0 $0x0  }
0xdf: {  	v7 =	vadd.s32 v5, v7;
	s22 =	sshrl.u32 s20, $0x1F;
	[sflag:s1] =	ssyncadd.s32 @!p0 $0xFFFFE000  }
0xe0: {  	s0 =	sadd.s32 s22, s20  }
0xe1: {  	s22 =	sand.u32 $0xFFFFFFFE, s0  }
0xe2: {  	p1 =	slt.s32 s22, $0x1  }
.Ltmp19:
0xe3: {  	_ = 	snop;
	(pc) =	sbr.rel @p1 .LBB2_73-.Ltmp19, $1  }
0xe4: {  	_ =	sdelay $0x3  }
0xe5: {  	p5 =	sgt.s32 s22, $0x2  }
.Ltmp20:
0xe6: {  	s0 =	simm.s32 $0x0;
	s1 =	simm.s32 $0x1;
	(pc) =	sbr.rel @!p5 .LBB2_40-.Ltmp20, $3  }
0xe7: {  	v8 =	vmul.u32 s0, v6;
	v9 =	vmul.u32 s1, v6;
	_ =	sdelay $0x1  }
0xe8: {  	s23 =	simm.s32 $0xB080;
	p1 =	por $0x0, $0x0;
	p2 =	por $0x0, $0x0;
	v10 =	vadd.s32 v7, v8;
	v8 =	vadd.s32 v7, v9  }
0xe9: {  	p3 =	por $0x0, $0x0;
	p4 =	por $0x0, $0x0;
	s0 =	simm.s32 $0x2;
	v13 =	vadd.s32 v0, v10;
	v14 =	vadd.s32 v0, v8  }
0xea: {  	p5 =	sgt.s32 s22, $0x4  }
.Ltmp21:
0xeb: {  	s1 =	simm.s32 $0x3;
	(pc) =	sbr.rel @!p5 .LBB2_82-.Ltmp21, $3  }
0xec: {  	v9 =	vmul.u32 s0, v6;
	v11 =	vmul.u32 s1, v6;
	_ =	sdelay $0x1  }
0xed: {  	v26 =	vld.idx.msk [tilespmem:v13+s3+$0x0], $0xffff;
	v12 =	vadd.s32 v7, v9;
	v11 =	vadd.s32 v7, v11  }
0xee: {  	v15 =	vld.idx.msk [tilespmem:v14+s3+$0x0], $0xffff;
	s0 =	simm.s32 $0x4;
	v18 =	vadd.s32 v1, v8;
	p1 =	por $0x1, $0x1;
	v13 =	vadd.s32 v0, v12;
	v14 =	vadd.s32 v0, v11  }
0xef: {  	_ =	sdelay $0x1  }
0xf0: {  	v16 =	vadd.s32 v1, v10;
	p5 =	sgt.s32 s22, $0x6  }
.Ltmp22:
0xf1: {  	s31 =	simm.s32 $0x5;
	(pc) =	sbr.rel @!p5 .LBB2_84-.Ltmp22, $4  }
0xf2: {  	v9 =	vmul.u32 s0, v6;
	v19 =	vld.idx.msk [tilespmem:v13+s3+$0x0], $0xffff;
	v17 =	vmul.u32 s31, v6  }
0xf3: {  	v29 =	vadd.s32 v2, v8;
	[tilespmem:s23+$0x0] =	vst v15;
	v15 =	vld.idx.msk [tilespmem:v14+s3+$0x0], $0xffff  }
0xf4: {  	v9 =	vadd.s32 v7, v9;
	[tilespmem:s23+$0xFFFFFF80] =	vst v26;
	v27 =	vadd.s32 v7, v17;
	v21 =	vld.idx.msk [tilespmem:v18+s3+$0x0], $0xffff  }
0xf5: {  	s0 =	simm.s32 $0x6;
	p2 =	por $0x1, $0x1;
	v13 =	vadd.s32 v0, v9;
	v14 =	vadd.s32 v0, v27;
	v24 =	vld.idx.msk [tilespmem:v16+s3+$0x0], $0xffff;
	v18 =	vadd.s32 v1, v11  }
0xf6: {  	_ =	sdelay $0x2  }
0xf7: {  	v22 =	vadd.s32 v1, v12  }
0xf8: {  	v26 =	vld.idx.msk [tilespmem:v13+s3+$0x0], $0xffff;
	v23 =	vadd.s32 v2, v10;
	s24 =	simm.s32 $0xB180;
	p5 =	sgt.s32 s22, $0x8  }
.Ltmp23:
0xf9: {  	s31 =	simm.s32 $0x7;
	[tilespmem:s24+$0x0] =	vst v15;
	v15 =	vld.idx.msk [tilespmem:v14+s3+$0x0], $0xffff;
	(pc) =	sbr.rel @!p5 .LBB2_86-.Ltmp23, $4  }
0xfa: {  	v13 =	vmul.u32 s0, v6;
	[tilespmem:s23+$0x10] =	vst v21;
	v17 =	vld.idx.msk [tilespmem:v18+s3+$0x0], $0xffff;
	v18 =	vmul.u32 s31, v6  }
0xfb: {  	v20 =	vadd.s32 v3, v8;
	v25 =	vadd.s32 v2, v11;
	[tilespmem:s24+$0xFFFFFF80] =	vst v19;
	v16 =	vld.idx.msk [tilespmem:v29+s3+$0x0], $0xffff  }
0xfc: {  	v35 =	vadd.s32 v7, v13;
	[tilespmem:s23+$0xFFFFFF90] =	vst v24;
	v22 =	vld.idx.msk [tilespmem:v22+s3+$0x0], $0xffff;
	v8 =	vadd.s32 v7, v18  }
0xfd: {  	s0 =	simm.s32 $0x8;
	p3 =	por $0x1, $0x1;
	v13 =	vadd.s32 v0, v35;
	v18 =	vadd.s32 v1, v27;
	v19 =	vld.idx.msk [tilespmem:v23+s3+$0x0], $0xffff;
	v14 =	vadd.s32 v0, v8  }
0xfe: {  	_ =	sdelay $0x2  }
0xff: {  	s25 =	simm.s32 $0xB280  }
0x100: {  	v38 =	vld.idx.msk [tilespmem:v13+s3+$0x0], $0xffff;
	v24 =	vadd.s32 v1, v9;
	v13 =	vmul.u32 s0, v6;
	[tilespmem:s25+$0x0] =	vst v15  }
0x101: {  	v30 =	vadd.s32 v2, v12;
	v15 =	vld.idx.msk [tilespmem:v14+s3+$0x0], $0xffff;
	[tilespmem:s23+$0x20] =	vst v16  }
0x102: {  	v33 =	vadd.s32 v3, v10;
	p5 =	sgt.s32 s22, $0xA;
	[tilespmem:s24+$0x10] =	vst v17;
	v37 =	vadd.s32 v7, v13;
	v32 =	vld.idx.msk [tilespmem:v20+s3+$0x0], $0xffff  }
.Ltmp24:
0x103: {  	s31 =	simm.s32 $0x9;
	v23 =	vld.idx.msk [tilespmem:v25+s3+$0x0], $0xffff;
	v13 =	vadd.s32 v0, v37;
	(pc) =	sbr.rel @!p5 .LBB2_88-.Ltmp24, $4  }
0x104: {  	v28 =	vadd.s32 v3, v11;
	[tilespmem:s25+$0xFFFFFF80] =	vst v26;
	v21 =	vld.idx.msk [tilespmem:v18+s3+$0x0], $0xffff;
	v18 =	vmul.u32 s31, v6  }
0x105: {  	v29 =	vadd.s32 v2, v27;
	[tilespmem:s24+$0xFFFFFF90] =	vst v22;
	v24 =	vld.idx.msk [tilespmem:v24+s3+$0x0], $0xffff  }
0x106: {  	s0 =	simm.s32 $0xA;
	p4 =	por $0x1, $0x1;
	[tilespmem:s23+$0xFFFFFFA0] =	vst v19;
	v39 =	vadd.s32 v7, v18;
	v18 =	vadd.s32 v1, v8;
	v31 =	vld.idx.msk [tilespmem:v30+s3+$0x0], $0xffff  }
0x107: {  	s26 =	simm.s32 $0xB180;
	s28 =	simm.s32 $0xB280;
	s29 =	simm.s32 $0xB080;
	v14 =	vadd.s32 v0, v39;
	v33 =	vld.idx.msk [tilespmem:v33+s3+$0x0], $0xffff;
	v30 =	vmov v12;
	[tilespmem:s23+$0x30] =	vst v32  }
.LBB2_89:
0x108: {  	v26 =	vmul.u32 s0, v6;
	v32 =	vld.idx.msk [tilespmem:v13+s3+$0x0], $0xffff;
	v34 =	vadd.s32 v1, v35;
	[tilespmem:s26+$0x20] =	vst v23  }
0x109: {  	v36 =	vadd.s32 v2, v9;
	s28 =	sadd.s32 $0x100, s28;
	s1 =	sadd.s32 $0x1, s0;
	s0 =	sadd.s32 $0x2, s0;
	[tilespmem:s25+$0x10] =	vst v21;
	v40 =	vld.idx.msk [tilespmem:v28+s3+$0x0], $0xffff  }
0x10a: {  	v41 =	vadd.s32 v3, v30;
	v30 =	vmov v9;
	p5 =	slt.s32 s0, s22;
	v26 =	vadd.s32 v7, v26;
	[tilespmem:s28+$0x0] =	vst v15;
	v23 =	vld.idx.msk [tilespmem:v29+s3+$0x0], $0xffff  }
.Ltmp25:
0x10b: {  	v9 =	vmovc v35;
	v35 =	vmov v37;
	v13 =	vadd.s32 v0, v26;
	[tilespmem:s28+$0xFFFFFF80] =	vst v38;
	v21 =	vld.idx.msk [tilespmem:v18+s3+$0x0], $0xffff;
	v37 =	vmov v26;
	(pc) =	sbr.rel @p5 .LBB2_89-.Ltmp25, $4  }
0x10c: {  	v28 =	vadd.s32 v3, v27;
	v27 =	vmovc v8;
	v8 =	vmov v39;
	v18 =	vmul.u32 s1, v6;
	v15 =	vld.idx.msk [tilespmem:v14+s3+$0x0], $0xffff;
	[tilespmem:s25+$0xFFFFFF90] =	vst v24  }
0x10d: {  	v29 =	vadd.s32 v2, v27;
	v24 =	vld.idx.msk [tilespmem:v34+s3+$0x0], $0xffff;
	[tilespmem:s26+$0xFFFFFFA0] =	vst v31  }
0x10e: {  	v39 =	vadd.s32 v7, v18;
	v18 =	vadd.s32 v1, v8;
	v38 =	vmov v32;
	v31 =	vld.idx.msk [tilespmem:v36+s3+$0x0], $0xffff;
	[tilespmem:s29+$0xFFFFFFB0] =	vst v33;
	s29 =	smov.u32 s26;
	s26 =	smov.u32 s25;
	s25 =	smov.u32 s28  }
0x10f: {  	v14 =	vadd.s32 v0, v39;
	v33 =	vld.idx.msk [tilespmem:v41+s3+$0x0], $0xffff;
	[tilespmem:s29+$0x30] =	vst v40  }
0x110: {  	v32 =	vmov v9;
	v36 =	vmov v8  }
0x111: {  	v34 =	vmovc v35;
	v26 =	vmovc v38;
	v9 =	vmov v37;
	v35 =	vmov v27;
	v8 =	vmov v39  }
.LBB2_91:
0x112: {  	_ =	sdelay $0x2  }
0x113: {  	v27 =	vadd.s32 @p1 v1, v34  }
0x114: {  	s0 =	sadd.s32 @p2 $0x100, s28;
	s1 =	smov.u32 s23;
	[tilespmem:s25+$0x10] =	vst @p2 v21;
	v14 =	vld.idx.msk [tilespmem:v14+s3+$0x0], $0xffff  }
0x115: {  	[tilespmem:s26+$0x20] =	vst @p3 v23;
	v13 =	vld.idx.msk [tilespmem:v13+s3+$0x0], $0xffff;
	v56 =	vadd.s32 v1, v8;
	s1 =	smov.u32 @p2 s0  }
0x116: {  	v57 =	vadd.s32 v1, v9;
	[tilespmem:s1+$0x0] =	vst @p1 v15;
	v15 =	vld.idx.msk @p2 [tilespmem:v29+s3+$0x0], $0xffff  }
0x117: {  	v23 =	vmov @p1 v36;
	[tilespmem:s1+$0xFFFFFF80] =	vst @p1 v26;
	s9 =	sadd.s32 @p1 $0x100, s1;
	v18 =	vld.idx.msk @p1 [tilespmem:v18+s3+$0x0], $0xffff  }
0x118: {  	v21 =	vadd.s32 @p2 v2, v32;
	[tilespmem:s25+$0xFFFFFF90] =	vst @p2 v24;
	s0 =	smov.u32 s23;
	v29 =	vmov @p1 v34;
	s23 =	smov.u32 @p1 s9;
	v24 =	vld.idx.msk @p1 [tilespmem:v27+s3+$0x0], $0xffff;
	v27 =	vadd.s32 @p1 v2, v23  }
0x119: {  	v28 =	vld.idx.msk @p3 [tilespmem:v28+s3+$0x0], $0xffff;
	v12 =	vpsel p1, v29, v12;
	[tilespmem:s23+$0x0] =	vst v14;
	v25 =	vpsel p1, v27, v25  }
0x11a: {  	[tilespmem:s23+$0xFFFFFF80] =	vst v13;
	v27 =	vadd.s32 @p3 v3, v30;
	v30 =	vadd.s32 @p1 v2, v12;
	v58 =	vld.idx.msk [tilespmem:v56+s3+$0x0], $0xffff  }
0x11b: {  	v60 =	vadd.s32 v2, v8;
	v61 =	vadd.s32 v2, v9;
	[tilespmem:s26+$0xFFFFFFA0] =	vst @p3 v31;
	v59 =	vld.idx.msk [tilespmem:v57+s3+$0x0], $0xffff  }
0x11c: {  	[tilespmem:s29+$0xFFFFFFB0] =	vst @p4 v33;
	s24 =	smov.u32 @p1 s1;
	v29 =	vadd.s32 @p2 v3, v35;
	v15 =	vpsel p2, v15, v16;
	v16 =	vpsel p1, v18, v17  }
0x11d: {  	v31 =	vmov @p2 v32;
	v21 =	vld.idx.msk @p2 [tilespmem:v21+s3+$0x0], $0xffff;
	v14 =	vpsel p2, v29, v20;
	[tilespmem:s24+$0x10] =	vst @p1 v16;
	v17 =	vpsel p1, v24, v22  }
0x11e: {  	v11 =	vpsel p1, v23, v11;
	v10 =	vpsel p2, v31, v10;
	v20 =	vld.idx.msk @p1 [tilespmem:v25+s3+$0x0], $0xffff;
	[tilespmem:s24+$0xFFFFFF90] =	vst @p1 v17  }
0x11f: {  	v11 =	vadd.s32 @p1 v3, v11;
	s9 =	smov.u32 @p2 s25;
	v10 =	vadd.s32 @p2 v3, v10;
	[tilespmem:s23+$0x10] =	vst v58;
	v22 =	vld.idx.msk @p1 [tilespmem:v30+s3+$0x0], $0xffff  }
0x120: {  	v11 =	vpsel p1, v11, v0;
	s0 =	smov.u32 @p2 s9;
	[tilespmem:s23+$0xFFFFFF90] =	vst v59;
	v62 =	vld.idx.msk [tilespmem:v60+s3+$0x0], $0xffff  }
0x121: {  	v8 =	vadd.s32 v3, v8;
	v63 =	vadd.s32 v3, v9;
	s1 =	smov.u32 @p3 s26;
	[tilespmem:s0+$0x20] =	vst @p2 v15;
	v16 =	vld.idx.msk [tilespmem:v61+s3+$0x0], $0xffff  }
0x122: {  	s9 =	smov.u32 @p1 s24;
	[tilespmem:s1+$0x30] =	vst @p3 v28;
	v12 =	vpsel p1, v12, v0;
	v14 =	vld.idx.msk @p2 [tilespmem:v14+s3+$0x0], $0xffff;
	v13 =	vpsel p2, v21, v19  }
0x123: {  	s9 =	smov.u32 @p1 s9;
	v12 =	vadd.s32 @p1 v3, v12;
	v23 =	vld.idx.msk @p3 [tilespmem:v27+s3+$0x0], $0xffff;
	[tilespmem:s0+$0xFFFFFFA0] =	vst @p2 v13;
	v13 =	vpsel p1, v20, v0  }
0x124: {  	v10 =	vld.idx.msk @p2 [tilespmem:v10+s3+$0x0], $0xffff;
	[tilespmem:s9+$0x20] =	vst @p1 v13  }
0x125: {  	[tilespmem:s23+$0x20] =	vst v62;
	v11 =	vld.idx.msk @p1 [tilespmem:v11+s3+$0x0], $0xffff  }
0x126: {  	v17 =	vpsel p1, v22, v0;
	[tilespmem:s23+$0xFFFFFFA0] =	vst v16;
	v8 =	vld.idx.msk [tilespmem:v8+s3+$0x0], $0xffff  }
0x127: {  	[tilespmem:s9+$0xFFFFFFA0] =	vst @p1 v17;
	v9 =	vld.idx.msk [tilespmem:v63+s3+$0x0], $0xffff  }
0x128: {  	s1 =	smov.u32 @p3 s1;
	[tilespmem:s0+$0x30] =	vst @p2 v14;
	v13 =	vpsel p3, v23, v0;
	v12 =	vld.idx.msk @p1 [tilespmem:v12+s3+$0x0], $0xffff  }
0x129: {  	s0 =	smov.u32 @p2 s0;
	v10 =	vpsel p2, v10, v0;
	[tilespmem:s1+$0xFFFFFFB0] =	vst @p3 v13  }
0x12a: {  	[tilespmem:s0+$0xFFFFFFB0] =	vst @p2 v10;
	s0 =	smov.u32 @p1 s9  }
0x12b: {  	[tilespmem:s0+$0x30] =	vst @p1 v11  }
0x12c: {  	[tilespmem:s23+$0x30] =	vst v8  }
0x12d: {  	s0 =	smov.u32 @p1 s0;
	[tilespmem:s23+$0xFFFFFFB0] =	vst v9;
	v10 =	vpsel p1, v12, v0  }
0x12e: {  	[tilespmem:s0+$0xFFFFFFB0] =	vst @p1 v10  }
.LBB2_73:
0x12f: {  	p1 =	sge.s32 s22, s20  }
.Ltmp26:
0x130: {  	_ = 	snop;
	(pc) =	sbr.rel @p1 .LBB2_76-.Ltmp26, $1  }
0x131: {  	_ =	sdelay $0x3  }
0x132: {  	s0 =	ssub.s32 s20, s22  }
0x133: {  	s1 =	sshll.u32 s21, $0x9;
	s9 =	sshll.u32 s0, $0x9  }
0x134: {  	s1 =	ssub.s32 s1, s9  }
0x135: {  	s1 =	sshra.s32 s1, $0x2  }
0x136: {  	s0 =	ssub.s32 $0x0, s0;
	s22 =	sadd.s32 $0xB020, s1  }
.LBB2_75:
0x137: {  	s1 =	sadd.s32 s0, s20  }
0x138: {  	v8 =	vmul.u32 s1, v6;
	_ =	sdelay $0x1  }
0x139: {  	v8 =	vadd.s32 v7, v8  }
0x13a: {  	v9 =	vadd.s32 v0, v8;
	_ =	sdelay $0x4  }
0x13b: {  	v9 =	vld.idx.msk [tilespmem:v9+s3+$0x0], $0xffff  }
0x13c: {  	v10 =	vadd.s32 v1, v8;
	_ =	sdelay $0x3  }
0x13d: {  	[tilespmem:s22+$0xFFFFFFE0] =	vst v9  }
0x13e: {  	v9 =	vld.idx.msk [tilespmem:v10+s3+$0x0], $0xffff  }
0x13f: {  	v63 =	vadd.s32 v2, v8;
	_ =	sdelay $0x3  }
0x140: {  	[tilespmem:s22+$0xFFFFFFF0] =	vst v9  }
0x141: {  	v9 =	vld.idx.msk [tilespmem:v63+s3+$0x0], $0xffff  }
0x142: {  	v8 =	vadd.s32 v3, v8;
	_ =	sdelay $0x3  }
0x143: {  	s0 =	sadd.s32 $0x1, s0;
	[tilespmem:s22+$0x0] =	vst v9  }
0x144: {  	p1 =	seq.s32 s0, $0x0;
	v8 =	vld.idx.msk [tilespmem:v8+s3+$0x0], $0xffff  }
.Ltmp27:
0x145: {  	_ = 	snop;
	(pc) =	sbr.rel @!p1 .LBB2_75-.Ltmp27, $2  }
0x146: {  	_ =	sdelay $0x2  }
0x147: {  	[tilespmem:s22+$0x10] =	vst v8;
	s22 =	sadd.s32 $0x80, s22  }
.LBB2_76:
0x148: {  	s0 =	ssub.s32 $0x40, s20  }
0x149: {  	s1 =	sshrl.u32 s0, $0x1F  }
0x14a: {  	s0 =	sadd.s32 s1, s0  }
0x14b: {  	s0 =	sand.u32 $0xFFFFFFFE, s0  }
0x14c: {  	s22 =	sadd.s32 s20, s0  }
0x14d: {  	p1 =	sge.s32 s20, s22  }
.Ltmp28:
0x14e: {  	_ = 	snop;
	(pc) =	sbr.rel @p1 .LBB2_80-.Ltmp28, $1  }
0x14f: {  	_ =	sdelay $0x3  }
0x150: {  	s0 =	sshll.u32 s21, $0x9  }
0x151: {  	s0 =	sshra.s32 s0, $0x2  }
0x152: {  	s0 =	sadd.s32 $0xB080, s0  }
0x153: {  	s20 =	sadd.s32 $0x2, s20;
	[tilespmem:s0+$0xFFFFFF80] =	vst v4  }
0x154: {  	p1 =	slt.s32 s20, s22;
	[tilespmem:s0+$0x30] =	vst v4  }
.Ltmp29:
0x155: {  	[tilespmem:s0+$0x20] =	vst v4;
	(pc) =	sbr.rel @!p1 .LBB2_79-.Ltmp29, $4  }
0x156: {  	[tilespmem:s0+$0x10] =	vst v4  }
0x157: {  	[tilespmem:s0+$0x0] =	vst v4  }
0x158: {  	[tilespmem:s0+$0xFFFFFFB0] =	vst v4  }
0x159: {  	[tilespmem:s0+$0xFFFFFFA0] =	vst v4  }
.LBB2_78:
0x15a: {  	s20 =	sadd.s32 $0x2, s20;
	[tilespmem:s0+$0xFFFFFF90] =	vst v4;
	s0 =	sadd.s32 $0x100, s0  }
0x15b: {  	[tilespmem:s0+$0xFFFFFF80] =	vst v4;
	p1 =	slt.s32 s20, s22  }
0x15c: {  	[tilespmem:s0+$0x30] =	vst v4  }
.Ltmp30:
0x15d: {  	[tilespmem:s0+$0x20] =	vst v4;
	(pc) =	sbr.rel @p1 .LBB2_78-.Ltmp30, $4  }
0x15e: {  	[tilespmem:s0+$0x10] =	vst v4  }
0x15f: {  	[tilespmem:s0+$0x0] =	vst v4  }
0x160: {  	[tilespmem:s0+$0xFFFFFFB0] =	vst v4  }
0x161: {  	[tilespmem:s0+$0xFFFFFFA0] =	vst v4  }
.LBB2_79:
0x162: {  	[tilespmem:s0+$0xFFFFFF90] =	vst v4  }
.LBB2_80:
0x163: {  	p1 =	slt.s32 s22, $0x40  }
.Ltmp31:
0x164: {  	_ = 	snop;
	(pc) =	sbr.rel @!p1 .LBB2_104-.Ltmp31, $1  }
0x165: {  	_ =	sdelay $0x3  }
.LBB2_130:
0x166: {  	s0 =	sshll.u32 s22, $0x9  }
0x167: {  	s0 =	sshra.s32 s0, $0x2  }
0x168: {  	[tilespmem:s0+$0xB000] =	vst v4  }
0x169: {  	[tilespmem:s0+$0xB010] =	vst v4  }
0x16a: {  	[tilespmem:s0+$0xB020] =	vst v4  }
0x16b: {  	[tilespmem:s0+$0xB030] =	vst v4  }
.LBB2_104:
0x16c: {  	s0 =	sadd.s32 $0x400, s19  }
0x16d: {  	[hbm4b:s0+s3] =	stream.linear.scatter [tilespmem:s11], [sflag:$0x2], $0x2000, $0x38;
	[tilespmem:$0xF000] =	vst v63  }
0x16e: {  	v6 =	vld [tilespmem:s18+$0x8060];
	_ =	sdelay $0x3  }
0x16f: {  	v7 =	vld [tilespmem:s18+$0x8080]  }
0x170: {  	v8 =	vxor.u32 $0x80000000, v6  }
0x171: {  	(xrf0) =	vmax.scan.msk.u32 $0xffff, v8;
	_ =	sdelay $0x2  }
0x172: {  	v7 =	vxor.u32 $0x80000000, v7  }
0x173: {  	(xrf0) =	vmax.scan.msk.u32 $0xffff, v7;
	_ =	sdelay $0x1  }
0x174: {  	v7, _, _ =	vpop (xrf0)  }
0x175: {  	(v2sf) =	vpush v7, $0xF;
	_ =	sdelay $0x2  }
0x176: {  	v7, _, _ =	vpop (xrf0)  }
0x177: {  	(v2sf) =	vpush v7, $0xF;
	_ =	sdelay $0xa  }
0x178: {  	s31 =	spop (v2sf)  }
0x179: {  	s0 =	sxor.u32 $0x80000000, s31  }
0x17a: {  	v7 =	vld [tilespmem:s18+$0x8070];
	p1 =	slt.s32 s0, $0x40  }
.Ltmp32:
0x17b: {  	_ = 	snop;
	(pc) =	sbr.rel @p1 .LBB2_159-.Ltmp32, $4  }
0x17c: {  	s1 =	simm.s32 @!p0 $0x3;
	s20 =	spop (v2sf)  }
0x17d: {  	_ =	swait.ge @!p0 [sflag:s1], $0x2000  }
0x17e: {  	s18 =	sxor.u32 $0x80000000, s20;
	[sflag:s1] =	ssyncset.done @!p0 $0x0  }
0x17f: {  	v5 =	vadd.s32 v5, v7;
	s21 =	sshrl.u32 s18, $0x1F;
	[sflag:s1] =	ssyncadd.s32 @!p0 $0xFFFFE000  }
0x180: {  	s0 =	sadd.s32 s21, s18  }
0x181: {  	s21 =	sand.u32 $0xFFFFFFFE, s0  }
0x182: {  	p0 =	slt.s32 s21, $0x1  }
.Ltmp33:
0x183: {  	_ = 	snop;
	(pc) =	sbr.rel @p0 .LBB2_140-.Ltmp33, $1  }
0x184: {  	_ =	sdelay $0x3  }
0x185: {  	p4 =	sgt.s32 s21, $0x2  }
.Ltmp34:
0x186: {  	s0 =	simm.s32 $0x0;
	s1 =	simm.s32 $0x1;
	(pc) =	sbr.rel @!p4 .LBB2_107-.Ltmp34, $3  }
0x187: {  	v7 =	vmul.u32 s0, v6;
	v8 =	vmul.u32 s1, v6;
	_ =	sdelay $0x1  }
0x188: {  	s22 =	simm.s32 $0xD080;
	p0 =	por $0x0, $0x0;
	p1 =	por $0x0, $0x0;
	v9 =	vadd.s32 v5, v7;
	v7 =	vadd.s32 v5, v8  }
0x189: {  	p2 =	por $0x0, $0x0;
	p3 =	por $0x0, $0x0;
	s0 =	simm.s32 $0x2;
	v12 =	vadd.s32 v0, v9;
	v13 =	vadd.s32 v0, v7  }
0x18a: {  	p4 =	sgt.s32 s21, $0x4  }
.Ltmp35:
0x18b: {  	s1 =	simm.s32 $0x3;
	(pc) =	sbr.rel @!p4 .LBB2_149-.Ltmp35, $3  }
0x18c: {  	v8 =	vmul.u32 s0, v6;
	v10 =	vmul.u32 s1, v6;
	_ =	sdelay $0x1  }
0x18d: {  	v25 =	vld.idx.msk [tilespmem:v12+s3+$0x0], $0xffff;
	v11 =	vadd.s32 v5, v8;
	v10 =	vadd.s32 v5, v10  }
0x18e: {  	v14 =	vld.idx.msk [tilespmem:v13+s3+$0x0], $0xffff;
	s0 =	simm.s32 $0x4;
	v17 =	vadd.s32 v1, v7;
	p0 =	por $0x1, $0x1;
	v12 =	vadd.s32 v0, v11;
	v13 =	vadd.s32 v0, v10  }
0x18f: {  	_ =	sdelay $0x1  }
0x190: {  	v15 =	vadd.s32 v1, v9;
	p4 =	sgt.s32 s21, $0x6  }
.Ltmp36:
0x191: {  	s31 =	simm.s32 $0x5;
	(pc) =	sbr.rel @!p4 .LBB2_151-.Ltmp36, $4  }
0x192: {  	v8 =	vmul.u32 s0, v6;
	v18 =	vld.idx.msk [tilespmem:v12+s3+$0x0], $0xffff;
	v16 =	vmul.u32 s31, v6  }
0x193: {  	v28 =	vadd.s32 v2, v7;
	[tilespmem:s22+$0x0] =	vst v14;
	v14 =	vld.idx.msk [tilespmem:v13+s3+$0x0], $0xffff  }
0x194: {  	v8 =	vadd.s32 v5, v8;
	[tilespmem:s22+$0xFFFFFF80] =	vst v25;
	v26 =	vadd.s32 v5, v16;
	v20 =	vld.idx.msk [tilespmem:v17+s3+$0x0], $0xffff  }
0x195: {  	s0 =	simm.s32 $0x6;
	p1 =	por $0x1, $0x1;
	v12 =	vadd.s32 v0, v8;
	v13 =	vadd.s32 v0, v26;
	v23 =	vld.idx.msk [tilespmem:v15+s3+$0x0], $0xffff;
	v17 =	vadd.s32 v1, v10  }
0x196: {  	_ =	sdelay $0x2  }
0x197: {  	v21 =	vadd.s32 v1, v11  }
0x198: {  	v25 =	vld.idx.msk [tilespmem:v12+s3+$0x0], $0xffff;
	v22 =	vadd.s32 v2, v9;
	s23 =	simm.s32 $0xD180;
	p4 =	sgt.s32 s21, $0x8  }
.Ltmp37:
0x199: {  	s31 =	simm.s32 $0x7;
	[tilespmem:s23+$0x0] =	vst v14;
	v14 =	vld.idx.msk [tilespmem:v13+s3+$0x0], $0xffff;
	(pc) =	sbr.rel @!p4 .LBB2_153-.Ltmp37, $4  }
0x19a: {  	v12 =	vmul.u32 s0, v6;
	[tilespmem:s22+$0x10] =	vst v20;
	v16 =	vld.idx.msk [tilespmem:v17+s3+$0x0], $0xffff;
	v17 =	vmul.u32 s31, v6  }
0x19b: {  	v19 =	vadd.s32 v3, v7;
	v24 =	vadd.s32 v2, v10;
	[tilespmem:s23+$0xFFFFFF80] =	vst v18;
	v15 =	vld.idx.msk [tilespmem:v28+s3+$0x0], $0xffff  }
0x19c: {  	v34 =	vadd.s32 v5, v12;
	[tilespmem:s22+$0xFFFFFF90] =	vst v23;
	v21 =	vld.idx.msk [tilespmem:v21+s3+$0x0], $0xffff;
	v7 =	vadd.s32 v5, v17  }
0x19d: {  	s0 =	simm.s32 $0x8;
	p2 =	por $0x1, $0x1;
	v12 =	vadd.s32 v0, v34;
	v17 =	vadd.s32 v1, v26;
	v18 =	vld.idx.msk [tilespmem:v22+s3+$0x0], $0xffff;
	v13 =	vadd.s32 v0, v7  }
0x19e: {  	_ =	sdelay $0x2  }
0x19f: {  	s24 =	simm.s32 $0xD280  }
0x1a0: {  	v37 =	vld.idx.msk [tilespmem:v12+s3+$0x0], $0xffff;
	v23 =	vadd.s32 v1, v8;
	v12 =	vmul.u32 s0, v6;
	[tilespmem:s24+$0x0] =	vst v14  }
0x1a1: {  	v29 =	vadd.s32 v2, v11;
	v14 =	vld.idx.msk [tilespmem:v13+s3+$0x0], $0xffff;
	[tilespmem:s22+$0x20] =	vst v15  }
0x1a2: {  	v32 =	vadd.s32 v3, v9;
	p4 =	sgt.s32 s21, $0xA;
	[tilespmem:s23+$0x10] =	vst v16;
	v36 =	vadd.s32 v5, v12;
	v31 =	vld.idx.msk [tilespmem:v19+s3+$0x0], $0xffff  }
.Ltmp38:
0x1a3: {  	s31 =	simm.s32 $0x9;
	v22 =	vld.idx.msk [tilespmem:v24+s3+$0x0], $0xffff;
	v12 =	vadd.s32 v0, v36;
	(pc) =	sbr.rel @!p4 .LBB2_155-.Ltmp38, $4  }
0x1a4: {  	v27 =	vadd.s32 v3, v10;
	[tilespmem:s24+$0xFFFFFF80] =	vst v25;
	v20 =	vld.idx.msk [tilespmem:v17+s3+$0x0], $0xffff;
	v17 =	vmul.u32 s31, v6  }
0x1a5: {  	v28 =	vadd.s32 v2, v26;
	[tilespmem:s23+$0xFFFFFF90] =	vst v21;
	v23 =	vld.idx.msk [tilespmem:v23+s3+$0x0], $0xffff  }
0x1a6: {  	s0 =	simm.s32 $0xA;
	p3 =	por $0x1, $0x1;
	[tilespmem:s22+$0xFFFFFFA0] =	vst v18;
	v38 =	vadd.s32 v5, v17;
	v17 =	vadd.s32 v1, v7;
	v30 =	vld.idx.msk [tilespmem:v29+s3+$0x0], $0xffff  }
0x1a7: {  	s25 =	simm.s32 $0xD180;
	s26 =	simm.s32 $0xD280;
	s28 =	simm.s32 $0xD080;
	v13 =	vadd.s32 v0, v38;
	v32 =	vld.idx.msk [tilespmem:v32+s3+$0x0], $0xffff;
	v29 =	vmov v11;
	[tilespmem:s22+$0x30] =	vst v31  }
.LBB2_156:
0x1a8: {  	v25 =	vmul.u32 s0, v6;
	v31 =	vld.idx.msk [tilespmem:v12+s3+$0x0], $0xffff;
	v33 =	vadd.s32 v1, v34;
	[tilespmem:s25+$0x20] =	vst v22  }
0x1a9: {  	v35 =	vadd.s32 v2, v8;
	s26 =	sadd.s32 $0x100, s26;
	s1 =	sadd.s32 $0x1, s0;
	s0 =	sadd.s32 $0x2, s0;
	[tilespmem:s24+$0x10] =	vst v20;
	v39 =	vld.idx.msk [tilespmem:v27+s3+$0x0], $0xffff  }
0x1aa: {  	v40 =	vadd.s32 v3, v29;
	v29 =	vmov v8;
	p4 =	slt.s32 s0, s21;
	v25 =	vadd.s32 v5, v25;
	[tilespmem:s26+$0x0] =	vst v14;
	v22 =	vld.idx.msk [tilespmem:v28+s3+$0x0], $0xffff  }
.Ltmp39:
0x1ab: {  	v8 =	vmovc v34;
	v34 =	vmov v36;
	v12 =	vadd.s32 v0, v25;
	[tilespmem:s26+$0xFFFFFF80] =	vst v37;
	v20 =	vld.idx.msk [tilespmem:v17+s3+$0x0], $0xffff;
	v36 =	vmov v25;
	(pc) =	sbr.rel @p4 .LBB2_156-.Ltmp39, $4  }
0x1ac: {  	v27 =	vadd.s32 v3, v26;
	v26 =	vmovc v7;
	v7 =	vmov v38;
	v17 =	vmul.u32 s1, v6;
	v14 =	vld.idx.msk [tilespmem:v13+s3+$0x0], $0xffff;
	[tilespmem:s24+$0xFFFFFF90] =	vst v23  }
0x1ad: {  	v28 =	vadd.s32 v2, v26;
	v23 =	vld.idx.msk [tilespmem:v33+s3+$0x0], $0xffff;
	[tilespmem:s25+$0xFFFFFFA0] =	vst v30  }
0x1ae: {  	v38 =	vadd.s32 v5, v17;
	v17 =	vadd.s32 v1, v7;
	v37 =	vmov v31;
	v30 =	vld.idx.msk [tilespmem:v35+s3+$0x0], $0xffff;
	[tilespmem:s28+$0xFFFFFFB0] =	vst v32;
	s28 =	smov.u32 s25;
	s25 =	smov.u32 s24;
	s24 =	smov.u32 s26  }
0x1af: {  	v13 =	vadd.s32 v0, v38;
	v32 =	vld.idx.msk [tilespmem:v40+s3+$0x0], $0xffff;
	[tilespmem:s28+$0x30] =	vst v39  }
0x1b0: {  	v31 =	vmov v8;
	v35 =	vmov v7  }
0x1b1: {  	v33 =	vmovc v34;
	v25 =	vmovc v37;
	v8 =	vmov v36;
	v34 =	vmov v26;
	v7 =	vmov v38  }
.LBB2_158:
0x1b2: {  	_ =	sdelay $0x2  }
0x1b3: {  	v26 =	vadd.s32 @p0 v1, v33  }
0x1b4: {  	s0 =	sadd.s32 @p1 $0x100, s26;
	s1 =	smov.u32 s22;
	[tilespmem:s24+$0x10] =	vst @p1 v20;
	v13 =	vld.idx.msk [tilespmem:v13+s3+$0x0], $0xffff  }
0x1b5: {  	[tilespmem:s25+$0x20] =	vst @p2 v22;
	v12 =	vld.idx.msk [tilespmem:v12+s3+$0x0], $0xffff;
	v57 =	vadd.s32 v1, v7;
	s1 =	smov.u32 @p1 s0  }
0x1b6: {  	v58 =	vadd.s32 v1, v8;
	[tilespmem:s1+$0x0] =	vst @p0 v14;
	v14 =	vld.idx.msk @p1 [tilespmem:v28+s3+$0x0], $0xffff  }
0x1b7: {  	v22 =	vmov @p0 v35;
	[tilespmem:s1+$0xFFFFFF80] =	vst @p0 v25;
	s9 =	sadd.s32 @p0 $0x100, s1;
	v17 =	vld.idx.msk @p0 [tilespmem:v17+s3+$0x0], $0xffff  }
0x1b8: {  	v20 =	vadd.s32 @p1 v2, v31;
	[tilespmem:s24+$0xFFFFFF90] =	vst @p1 v23;
	s0 =	smov.u32 s22;
	v28 =	vmov @p0 v33;
	s22 =	smov.u32 @p0 s9;
	v23 =	vld.idx.msk @p0 [tilespmem:v26+s3+$0x0], $0xffff;
	v26 =	vadd.s32 @p0 v2, v22  }
0x1b9: {  	v27 =	vld.idx.msk @p2 [tilespmem:v27+s3+$0x0], $0xffff;
	v11 =	vpsel p0, v28, v11;
	[tilespmem:s22+$0x0] =	vst v13;
	v24 =	vpsel p0, v26, v24  }
0x1ba: {  	[tilespmem:s22+$0xFFFFFF80] =	vst v12;
	v26 =	vadd.s32 @p2 v3, v29;
	v29 =	vadd.s32 @p0 v2, v11;
	v59 =	vld.idx.msk [tilespmem:v57+s3+$0x0], $0xffff  }
0x1bb: {  	v61 =	vadd.s32 v2, v7;
	v62 =	vadd.s32 v2, v8;
	[tilespmem:s25+$0xFFFFFFA0] =	vst @p2 v30;
	v60 =	vld.idx.msk [tilespmem:v58+s3+$0x0], $0xffff  }
0x1bc: {  	[tilespmem:s28+$0xFFFFFFB0] =	vst @p3 v32;
	s23 =	smov.u32 @p0 s1;
	v28 =	vadd.s32 @p1 v3, v34;
	v14 =	vpsel p1, v14, v15;
	v15 =	vpsel p0, v17, v16  }
0x1bd: {  	v30 =	vmov @p1 v31;
	v20 =	vld.idx.msk @p1 [tilespmem:v20+s3+$0x0], $0xffff;
	v13 =	vpsel p1, v28, v19;
	[tilespmem:s23+$0x10] =	vst @p0 v15;
	v16 =	vpsel p0, v23, v21  }
0x1be: {  	v10 =	vpsel p0, v22, v10;
	v9 =	vpsel p1, v30, v9;
	v19 =	vld.idx.msk @p0 [tilespmem:v24+s3+$0x0], $0xffff;
	[tilespmem:s23+$0xFFFFFF90] =	vst @p0 v16  }
0x1bf: {  	v10 =	vadd.s32 @p0 v3, v10;
	s9 =	smov.u32 @p1 s24;
	v9 =	vadd.s32 @p1 v3, v9;
	[tilespmem:s22+$0x10] =	vst v59;
	v21 =	vld.idx.msk @p0 [tilespmem:v29+s3+$0x0], $0xffff  }
0x1c0: {  	v10 =	vpsel p0, v10, v0;
	s0 =	smov.u32 @p1 s9;
	[tilespmem:s22+$0xFFFFFF90] =	vst v60;
	v63 =	vld.idx.msk [tilespmem:v61+s3+$0x0], $0xffff  }
0x1c1: {  	v7 =	vadd.s32 v3, v7;
	v8 =	vadd.s32 v3, v8;
	s1 =	smov.u32 @p2 s25;
	[tilespmem:s0+$0x20] =	vst @p1 v14;
	v15 =	vld.idx.msk [tilespmem:v62+s3+$0x0], $0xffff  }
0x1c2: {  	s9 =	smov.u32 @p0 s23;
	[tilespmem:s1+$0x30] =	vst @p2 v27;
	v11 =	vpsel p0, v11, v0;
	v13 =	vld.idx.msk @p1 [tilespmem:v13+s3+$0x0], $0xffff;
	v12 =	vpsel p1, v20, v18  }
0x1c3: {  	s9 =	smov.u32 @p0 s9;
	v11 =	vadd.s32 @p0 v3, v11;
	v22 =	vld.idx.msk @p2 [tilespmem:v26+s3+$0x0], $0xffff;
	[tilespmem:s0+$0xFFFFFFA0] =	vst @p1 v12;
	v12 =	vpsel p0, v19, v0  }
0x1c4: {  	v9 =	vld.idx.msk @p1 [tilespmem:v9+s3+$0x0], $0xffff;
	[tilespmem:s9+$0x20] =	vst @p0 v12  }
0x1c5: {  	[tilespmem:s22+$0x20] =	vst v63;
	v10 =	vld.idx.msk @p0 [tilespmem:v10+s3+$0x0], $0xffff  }
0x1c6: {  	v16 =	vpsel p0, v21, v0;
	[tilespmem:s22+$0xFFFFFFA0] =	vst v15;
	v7 =	vld.idx.msk [tilespmem:v7+s3+$0x0], $0xffff  }
0x1c7: {  	[tilespmem:s9+$0xFFFFFFA0] =	vst @p0 v16;
	v8 =	vld.idx.msk [tilespmem:v8+s3+$0x0], $0xffff  }
0x1c8: {  	s1 =	smov.u32 @p2 s1;
	[tilespmem:s0+$0x30] =	vst @p1 v13;
	v12 =	vpsel p2, v22, v0;
	v11 =	vld.idx.msk @p0 [tilespmem:v11+s3+$0x0], $0xffff  }
0x1c9: {  	s0 =	smov.u32 @p1 s0;
	v9 =	vpsel p1, v9, v0;
	[tilespmem:s1+$0xFFFFFFB0] =	vst @p2 v12  }
0x1ca: {  	[tilespmem:s0+$0xFFFFFFB0] =	vst @p1 v9;
	s0 =	smov.u32 @p0 s9  }
0x1cb: {  	[tilespmem:s0+$0x30] =	vst @p0 v10  }
0x1cc: {  	[tilespmem:s22+$0x30] =	vst v7  }
0x1cd: {  	s0 =	smov.u32 @p0 s0;
	[tilespmem:s22+$0xFFFFFFB0] =	vst v8;
	v9 =	vpsel p0, v11, v0  }
0x1ce: {  	[tilespmem:s0+$0xFFFFFFB0] =	vst @p0 v9  }
.LBB2_140:
0x1cf: {  	p0 =	sge.s32 s21, s18  }
.Ltmp40:
0x1d0: {  	_ = 	snop;
	(pc) =	sbr.rel @p0 .LBB2_143-.Ltmp40, $1  }
0x1d1: {  	_ =	sdelay $0x3  }
0x1d2: {  	s0 =	ssub.s32 s18, s21  }
0x1d3: {  	s1 =	sshll.u32 s20, $0x9;
	s9 =	sshll.u32 s0, $0x9  }
0x1d4: {  	s1 =	ssub.s32 s1, s9  }
0x1d5: {  	s1 =	sshra.s32 s1, $0x2  }
0x1d6: {  	s0 =	ssub.s32 $0x0, s0;
	s21 =	sadd.s32 $0xD020, s1  }
.LBB2_142:
0x1d7: {  	s1 =	sadd.s32 s0, s18  }
0x1d8: {  	v7 =	vmul.u32 s1, v6;
	_ =	sdelay $0x1  }
0x1d9: {  	v7 =	vadd.s32 v5, v7  }
0x1da: {  	v8 =	vadd.s32 v0, v7;
	_ =	sdelay $0x4  }
0x1db: {  	v8 =	vld.idx.msk [tilespmem:v8+s3+$0x0], $0xffff  }
0x1dc: {  	v9 =	vadd.s32 v1, v7;
	_ =	sdelay $0x3  }
0x1dd: {  	[tilespmem:s21+$0xFFFFFFE0] =	vst v8  }
0x1de: {  	v8 =	vld.idx.msk [tilespmem:v9+s3+$0x0], $0xffff  }
0x1df: {  	v63 =	vadd.s32 v2, v7;
	_ =	sdelay $0x3  }
0x1e0: {  	[tilespmem:s21+$0xFFFFFFF0] =	vst v8  }
0x1e1: {  	v8 =	vld.idx.msk [tilespmem:v63+s3+$0x0], $0xffff  }
0x1e2: {  	v7 =	vadd.s32 v3, v7;
	_ =	sdelay $0x3  }
0x1e3: {  	s0 =	sadd.s32 $0x1, s0;
	[tilespmem:s21+$0x0] =	vst v8  }
0x1e4: {  	p0 =	seq.s32 s0, $0x0;
	v7 =	vld.idx.msk [tilespmem:v7+s3+$0x0], $0xffff  }
.Ltmp41:
0x1e5: {  	_ = 	snop;
	(pc) =	sbr.rel @!p0 .LBB2_142-.Ltmp41, $2  }
0x1e6: {  	_ =	sdelay $0x2  }
0x1e7: {  	[tilespmem:s21+$0x10] =	vst v7;
	s21 =	sadd.s32 $0x80, s21  }
.LBB2_143:
0x1e8: {  	s0 =	ssub.s32 $0x40, s18  }
0x1e9: {  	s1 =	sshrl.u32 s0, $0x1F  }
0x1ea: {  	s0 =	sadd.s32 s1, s0  }
0x1eb: {  	s0 =	sand.u32 $0xFFFFFFFE, s0  }
0x1ec: {  	s21 =	sadd.s32 s18, s0  }
0x1ed: {  	p0 =	sge.s32 s18, s21  }
.Ltmp42:
0x1ee: {  	_ = 	snop;
	(pc) =	sbr.rel @p0 .LBB2_147-.Ltmp42, $1  }
0x1ef: {  	_ =	sdelay $0x3  }
0x1f0: {  	s0 =	sshll.u32 s20, $0x9  }
0x1f1: {  	s0 =	sshra.s32 s0, $0x2  }
0x1f2: {  	s0 =	sadd.s32 $0xD080, s0  }
0x1f3: {  	s18 =	sadd.s32 $0x2, s18;
	[tilespmem:s0+$0xFFFFFF80] =	vst v4  }
0x1f4: {  	p0 =	slt.s32 s18, s21;
	[tilespmem:s0+$0x30] =	vst v4  }
.Ltmp43:
0x1f5: {  	[tilespmem:s0+$0x20] =	vst v4;
	(pc) =	sbr.rel @!p0 .LBB2_146-.Ltmp43, $4  }
0x1f6: {  	[tilespmem:s0+$0x10] =	vst v4  }
0x1f7: {  	[tilespmem:s0+$0x0] =	vst v4  }
0x1f8: {  	[tilespmem:s0+$0xFFFFFFB0] =	vst v4  }
0x1f9: {  	[tilespmem:s0+$0xFFFFFFA0] =	vst v4  }
.LBB2_145:
0x1fa: {  	s18 =	sadd.s32 $0x2, s18;
	[tilespmem:s0+$0xFFFFFF90] =	vst v4;
	s0 =	sadd.s32 $0x100, s0  }
0x1fb: {  	[tilespmem:s0+$0xFFFFFF80] =	vst v4;
	p0 =	slt.s32 s18, s21  }
0x1fc: {  	[tilespmem:s0+$0x30] =	vst v4  }
.Ltmp44:
0x1fd: {  	[tilespmem:s0+$0x20] =	vst v4;
	(pc) =	sbr.rel @p0 .LBB2_145-.Ltmp44, $4  }
0x1fe: {  	[tilespmem:s0+$0x10] =	vst v4  }
0x1ff: {  	[tilespmem:s0+$0x0] =	vst v4  }
0x200: {  	[tilespmem:s0+$0xFFFFFFB0] =	vst v4  }
0x201: {  	[tilespmem:s0+$0xFFFFFFA0] =	vst v4  }
.LBB2_146:
0x202: {  	[tilespmem:s0+$0xFFFFFF90] =	vst v4  }
.LBB2_147:
0x203: {  	p0 =	slt.s32 s21, $0x40  }
.Ltmp45:
0x204: {  	_ = 	snop;
	(pc) =	sbr.rel @p0 .LBB2_196-.Ltmp45, $4  }
.Ltmp46:
0x205: {  	_ = 	snop;
	(pc) =	sbr.rel @!p0 .LBB2_171-.Ltmp46, $4  }
0x206: {  	_ = 	snop  }
0x207: {  	_ = 	snop  }
0x208: {  	_ = 	snop  }
0x209: {  	_ = 	snop  }
.LBB2_25:
0x20a: {  	p2 =	slt.s32 s0, $0x30  }
.Ltmp47:
0x20b: {  	_ = 	snop;
	(pc) =	sbr.rel @p2 .LBB2_52-.Ltmp47, $4  }
0x20c: {  	_ = 	snop  }
0x20d: {  	s22 =	sadd.s32 s22, s19  }
0x20e: {  	s23 =	sand.u32 $0xFFFFFFFE, s22  }
0x20f: {  	v7 =	vadd.s32 $0xFFFFFFFF, v5;
	s22 =	ssub.s32 s19, s23;
	p1 =	slt.s32 s23, $0x1  }
.Ltmp48:
0x210: {  	(pc) =	sbr.rel @p1 .LBB2_29-.Ltmp48, $3  }
0x211: {  	_ =	sdelay $0x1  }
0x212: {  	vm0 =	vlt.s32 v7, v3;
	vm1 =	vgt.s32 v5, v3  }
0x213: {  	v7 =	vsel vm0, v7, v3;
	v8 =	vsel vm1, $0x3F800000, v4  }
0x214: {  	p5 =	sgt.s32 s23, $0x2  }
.Ltmp49:
0x215: {  	s0 =	simm.s32 $0x0;
	s25 =	simm.s32 $0x1;
	(pc) =	sbr.rel @!p5 .LBB2_28-.Ltmp49, $3  }
0x216: {  	v9 =	vmul.u32 s0, v5;
	v10 =	vmul.u32 s25, v5;
	_ =	sdelay $0x1  }
0x217: {  	s24 =	simm.s32 $0x9080;
	p1 =	por $0x0, $0x0;
	p2 =	por $0x0, $0x0;
	v11 =	vadd.s32 v6, v9;
	v34 =	vadd.s32 v6, v10  }
0x218: {  	p3 =	por $0x0, $0x0;
	p4 =	por $0x0, $0x0;
	s0 =	simm.s32 $0x2;
	v16 =	vadd.s32 v0, v11;
	v13 =	vadd.s32 v0, v34  }
0x219: {  	p5 =	sgt.s32 s23, $0x4  }
.Ltmp50:
0x21a: {  	s25 =	simm.s32 $0x3;
	(pc) =	sbr.rel @!p5 .LBB2_42-.Ltmp50, $3  }
0x21b: {  	v9 =	vmul.u32 s0, v5;
	v12 =	vmul.u32 s25, v5;
	_ =	sdelay $0x1  }
0x21c: {  	v32 =	vld.idx.msk [tilespmem:v16+s3+$0x0], $0xffff;
	v14 =	vadd.s32 v6, v9;
	v12 =	vadd.s32 v6, v12  }
0x21d: {  	v10 =	vld.idx.msk [tilespmem:v13+s3+$0x0], $0xffff;
	s0 =	simm.s32 $0x4;
	v18 =	vadd.s32 v1, v34;
	p1 =	por $0x1, $0x1;
	v16 =	vadd.s32 v0, v14;
	v13 =	vadd.s32 v0, v12  }
0x21e: {  	_ =	sdelay $0x1  }
0x21f: {  	v19 =	vadd.s32 v1, v11;
	p5 =	sgt.s32 s23, $0x6  }
.Ltmp51:
0x220: {  	s31 =	simm.s32 $0x5;
	(pc) =	sbr.rel @!p5 .LBB2_44-.Ltmp51, $4  }
0x221: {  	v9 =	vmul.u32 s0, v5;
	v15 =	vld.idx.msk [tilespmem:v16+s3+$0x0], $0xffff;
	v20 =	vmul.u32 s31, v5  }
0x222: {  	v33 =	vadd.s32 v2, v34;
	[tilespmem:s24+$0x0] =	vst v10;
	v10 =	vld.idx.msk [tilespmem:v13+s3+$0x0], $0xffff  }
0x223: {  	v9 =	vadd.s32 v6, v9;
	v30 =	vadd.s32 v6, v20;
	[tilespmem:s24+$0xFFFFFF80] =	vst v32;
	v17 =	vld.idx.msk [tilespmem:v18+s3+$0x0], $0xffff  }
0x224: {  	s0 =	simm.s32 $0x6;
	s26 =	simm.s32 $0x9180;
	p2 =	por $0x1, $0x1;
	v16 =	vadd.s32 v0, v9;
	v13 =	vadd.s32 v0, v30;
	v18 =	vadd.s32 v1, v12;
	v22 =	vld.idx.msk [tilespmem:v19+s3+$0x0], $0xffff  }
0x225: {  	_ =	sdelay $0x2  }
0x226: {  	v20 =	vadd.s32 v1, v14  }
0x227: {  	s25 =	simm.s32 $0x7;
	v32 =	vld.idx.msk [tilespmem:v16+s3+$0x0], $0xffff;
	v24 =	vadd.s32 v2, v11;
	p5 =	sgt.s32 s23, $0x8  }
.Ltmp52:
0x228: {  	v16 =	vmul.u32 s0, v5;
	v21 =	vmul.u32 s25, v5;
	[tilespmem:s26+$0x0] =	vst v10;
	v10 =	vld.idx.msk [tilespmem:v13+s3+$0x0], $0xffff;
	(pc) =	sbr.rel @!p5 .LBB2_46-.Ltmp52, $4  }
0x229: {  	[tilespmem:s24+$0x10] =	vst v17;
	v19 =	vld.idx.msk [tilespmem:v18+s3+$0x0], $0xffff  }
0x22a: {  	[tilespmem:s26+$0xFFFFFF80] =	vst v15;
	v39 =	vadd.s32 v6, v16;
	v38 =	vadd.s32 v6, v21;
	v21 =	vld.idx.msk [tilespmem:v33+s3+$0x0], $0xffff  }
0x22b: {  	v31 =	vadd.s32 v2, v12;
	v16 =	vadd.s32 v0, v39;
	[tilespmem:s24+$0xFFFFFF90] =	vst v22;
	v23 =	vld.idx.msk [tilespmem:v20+s3+$0x0], $0xffff  }
0x22c: {  	s0 =	simm.s32 $0x8;
	p3 =	por $0x1, $0x1;
	s25 =	simm.s32 $0x9280;
	v18 =	vadd.s32 v1, v30;
	v13 =	vadd.s32 v0, v38;
	v20 =	vld.idx.msk [tilespmem:v24+s3+$0x0], $0xffff;
	v24 =	vadd.s32 v7, v34  }
0x22d: {  	_ =	sdelay $0x3  }
0x22e: {  	v40 =	vld.idx.msk [tilespmem:v16+s3+$0x0], $0xffff;
	v16 =	vadd.s32 v1, v9;
	_ =	sdelay $0x1  }
0x22f: {  	[tilespmem:s25+$0x0] =	vst v10;
	v10 =	vld.idx.msk [tilespmem:v13+s3+$0x0], $0xffff;
	s28 =	simm.s32 $0x9;
	v13 =	vmul.u32 s0, v5  }
0x230: {  	v26 =	vadd.s32 v2, v14;
	v15 =	vmul.u32 s28, v5  }
0x231: {  	v28 =	vadd.s32 v7, v11;
	[tilespmem:s25+$0xFFFFFF80] =	vst v32;
	p5 =	sgt.s32 s23, $0xA;
	v17 =	vld.idx.msk [tilespmem:v18+s3+$0x0], $0xffff;
	v34 =	vadd.s32 v6, v13  }
.Ltmp53:
0x232: {  	[tilespmem:s24+$0x20] =	vst v21;
	v15 =	vadd.s32 v6, v15;
	v22 =	vld.idx.msk [tilespmem:v16+s3+$0x0], $0xffff;
	v16 =	vadd.s32 v0, v34;
	(pc) =	sbr.rel @!p5 .LBB2_48-.Ltmp53, $4  }
0x233: {  	[tilespmem:s26+$0x10] =	vst v19;
	v25 =	vld.idx.msk [tilespmem:v24+s3+$0x0], $0xffff;
	v13 =	vadd.s32 v0, v15  }
0x234: {  	v18 =	vadd.s32 v1, v38;
	v29 =	vld.idx.msk [tilespmem:v31+s3+$0x0], $0xffff;
	[tilespmem:s26+$0xFFFFFF90] =	vst v23  }
0x235: {  	s0 =	simm.s32 $0xA;
	s30 =	simm.s32 $0x9380;
	p4 =	por $0x1, $0x1;
	v35 =	vadd.s32 v7, v12;
	[tilespmem:s24+$0xFFFFFFA0] =	vst v20;
	v27 =	vld.idx.msk [tilespmem:v26+s3+$0x0], $0xffff  }
0x236: {  	v33 =	vadd.s32 v2, v30;
	s31 =	simm.s32 $0x9280;
	s29 =	simm.s32 $0x9080;
	s28 =	simm.s32 $0x9180;
	v26 =	vld.idx.msk [tilespmem:v28+s3+$0x0], $0xffff;
	v28 =	vmov v14  }
.LBB2_49:
0x237: {  	v32 =	vmul.u32 s0, v5;
	s1 =	sadd.s32 $0x1, s0;
	v36 =	vld.idx.msk [tilespmem:v16+s3+$0x0], $0xffff;
	v37 =	vadd.s32 v1, v39;
	[tilespmem:s30+$0x0] =	vst v10;
	s9 =	smov.u32 s31;
	s31 =	smov.u32 s30  }
0x238: {  	v42 =	vadd.s32 v2, v9;
	s0 =	sadd.s32 $0x2, s0;
	v41 =	vmul.u32 s1, v5;
	v10 =	vld.idx.msk [tilespmem:v13+s3+$0x0], $0xffff;
	[tilespmem:s9+$0x10] =	vst v17;
	v13 =	vmul.f32 v25, v8  }
0x239: {  	v43 =	vadd.s32 v7, v28;
	v28 =	vmov v9;
	p5 =	slt.s32 s0, s23;
	v32 =	vadd.s32 v6, v32;
	v17 =	vld.idx.msk [tilespmem:v18+s3+$0x0], $0xffff;
	[tilespmem:s28+$0x20] =	vst v29  }
.Ltmp54:
0x23a: {  	v9 =	vmov v39;
	v16 =	vadd.s32 v0, v32;
	v41 =	vadd.s32 v6, v41;
	v25 =	vld.idx.msk [tilespmem:v35+s3+$0x0], $0xffff;
	[tilespmem:s29+$0x30] =	vst v13;
	(pc) =	sbr.rel @p5 .LBB2_49-.Ltmp54, $4  }
0x23b: {  	v39 =	vmov v34;
	v34 =	vmov v32;
	v13 =	vadd.s32 v0, v41;
	[tilespmem:s30+$0xFFFFFF80] =	vst v40;
	v29 =	vld.idx.msk [tilespmem:v33+s3+$0x0], $0xffff  }
0x23c: {  	v18 =	vadd.s32 v1, v15;
	v32 =	vmul.f32 v26, v8;
	[tilespmem:s9+$0xFFFFFF90] =	vst v22;
	v22 =	vld.idx.msk [tilespmem:v37+s3+$0x0], $0xffff  }
0x23d: {  	v35 =	vadd.s32 v7, v30;
	v30 =	vmovc v38;
	v38 =	vmov v15;
	v40 =	vmov v36;
	[tilespmem:s28+$0xFFFFFFA0] =	vst v27;
	v27 =	vld.idx.msk [tilespmem:v42+s3+$0x0], $0xffff  }
0x23e: {  	v33 =	vadd.s32 v2, v30;
	s30 =	sadd.s32 $0x100, s30;
	v15 =	vmov v41;
	v26 =	vld.idx.msk [tilespmem:v43+s3+$0x0], $0xffff;
	[tilespmem:s29+$0xFFFFFFB0] =	vst v32;
	s29 =	smov.u32 s28;
	s28 =	smov.u32 s9  }
0x23f: {  	v37 =	vmov v9  }
0x240: {  	v36 =	vmovc v39;
	v32 =	vmovc v40;
	v9 =	vmov v34;
	v39 =	vmov v30;
	v34 =	vmov v38  }
.LBB2_51:
0x241: {  	_ =	sdelay $0x2  }
0x242: {  	v30 =	vadd.s32 @p1 v1, v36;
	[tilespmem:s30+$0x0] =	vst @p1 v10  }
0x243: {  	v10 =	vld.idx.msk [tilespmem:v13+s3+$0x0], $0xffff;
	[tilespmem:s30+$0xFFFFFF80] =	vst @p1 v32  }
0x244: {  	v16 =	vld.idx.msk [tilespmem:v16+s3+$0x0], $0xffff;
	s0 =	smov.u32 @p2 s31;
	v56 =	vadd.s32 v1, v15;
	[tilespmem:s28+$0x20] =	vst @p3 v29  }
0x245: {  	v57 =	vadd.s32 v1, v9;
	[tilespmem:s0+$0x10] =	vst @p2 v17;
	v17 =	vld.idx.msk @p1 [tilespmem:v18+s3+$0x0], $0xffff;
	v18 =	vmul.f32 @p4 v25, v8  }
0x246: {  	s1 =	sadd.s32 @p1 $0x100, s30;
	[tilespmem:s0+$0xFFFFFF90] =	vst @p2 v22;
	v25 =	vld.idx.msk @p2 [tilespmem:v33+s3+$0x0], $0xffff;
	v33 =	vmov @p1 v34  }
0x247: {  	v13 =	vadd.s32 @p2 v2, v37;
	v29 =	vmov @p1 v36;
	s25 =	smov.u32 @p1 s1;
	v34 =	vadd.s32 @p1 v2, v33;
	[tilespmem:s29+$0x30] =	vst @p4 v18;
	v30 =	vld.idx.msk @p1 [tilespmem:v30+s3+$0x0], $0xffff  }
0x248: {  	v14 =	vpsel p1, v29, v14;
	v22 =	vpsel p1, v34, v31;
	[tilespmem:s25+$0x0] =	vst v10  }
0x249: {  	s9 =	smov.u32 @p1 s30;
	v18 =	vadd.s32 @p1 v2, v14;
	[tilespmem:s25+$0xFFFFFF80] =	vst v16;
	v58 =	vld.idx.msk [tilespmem:v56+s3+$0x0], $0xffff  }
0x24a: {  	v28 =	vadd.s32 @p3 v7, v28;
	v60 =	vadd.s32 v2, v15;
	s26 =	smov.u32 @p1 s9;
	v59 =	vld.idx.msk [tilespmem:v57+s3+$0x0], $0xffff  }
0x24b: {  	v61 =	vadd.s32 v2, v9;
	v35 =	vld.idx.msk @p3 [tilespmem:v35+s3+$0x0], $0xffff;
	s1 =	smov.u32 @p1 s26;
	v12 =	vpsel p1, v33, v12;
	v17 =	vpsel p1, v17, v19  }
0x24c: {  	v29 =	vmov @p2 v37;
	v31 =	vadd.s32 @p2 v7, v39;
	v13 =	vld.idx.msk @p2 [tilespmem:v13+s3+$0x0], $0xffff;
	[tilespmem:s1+$0x10] =	vst @p1 v17;
	v16 =	vpsel p1, v30, v23  }
0x24d: {  	v11 =	vpsel p2, v29, v11;
	v19 =	vpsel p2, v31, v24;
	v22 =	vld.idx.msk @p1 [tilespmem:v22+s3+$0x0], $0xffff;
	[tilespmem:s1+$0xFFFFFF90] =	vst @p1 v16  }
0x24e: {  	v12 =	vadd.s32 @p1 v7, v12;
	v11 =	vadd.s32 @p2 v7, v11;
	[tilespmem:s25+$0x10] =	vst v58;
	v18 =	vld.idx.msk @p1 [tilespmem:v18+s3+$0x0], $0xffff  }
0x24f: {  	v63 =	vadd.s32 v7, v15;
	v12 =	vpsel p1, v12, v0;
	[tilespmem:s25+$0xFFFFFF90] =	vst v59;
	v62 =	vld.idx.msk [tilespmem:v60+s3+$0x0], $0xffff  }
0x250: {  	v9 =	vadd.s32 v7, v9;
	[tilespmem:s28+$0xFFFFFFA0] =	vst @p3 v27;
	s24 =	smov.u32 @p2 s0;
	v10 =	vpsel p2, v25, v21;
	v16 =	vld.idx.msk [tilespmem:v61+s3+$0x0], $0xffff  }
0x251: {  	s0 =	smov.u32 @p1 s1;
	v24 =	vld.idx.msk @p3 [tilespmem:v28+s3+$0x0], $0xffff;
	[tilespmem:s24+$0x20] =	vst @p2 v10;
	v10 =	vpsel p1, v14, v0;
	v13 =	vpsel p2, v13, v20  }
0x252: {  	s0 =	smov.u32 @p1 s0;
	v10 =	vadd.s32 @p1 v7, v10;
	v14 =	vld.idx.msk @p2 [tilespmem:v19+s3+$0x0], $0xffff;
	[tilespmem:s24+$0xFFFFFFA0] =	vst @p2 v13;
	v13 =	vpsel p1, v22, v0  }
0x253: {  	v11 =	vld.idx.msk @p2 [tilespmem:v11+s3+$0x0], $0xffff;
	[tilespmem:s0+$0x20] =	vst @p1 v13  }
0x254: {  	v19 =	vmul.f32 @p4 v26, v8;
	v12 =	vld.idx.msk @p1 [tilespmem:v12+s3+$0x0], $0xffff;
	[tilespmem:s25+$0x20] =	vst v62  }
0x255: {  	v13 =	vpsel p3, v35, v0;
	v17 =	vpsel p1, v18, v0;
	[tilespmem:s25+$0xFFFFFFA0] =	vst v16;
	v15 =	vld.idx.msk [tilespmem:v63+s3+$0x0], $0xffff  }
0x256: {  	s1 =	smov.u32 @p3 s28;
	v13 =	vmul.f32 @p3 v13, v8;
	[tilespmem:s0+$0xFFFFFFA0] =	vst @p1 v17;
	v17 =	vpsel p3, v24, v0;
	v9 =	vld.idx.msk [tilespmem:v9+s3+$0x0], $0xffff  }
0x257: {  	s1 =	smov.u32 @p3 s1;
	[tilespmem:s29+$0xFFFFFFB0] =	vst @p4 v19;
	v14 =	vpsel p2, v14, v0;
	v10 =	vld.idx.msk @p1 [tilespmem:v10+s3+$0x0], $0xffff;
	v17 =	vmul.f32 @p3 v17, v8  }
0x258: {  	s9 =	smov.u32 @p2 s24;
	v11 =	vpsel p2, v11, v0;
	[tilespmem:s1+$0x30] =	vst @p3 v13;
	v13 =	vmul.f32 @p2 v14, v8  }
0x259: {  	v11 =	vmul.f32 @p2 v11, v8;
	[tilespmem:s1+$0xFFFFFFB0] =	vst @p3 v17;
	s1 =	smov.u32 @p2 s9;
	v12 =	vpsel p1, v12, v0  }
0x25a: {  	[tilespmem:s1+$0x30] =	vst @p2 v13;
	v12 =	vmul.f32 @p1 v12, v8  }
0x25b: {  	s0 =	smov.u32 @p1 s0;
	[tilespmem:s1+$0xFFFFFFB0] =	vst @p2 v11;
	v11 =	vmul.f32 v15, v8  }
0x25c: {  	v9 =	vmul.f32 v9, v8;
	v10 =	vpsel p1, v10, v0;
	[tilespmem:s0+$0x30] =	vst @p1 v12  }
0x25d: {  	v10 =	vmul.f32 @p1 v10, v8;
	[tilespmem:s25+$0x30] =	vst v11  }
0x25e: {  	[tilespmem:s25+$0xFFFFFFB0] =	vst v9  }
0x25f: {  	[tilespmem:s0+$0xFFFFFFB0] =	vst @p1 v10  }
.LBB2_29:
0x260: {  	p1 =	sge.s32 s23, s19  }
.Ltmp55:
0x261: {  	_ = 	snop;
	(pc) =	sbr.rel @p1 .LBB2_32-.Ltmp55, $1  }
0x262: {  	_ =	sdelay $0x3  }
0x263: {  	s0 =	sshll.u32 s21, $0x9;
	s23 =	sshll.u32 s22, $0x9  }
0x264: {  	s0 =	ssub.s32 s0, s23  }
0x265: {  	s23 =	sshra.s32 s0, $0x2  }
0x266: {  	s0 =	ssub.s32 $0x0, s22;
	s22 =	sadd.s32 $0x9020, s23  }
.LBB2_31:
0x267: {  	s1 =	sadd.s32 s0, s19  }
0x268: {  	v9 =	vmul.u32 s1, v5;
	_ =	sdelay $0x1  }
0x269: {  	v9 =	vadd.s32 v6, v9  }
0x26a: {  	v10 =	vadd.s32 v0, v9;
	_ =	sdelay $0x4  }
0x26b: {  	v10 =	vld.idx.msk [tilespmem:v10+s3+$0x0], $0xffff  }
0x26c: {  	v11 =	vadd.s32 v1, v9;
	_ =	sdelay $0x3  }
0x26d: {  	[tilespmem:s22+$0xFFFFFFE0] =	vst v10  }
0x26e: {  	v10 =	vld.idx.msk [tilespmem:v11+s3+$0x0], $0xffff  }
0x26f: {  	v11 =	vadd.s32 v2, v9;
	_ =	sdelay $0x3  }
0x270: {  	[tilespmem:s22+$0xFFFFFFF0] =	vst v10  }
0x271: {  	v10 =	vld.idx.msk [tilespmem:v11+s3+$0x0], $0xffff  }
0x272: {  	v9 =	vadd.s32 v7, v9;
	_ =	sdelay $0x3  }
0x273: {  	[tilespmem:s22+$0x0] =	vst v10  }
0x274: {  	v9 =	vld.idx.msk [tilespmem:v9+s3+$0x0], $0xffff  }
0x275: {  	s0 =	sadd.s32 $0x1, s0  }
0x276: {  	p1 =	seq.s32 s0, $0x0  }
.Ltmp56:
0x277: {  	_ = 	snop;
	(pc) =	sbr.rel @!p1 .LBB2_31-.Ltmp56, $3  }
0x278: {  	_ = 	snop  }
0x279: {  	v9 =	vmul.f32 v9, v8;
	_ =	sdelay $0x1  }
0x27a: {  	[tilespmem:s22+$0x10] =	vst v9;
	s22 =	sadd.s32 $0x80, s22  }
.LBB2_32:
0x27b: {  	s0 =	ssub.s32 $0x40, s19  }
0x27c: {  	s1 =	sshrl.u32 s0, $0x1F  }
0x27d: {  	s0 =	sadd.s32 s1, s0  }
0x27e: {  	s0 =	sand.u32 $0xFFFFFFFE, s0  }
0x27f: {  	s22 =	sadd.s32 s19, s0  }
0x280: {  	p1 =	sge.s32 s19, s22  }
.Ltmp57:
0x281: {  	_ = 	snop;
	(pc) =	sbr.rel @p1 .LBB2_36-.Ltmp57, $1  }
0x282: {  	_ =	sdelay $0x3  }
0x283: {  	s0 =	sshll.u32 s21, $0x9  }
0x284: {  	s0 =	sshra.s32 s0, $0x2  }
0x285: {  	s0 =	sadd.s32 $0x9080, s0  }
0x286: {  	s19 =	sadd.s32 $0x2, s19;
	[tilespmem:s0+$0xFFFFFF80] =	vst v4  }
0x287: {  	p1 =	slt.s32 s19, s22;
	[tilespmem:s0+$0x30] =	vst v4  }
.Ltmp58:
0x288: {  	[tilespmem:s0+$0x20] =	vst v4;
	(pc) =	sbr.rel @!p1 .LBB2_35-.Ltmp58, $4  }
0x289: {  	[tilespmem:s0+$0x10] =	vst v4  }
0x28a: {  	[tilespmem:s0+$0x0] =	vst v4  }
0x28b: {  	[tilespmem:s0+$0xFFFFFFB0] =	vst v4  }
0x28c: {  	[tilespmem:s0+$0xFFFFFFA0] =	vst v4  }
.LBB2_34:
0x28d: {  	s19 =	sadd.s32 $0x2, s19;
	[tilespmem:s0+$0xFFFFFF90] =	vst v4;
	s0 =	sadd.s32 $0x100, s0  }
0x28e: {  	[tilespmem:s0+$0xFFFFFF80] =	vst v4;
	p1 =	slt.s32 s19, s22  }
0x28f: {  	[tilespmem:s0+$0x30] =	vst v4  }
.Ltmp59:
0x290: {  	[tilespmem:s0+$0x20] =	vst v4;
	(pc) =	sbr.rel @p1 .LBB2_34-.Ltmp59, $4  }
0x291: {  	[tilespmem:s0+$0x10] =	vst v4  }
0x292: {  	[tilespmem:s0+$0x0] =	vst v4  }
0x293: {  	[tilespmem:s0+$0xFFFFFFB0] =	vst v4  }
0x294: {  	[tilespmem:s0+$0xFFFFFFA0] =	vst v4  }
.LBB2_35:
0x295: {  	[tilespmem:s0+$0xFFFFFF90] =	vst v4  }
.LBB2_36:
0x296: {  	p1 =	slt.s32 s22, $0x40  }
.Ltmp60:
0x297: {  	_ = 	snop;
	(pc) =	sbr.rel @p1 .LBB2_63-.Ltmp60, $4  }
.Ltmp61:
0x298: {  	_ = 	snop;
	(pc) =	sbr.rel @!p1 .LBB2_37-.Ltmp61, $4  }
0x299: {  	_ = 	snop  }
0x29a: {  	_ = 	snop  }
0x29b: {  	_ = 	snop  }
0x29c: {  	_ = 	snop  }
.LBB2_92:
0x29d: {  	p2 =	slt.s32 s0, $0x30  }
.Ltmp62:
0x29e: {  	_ = 	snop;
	(pc) =	sbr.rel @p2 .LBB2_119-.Ltmp62, $4  }
0x29f: {  	_ = 	snop  }
0x2a0: {  	s1 =	sadd.s32 s22, s20  }
0x2a1: {  	s23 =	sand.u32 $0xFFFFFFFE, s1  }
0x2a2: {  	v8 =	vadd.s32 $0xFFFFFFFF, v6;
	s22 =	ssub.s32 s20, s23;
	p1 =	slt.s32 s23, $0x1  }
.Ltmp63:
0x2a3: {  	(pc) =	sbr.rel @p1 .LBB2_96-.Ltmp63, $3  }
0x2a4: {  	_ =	sdelay $0x1  }
0x2a5: {  	vm0 =	vlt.s32 v8, v3;
	vm1 =	vgt.s32 v6, v3  }
0x2a6: {  	v8 =	vsel vm0, v8, v3;
	v9 =	vsel vm1, $0x3F800000, v4  }
0x2a7: {  	p5 =	sgt.s32 s23, $0x2  }
.Ltmp64:
0x2a8: {  	s0 =	simm.s32 $0x0;
	s1 =	simm.s32 $0x1;
	(pc) =	sbr.rel @!p5 .LBB2_95-.Ltmp64, $3  }
0x2a9: {  	v10 =	vmul.u32 s0, v6;
	v11 =	vmul.u32 s1, v6;
	_ =	sdelay $0x1  }
0x2aa: {  	s24 =	simm.s32 $0xB080;
	p1 =	por $0x0, $0x0;
	p2 =	por $0x0, $0x0;
	v12 =	vadd.s32 v7, v10;
	v35 =	vadd.s32 v7, v11  }
0x2ab: {  	p3 =	por $0x0, $0x0;
	p4 =	por $0x0, $0x0;
	s0 =	simm.s32 $0x2;
	v17 =	vadd.s32 v0, v12;
	v14 =	vadd.s32 v0, v35  }
0x2ac: {  	p5 =	sgt.s32 s23, $0x4  }
.Ltmp65:
0x2ad: {  	s1 =	simm.s32 $0x3;
	(pc) =	sbr.rel @!p5 .LBB2_109-.Ltmp65, $3  }
0x2ae: {  	v10 =	vmul.u32 s0, v6;
	v13 =	vmul.u32 s1, v6;
	_ =	sdelay $0x1  }
0x2af: {  	v33 =	vld.idx.msk [tilespmem:v17+s3+$0x0], $0xffff;
	v15 =	vadd.s32 v7, v10;
	v13 =	vadd.s32 v7, v13  }
0x2b0: {  	v11 =	vld.idx.msk [tilespmem:v14+s3+$0x0], $0xffff;
	s0 =	simm.s32 $0x4;
	v19 =	vadd.s32 v1, v35;
	p1 =	por $0x1, $0x1;
	v17 =	vadd.s32 v0, v15;
	v14 =	vadd.s32 v0, v13  }
0x2b1: {  	_ =	sdelay $0x1  }
0x2b2: {  	v20 =	vadd.s32 v1, v12;
	p5 =	sgt.s32 s23, $0x6  }
.Ltmp66:
0x2b3: {  	s31 =	simm.s32 $0x5;
	(pc) =	sbr.rel @!p5 .LBB2_111-.Ltmp66, $4  }
0x2b4: {  	v10 =	vmul.u32 s0, v6;
	v16 =	vld.idx.msk [tilespmem:v17+s3+$0x0], $0xffff;
	v21 =	vmul.u32 s31, v6  }
0x2b5: {  	v34 =	vadd.s32 v2, v35;
	[tilespmem:s24+$0x0] =	vst v11;
	v11 =	vld.idx.msk [tilespmem:v14+s3+$0x0], $0xffff  }
0x2b6: {  	v10 =	vadd.s32 v7, v10;
	v31 =	vadd.s32 v7, v21;
	[tilespmem:s24+$0xFFFFFF80] =	vst v33;
	v18 =	vld.idx.msk [tilespmem:v19+s3+$0x0], $0xffff  }
0x2b7: {  	s0 =	simm.s32 $0x6;
	s26 =	simm.s32 $0xB180;
	p2 =	por $0x1, $0x1;
	v17 =	vadd.s32 v0, v10;
	v14 =	vadd.s32 v0, v31;
	v19 =	vadd.s32 v1, v13;
	v23 =	vld.idx.msk [tilespmem:v20+s3+$0x0], $0xffff  }
0x2b8: {  	_ =	sdelay $0x2  }
0x2b9: {  	v21 =	vadd.s32 v1, v15  }
0x2ba: {  	s1 =	simm.s32 $0x7;
	v33 =	vld.idx.msk [tilespmem:v17+s3+$0x0], $0xffff;
	v25 =	vadd.s32 v2, v12;
	p5 =	sgt.s32 s23, $0x8  }
.Ltmp67:
0x2bb: {  	v17 =	vmul.u32 s0, v6;
	v22 =	vmul.u32 s1, v6;
	[tilespmem:s26+$0x0] =	vst v11;
	v11 =	vld.idx.msk [tilespmem:v14+s3+$0x0], $0xffff;
	(pc) =	sbr.rel @!p5 .LBB2_113-.Ltmp67, $4  }
0x2bc: {  	[tilespmem:s24+$0x10] =	vst v18;
	v20 =	vld.idx.msk [tilespmem:v19+s3+$0x0], $0xffff  }
0x2bd: {  	[tilespmem:s26+$0xFFFFFF80] =	vst v16;
	v40 =	vadd.s32 v7, v17;
	v39 =	vadd.s32 v7, v22;
	v22 =	vld.idx.msk [tilespmem:v34+s3+$0x0], $0xffff  }
0x2be: {  	v32 =	vadd.s32 v2, v13;
	v17 =	vadd.s32 v0, v40;
	[tilespmem:s24+$0xFFFFFF90] =	vst v23;
	v24 =	vld.idx.msk [tilespmem:v21+s3+$0x0], $0xffff  }
0x2bf: {  	s0 =	simm.s32 $0x8;
	s25 =	simm.s32 $0xB280;
	p3 =	por $0x1, $0x1;
	v19 =	vadd.s32 v1, v31;
	v14 =	vadd.s32 v0, v39;
	v21 =	vld.idx.msk [tilespmem:v25+s3+$0x0], $0xffff;
	v25 =	vadd.s32 v8, v35  }
0x2c0: {  	_ =	sdelay $0x3  }
0x2c1: {  	v41 =	vld.idx.msk [tilespmem:v17+s3+$0x0], $0xffff;
	v17 =	vadd.s32 v1, v10;
	_ =	sdelay $0x1  }
0x2c2: {  	[tilespmem:s25+$0x0] =	vst v11;
	v11 =	vld.idx.msk [tilespmem:v14+s3+$0x0], $0xffff;
	s1 =	simm.s32 $0x9;
	v14 =	vmul.u32 s0, v6  }
0x2c3: {  	v27 =	vadd.s32 v2, v15;
	v16 =	vmul.u32 s1, v6  }
0x2c4: {  	v29 =	vadd.s32 v8, v12;
	[tilespmem:s25+$0xFFFFFF80] =	vst v33;
	p5 =	sgt.s32 s23, $0xA;
	v18 =	vld.idx.msk [tilespmem:v19+s3+$0x0], $0xffff;
	v35 =	vadd.s32 v7, v14  }
.Ltmp68:
0x2c5: {  	[tilespmem:s24+$0x20] =	vst v22;
	v16 =	vadd.s32 v7, v16;
	v23 =	vld.idx.msk [tilespmem:v17+s3+$0x0], $0xffff;
	v17 =	vadd.s32 v0, v35;
	(pc) =	sbr.rel @!p5 .LBB2_115-.Ltmp68, $4  }
0x2c6: {  	[tilespmem:s26+$0x10] =	vst v20;
	v26 =	vld.idx.msk [tilespmem:v25+s3+$0x0], $0xffff;
	v14 =	vadd.s32 v0, v16  }
0x2c7: {  	v19 =	vadd.s32 v1, v39;
	v30 =	vld.idx.msk [tilespmem:v32+s3+$0x0], $0xffff;
	[tilespmem:s26+$0xFFFFFF90] =	vst v24  }
0x2c8: {  	s0 =	simm.s32 $0xA;
	s30 =	simm.s32 $0xB380;
	p4 =	por $0x1, $0x1;
	v36 =	vadd.s32 v8, v13;
	[tilespmem:s24+$0xFFFFFFA0] =	vst v21;
	v28 =	vld.idx.msk [tilespmem:v27+s3+$0x0], $0xffff  }
0x2c9: {  	v34 =	vadd.s32 v2, v31;
	s31 =	simm.s32 $0xB280;
	s28 =	simm.s32 $0xB180;
	s29 =	simm.s32 $0xB080;
	v27 =	vld.idx.msk [tilespmem:v29+s3+$0x0], $0xffff;
	v29 =	vmov v15  }
.LBB2_116:
0x2ca: {  	v33 =	vmul.u32 s0, v6;
	s1 =	sadd.s32 $0x1, s0;
	v37 =	vld.idx.msk [tilespmem:v17+s3+$0x0], $0xffff;
	v38 =	vadd.s32 v1, v40;
	[tilespmem:s30+$0x0] =	vst v11;
	s9 =	smov.u32 s31;
	s31 =	smov.u32 s30  }
0x2cb: {  	v43 =	vadd.s32 v2, v10;
	s0 =	sadd.s32 $0x2, s0;
	v42 =	vmul.u32 s1, v6;
	v11 =	vld.idx.msk [tilespmem:v14+s3+$0x0], $0xffff;
	[tilespmem:s9+$0x10] =	vst v18;
	v14 =	vmul.f32 v26, v9  }
0x2cc: {  	v44 =	vadd.s32 v8, v29;
	v29 =	vmov v10;
	p5 =	slt.s32 s0, s23;
	v33 =	vadd.s32 v7, v33;
	v18 =	vld.idx.msk [tilespmem:v19+s3+$0x0], $0xffff;
	[tilespmem:s28+$0x20] =	vst v30  }
.Ltmp69:
0x2cd: {  	v10 =	vmov v40;
	v17 =	vadd.s32 v0, v33;
	v42 =	vadd.s32 v7, v42;
	v26 =	vld.idx.msk [tilespmem:v36+s3+$0x0], $0xffff;
	[tilespmem:s29+$0x30] =	vst v14;
	(pc) =	sbr.rel @p5 .LBB2_116-.Ltmp69, $4  }
0x2ce: {  	v40 =	vmov v35;
	v35 =	vmov v33;
	v14 =	vadd.s32 v0, v42;
	[tilespmem:s30+$0xFFFFFF80] =	vst v41;
	v30 =	vld.idx.msk [tilespmem:v34+s3+$0x0], $0xffff  }
0x2cf: {  	v19 =	vadd.s32 v1, v16;
	v33 =	vmul.f32 v27, v9;
	[tilespmem:s9+$0xFFFFFF90] =	vst v23;
	v23 =	vld.idx.msk [tilespmem:v38+s3+$0x0], $0xffff  }
0x2d0: {  	v36 =	vadd.s32 v8, v31;
	v31 =	vmovc v39;
	v39 =	vmov v16;
	v41 =	vmov v37;
	[tilespmem:s28+$0xFFFFFFA0] =	vst v28;
	v28 =	vld.idx.msk [tilespmem:v43+s3+$0x0], $0xffff  }
0x2d1: {  	v34 =	vadd.s32 v2, v31;
	s30 =	sadd.s32 $0x100, s30;
	v16 =	vmov v42;
	v27 =	vld.idx.msk [tilespmem:v44+s3+$0x0], $0xffff;
	[tilespmem:s29+$0xFFFFFFB0] =	vst v33;
	s29 =	smov.u32 s28;
	s28 =	smov.u32 s9  }
0x2d2: {  	v38 =	vmov v10  }
0x2d3: {  	v37 =	vmovc v40;
	v33 =	vmovc v41;
	v10 =	vmov v35;
	v40 =	vmov v31;
	v35 =	vmov v39  }
.LBB2_118:
0x2d4: {  	_ =	sdelay $0x2  }
0x2d5: {  	v31 =	vadd.s32 @p1 v1, v37;
	[tilespmem:s30+$0x0] =	vst @p1 v11  }
0x2d6: {  	v11 =	vld.idx.msk [tilespmem:v14+s3+$0x0], $0xffff;
	[tilespmem:s30+$0xFFFFFF80] =	vst @p1 v33  }
0x2d7: {  	v17 =	vld.idx.msk [tilespmem:v17+s3+$0x0], $0xffff;
	s0 =	smov.u32 @p2 s31;
	v55 =	vadd.s32 v1, v16;
	[tilespmem:s28+$0x20] =	vst @p3 v30  }
0x2d8: {  	v56 =	vadd.s32 v1, v10;
	[tilespmem:s0+$0x10] =	vst @p2 v18;
	v18 =	vld.idx.msk @p1 [tilespmem:v19+s3+$0x0], $0xffff;
	v19 =	vmul.f32 @p4 v26, v9  }
0x2d9: {  	s1 =	sadd.s32 @p1 $0x100, s30;
	[tilespmem:s0+$0xFFFFFF90] =	vst @p2 v23;
	v26 =	vld.idx.msk @p2 [tilespmem:v34+s3+$0x0], $0xffff;
	v34 =	vmov @p1 v35  }
0x2da: {  	v14 =	vadd.s32 @p2 v2, v38;
	v30 =	vmov @p1 v37;
	s25 =	smov.u32 @p1 s1;
	v35 =	vadd.s32 @p1 v2, v34;
	[tilespmem:s29+$0x30] =	vst @p4 v19;
	v31 =	vld.idx.msk @p1 [tilespmem:v31+s3+$0x0], $0xffff  }
0x2db: {  	v15 =	vpsel p1, v30, v15;
	v23 =	vpsel p1, v35, v32;
	[tilespmem:s25+$0x0] =	vst v11  }
0x2dc: {  	s9 =	smov.u32 @p1 s30;
	v19 =	vadd.s32 @p1 v2, v15;
	[tilespmem:s25+$0xFFFFFF80] =	vst v17;
	v57 =	vld.idx.msk [tilespmem:v55+s3+$0x0], $0xffff  }
0x2dd: {  	v29 =	vadd.s32 @p3 v8, v29;
	v59 =	vadd.s32 v2, v16;
	s26 =	smov.u32 @p1 s9;
	v58 =	vld.idx.msk [tilespmem:v56+s3+$0x0], $0xffff  }
0x2de: {  	v60 =	vadd.s32 v2, v10;
	v36 =	vld.idx.msk @p3 [tilespmem:v36+s3+$0x0], $0xffff;
	s1 =	smov.u32 @p1 s26;
	v13 =	vpsel p1, v34, v13;
	v18 =	vpsel p1, v18, v20  }
0x2df: {  	v30 =	vmov @p2 v38;
	v32 =	vadd.s32 @p2 v8, v40;
	v14 =	vld.idx.msk @p2 [tilespmem:v14+s3+$0x0], $0xffff;
	[tilespmem:s1+$0x10] =	vst @p1 v18;
	v17 =	vpsel p1, v31, v24  }
0x2e0: {  	v12 =	vpsel p2, v30, v12;
	v20 =	vpsel p2, v32, v25;
	v23 =	vld.idx.msk @p1 [tilespmem:v23+s3+$0x0], $0xffff;
	[tilespmem:s1+$0xFFFFFF90] =	vst @p1 v17  }
0x2e1: {  	v13 =	vadd.s32 @p1 v8, v13;
	v12 =	vadd.s32 @p2 v8, v12;
	[tilespmem:s25+$0x10] =	vst v57;
	v19 =	vld.idx.msk @p1 [tilespmem:v19+s3+$0x0], $0xffff  }
0x2e2: {  	v62 =	vadd.s32 v8, v16;
	v13 =	vpsel p1, v13, v0;
	[tilespmem:s25+$0xFFFFFF90] =	vst v58;
	v61 =	vld.idx.msk [tilespmem:v59+s3+$0x0], $0xffff  }
0x2e3: {  	v10 =	vadd.s32 v8, v10;
	[tilespmem:s28+$0xFFFFFFA0] =	vst @p3 v28;
	s24 =	smov.u32 @p2 s0;
	v11 =	vpsel p2, v26, v22;
	v17 =	vld.idx.msk [tilespmem:v60+s3+$0x0], $0xffff  }
0x2e4: {  	s0 =	smov.u32 @p1 s1;
	v25 =	vld.idx.msk @p3 [tilespmem:v29+s3+$0x0], $0xffff;
	[tilespmem:s24+$0x20] =	vst @p2 v11;
	v11 =	vpsel p1, v15, v0;
	v14 =	vpsel p2, v14, v21  }
0x2e5: {  	s0 =	smov.u32 @p1 s0;
	v11 =	vadd.s32 @p1 v8, v11;
	v15 =	vld.idx.msk @p2 [tilespmem:v20+s3+$0x0], $0xffff;
	[tilespmem:s24+$0xFFFFFFA0] =	vst @p2 v14;
	v14 =	vpsel p1, v23, v0  }
0x2e6: {  	v12 =	vld.idx.msk @p2 [tilespmem:v12+s3+$0x0], $0xffff;
	[tilespmem:s0+$0x20] =	vst @p1 v14  }
0x2e7: {  	v20 =	vmul.f32 @p4 v27, v9;
	v13 =	vld.idx.msk @p1 [tilespmem:v13+s3+$0x0], $0xffff;
	[tilespmem:s25+$0x20] =	vst v61  }
0x2e8: {  	v14 =	vpsel p3, v36, v0;
	v18 =	vpsel p1, v19, v0;
	[tilespmem:s25+$0xFFFFFFA0] =	vst v17;
	v16 =	vld.idx.msk [tilespmem:v62+s3+$0x0], $0xffff  }
0x2e9: {  	s1 =	smov.u32 @p3 s28;
	v14 =	vmul.f32 @p3 v14, v9;
	[tilespmem:s0+$0xFFFFFFA0] =	vst @p1 v18;
	v18 =	vpsel p3, v25, v0;
	v10 =	vld.idx.msk [tilespmem:v10+s3+$0x0], $0xffff  }
0x2ea: {  	s1 =	smov.u32 @p3 s1;
	[tilespmem:s29+$0xFFFFFFB0] =	vst @p4 v20;
	v15 =	vpsel p2, v15, v0;
	v11 =	vld.idx.msk @p1 [tilespmem:v11+s3+$0x0], $0xffff;
	v18 =	vmul.f32 @p3 v18, v9  }
0x2eb: {  	s9 =	smov.u32 @p2 s24;
	v12 =	vpsel p2, v12, v0;
	[tilespmem:s1+$0x30] =	vst @p3 v14;
	v14 =	vmul.f32 @p2 v15, v9  }
0x2ec: {  	v12 =	vmul.f32 @p2 v12, v9;
	[tilespmem:s1+$0xFFFFFFB0] =	vst @p3 v18;
	s1 =	smov.u32 @p2 s9;
	v13 =	vpsel p1, v13, v0  }
0x2ed: {  	[tilespmem:s1+$0x30] =	vst @p2 v14;
	v13 =	vmul.f32 @p1 v13, v9  }
0x2ee: {  	s0 =	smov.u32 @p1 s0;
	[tilespmem:s1+$0xFFFFFFB0] =	vst @p2 v12;
	v63 =	vmul.f32 v16, v9  }
0x2ef: {  	v10 =	vmul.f32 v10, v9;
	v11 =	vpsel p1, v11, v0;
	[tilespmem:s0+$0x30] =	vst @p1 v13  }
0x2f0: {  	v11 =	vmul.f32 @p1 v11, v9;
	[tilespmem:s25+$0x30] =	vst v63  }
0x2f1: {  	[tilespmem:s25+$0xFFFFFFB0] =	vst v10  }
0x2f2: {  	[tilespmem:s0+$0xFFFFFFB0] =	vst @p1 v11  }
.LBB2_96:
0x2f3: {  	p1 =	sge.s32 s23, s20  }
.Ltmp70:
0x2f4: {  	_ = 	snop;
	(pc) =	sbr.rel @p1 .LBB2_99-.Ltmp70, $1  }
0x2f5: {  	_ =	sdelay $0x3  }
0x2f6: {  	s0 =	sshll.u32 s21, $0x9;
	s1 =	sshll.u32 s22, $0x9  }
0x2f7: {  	s0 =	ssub.s32 s0, s1  }
0x2f8: {  	s1 =	sshra.s32 s0, $0x2  }
0x2f9: {  	s0 =	ssub.s32 $0x0, s22;
	s22 =	sadd.s32 $0xB020, s1  }
.LBB2_98:
0x2fa: {  	s1 =	sadd.s32 s0, s20  }
0x2fb: {  	v10 =	vmul.u32 s1, v6;
	_ =	sdelay $0x1  }
0x2fc: {  	v10 =	vadd.s32 v7, v10  }
0x2fd: {  	v11 =	vadd.s32 v0, v10;
	_ =	sdelay $0x4  }
0x2fe: {  	v11 =	vld.idx.msk [tilespmem:v11+s3+$0x0], $0xffff  }
0x2ff: {  	v12 =	vadd.s32 v1, v10;
	_ =	sdelay $0x3  }
0x300: {  	[tilespmem:s22+$0xFFFFFFE0] =	vst v11  }
0x301: {  	v11 =	vld.idx.msk [tilespmem:v12+s3+$0x0], $0xffff  }
0x302: {  	v63 =	vadd.s32 v2, v10;
	_ =	sdelay $0x3  }
0x303: {  	[tilespmem:s22+$0xFFFFFFF0] =	vst v11  }
0x304: {  	v11 =	vld.idx.msk [tilespmem:v63+s3+$0x0], $0xffff  }
0x305: {  	v10 =	vadd.s32 v8, v10;
	_ =	sdelay $0x3  }
0x306: {  	[tilespmem:s22+$0x0] =	vst v11  }
0x307: {  	v10 =	vld.idx.msk [tilespmem:v10+s3+$0x0], $0xffff  }
0x308: {  	s0 =	sadd.s32 $0x1, s0  }
0x309: {  	p1 =	seq.s32 s0, $0x0  }
.Ltmp71:
0x30a: {  	_ = 	snop;
	(pc) =	sbr.rel @!p1 .LBB2_98-.Ltmp71, $3  }
0x30b: {  	_ = 	snop  }
0x30c: {  	v10 =	vmul.f32 v10, v9;
	_ =	sdelay $0x1  }
0x30d: {  	[tilespmem:s22+$0x10] =	vst v10;
	s22 =	sadd.s32 $0x80, s22  }
.LBB2_99:
0x30e: {  	s0 =	ssub.s32 $0x40, s20  }
0x30f: {  	s1 =	sshrl.u32 s0, $0x1F  }
0x310: {  	s0 =	sadd.s32 s1, s0  }
0x311: {  	s0 =	sand.u32 $0xFFFFFFFE, s0  }
0x312: {  	s22 =	sadd.s32 s20, s0  }
0x313: {  	p1 =	sge.s32 s20, s22  }
.Ltmp72:
0x314: {  	_ = 	snop;
	(pc) =	sbr.rel @p1 .LBB2_103-.Ltmp72, $1  }
0x315: {  	_ =	sdelay $0x3  }
0x316: {  	s0 =	sshll.u32 s21, $0x9  }
0x317: {  	s0 =	sshra.s32 s0, $0x2  }
0x318: {  	s0 =	sadd.s32 $0xB080, s0  }
0x319: {  	s20 =	sadd.s32 $0x2, s20;
	[tilespmem:s0+$0xFFFFFF80] =	vst v4  }
0x31a: {  	p1 =	slt.s32 s20, s22;
	[tilespmem:s0+$0x30] =	vst v4  }
.Ltmp73:
0x31b: {  	[tilespmem:s0+$0x20] =	vst v4;
	(pc) =	sbr.rel @!p1 .LBB2_102-.Ltmp73, $4  }
0x31c: {  	[tilespmem:s0+$0x10] =	vst v4  }
0x31d: {  	[tilespmem:s0+$0x0] =	vst v4  }
0x31e: {  	[tilespmem:s0+$0xFFFFFFB0] =	vst v4  }
0x31f: {  	[tilespmem:s0+$0xFFFFFFA0] =	vst v4  }
.LBB2_101:
0x320: {  	s20 =	sadd.s32 $0x2, s20;
	[tilespmem:s0+$0xFFFFFF90] =	vst v4;
	s0 =	sadd.s32 $0x100, s0  }
0x321: {  	[tilespmem:s0+$0xFFFFFF80] =	vst v4;
	p1 =	slt.s32 s20, s22  }
0x322: {  	[tilespmem:s0+$0x30] =	vst v4  }
.Ltmp74:
0x323: {  	[tilespmem:s0+$0x20] =	vst v4;
	(pc) =	sbr.rel @p1 .LBB2_101-.Ltmp74, $4  }
0x324: {  	[tilespmem:s0+$0x10] =	vst v4  }
0x325: {  	[tilespmem:s0+$0x0] =	vst v4  }
0x326: {  	[tilespmem:s0+$0xFFFFFFB0] =	vst v4  }
0x327: {  	[tilespmem:s0+$0xFFFFFFA0] =	vst v4  }
.LBB2_102:
0x328: {  	[tilespmem:s0+$0xFFFFFF90] =	vst v4  }
.LBB2_103:
0x329: {  	p1 =	slt.s32 s22, $0x40  }
.Ltmp75:
0x32a: {  	_ = 	snop;
	(pc) =	sbr.rel @p1 .LBB2_130-.Ltmp75, $4  }
.Ltmp76:
0x32b: {  	_ = 	snop;
	(pc) =	sbr.rel @!p1 .LBB2_104-.Ltmp76, $4  }
0x32c: {  	_ = 	snop  }
0x32d: {  	_ = 	snop  }
0x32e: {  	_ = 	snop  }
0x32f: {  	_ = 	snop  }
.LBB2_159:
0x330: {  	p1 =	slt.s32 s0, $0x30  }
.Ltmp77:
0x331: {  	_ = 	snop;
	(pc) =	sbr.rel @p1 .LBB2_185-.Ltmp77, $4  }
0x332: {  	_ = 	snop  }
0x333: {  	s1 =	sadd.s32 s21, s18  }
0x334: {  	s22 =	sand.u32 $0xFFFFFFFE, s1  }
0x335: {  	v7 =	vadd.s32 $0xFFFFFFFF, v6;
	s21 =	ssub.s32 s18, s22;
	p0 =	slt.s32 s22, $0x1  }
.Ltmp78:
0x336: {  	(pc) =	sbr.rel @p0 .LBB2_163-.Ltmp78, $3  }
0x337: {  	_ =	sdelay $0x1  }
0x338: {  	vm0 =	vlt.s32 v7, v3;
	vm1 =	vgt.s32 v6, v3  }
0x339: {  	v7 =	vsel vm0, v7, v3;
	v8 =	vsel vm1, $0x3F800000, v4  }
0x33a: {  	p4 =	sgt.s32 s22, $0x2  }
.Ltmp79:
0x33b: {  	s0 =	simm.s32 $0x0;
	s1 =	simm.s32 $0x1;
	(pc) =	sbr.rel @!p4 .LBB2_162-.Ltmp79, $3  }
0x33c: {  	v9 =	vmul.u32 s0, v6;
	v10 =	vmul.u32 s1, v6;
	_ =	sdelay $0x1  }
0x33d: {  	s23 =	simm.s32 $0xD080;
	p0 =	por $0x0, $0x0;
	p1 =	por $0x0, $0x0;
	v11 =	vadd.s32 v5, v9;
	v34 =	vadd.s32 v5, v10  }
0x33e: {  	p2 =	por $0x0, $0x0;
	p3 =	por $0x0, $0x0;
	s0 =	simm.s32 $0x2;
	v16 =	vadd.s32 v0, v11;
	v13 =	vadd.s32 v0, v34  }
0x33f: {  	p4 =	sgt.s32 s22, $0x4  }
.Ltmp80:
0x340: {  	s1 =	simm.s32 $0x3;
	(pc) =	sbr.rel @!p4 .LBB2_175-.Ltmp80, $3  }
0x341: {  	v9 =	vmul.u32 s0, v6;
	v12 =	vmul.u32 s1, v6;
	_ =	sdelay $0x1  }
0x342: {  	v32 =	vld.idx.msk [tilespmem:v16+s3+$0x0], $0xffff;
	v14 =	vadd.s32 v5, v9;
	v12 =	vadd.s32 v5, v12  }
0x343: {  	v10 =	vld.idx.msk [tilespmem:v13+s3+$0x0], $0xffff;
	s0 =	simm.s32 $0x4;
	v18 =	vadd.s32 v1, v34;
	p0 =	por $0x1, $0x1;
	v16 =	vadd.s32 v0, v14;
	v13 =	vadd.s32 v0, v12  }
0x344: {  	_ =	sdelay $0x1  }
0x345: {  	v19 =	vadd.s32 v1, v11;
	p4 =	sgt.s32 s22, $0x6  }
.Ltmp81:
0x346: {  	s31 =	simm.s32 $0x5;
	(pc) =	sbr.rel @!p4 .LBB2_177-.Ltmp81, $4  }
0x347: {  	v9 =	vmul.u32 s0, v6;
	v15 =	vld.idx.msk [tilespmem:v16+s3+$0x0], $0xffff;
	v20 =	vmul.u32 s31, v6  }
0x348: {  	v33 =	vadd.s32 v2, v34;
	[tilespmem:s23+$0x0] =	vst v10;
	v10 =	vld.idx.msk [tilespmem:v13+s3+$0x0], $0xffff  }
0x349: {  	v9 =	vadd.s32 v5, v9;
	v30 =	vadd.s32 v5, v20;
	[tilespmem:s23+$0xFFFFFF80] =	vst v32;
	v17 =	vld.idx.msk [tilespmem:v18+s3+$0x0], $0xffff  }
0x34a: {  	s0 =	simm.s32 $0x6;
	s25 =	simm.s32 $0xD180;
	p1 =	por $0x1, $0x1;
	v16 =	vadd.s32 v0, v9;
	v13 =	vadd.s32 v0, v30;
	v18 =	vadd.s32 v1, v12;
	v22 =	vld.idx.msk [tilespmem:v19+s3+$0x0], $0xffff  }
0x34b: {  	_ =	sdelay $0x2  }
0x34c: {  	v20 =	vadd.s32 v1, v14  }
0x34d: {  	s1 =	simm.s32 $0x7;
	v32 =	vld.idx.msk [tilespmem:v16+s3+$0x0], $0xffff;
	v24 =	vadd.s32 v2, v11;
	p4 =	sgt.s32 s22, $0x8  }
.Ltmp82:
0x34e: {  	v16 =	vmul.u32 s0, v6;
	v21 =	vmul.u32 s1, v6;
	[tilespmem:s25+$0x0] =	vst v10;
	v10 =	vld.idx.msk [tilespmem:v13+s3+$0x0], $0xffff;
	(pc) =	sbr.rel @!p4 .LBB2_179-.Ltmp82, $4  }
0x34f: {  	[tilespmem:s23+$0x10] =	vst v17;
	v19 =	vld.idx.msk [tilespmem:v18+s3+$0x0], $0xffff  }
0x350: {  	[tilespmem:s25+$0xFFFFFF80] =	vst v15;
	v39 =	vadd.s32 v5, v16;
	v38 =	vadd.s32 v5, v21;
	v21 =	vld.idx.msk [tilespmem:v33+s3+$0x0], $0xffff  }
0x351: {  	v31 =	vadd.s32 v2, v12;
	v16 =	vadd.s32 v0, v39;
	[tilespmem:s23+$0xFFFFFF90] =	vst v22;
	v23 =	vld.idx.msk [tilespmem:v20+s3+$0x0], $0xffff  }
0x352: {  	s0 =	simm.s32 $0x8;
	s24 =	simm.s32 $0xD280;
	p2 =	por $0x1, $0x1;
	v18 =	vadd.s32 v1, v30;
	v13 =	vadd.s32 v0, v38;
	v20 =	vld.idx.msk [tilespmem:v24+s3+$0x0], $0xffff;
	v24 =	vadd.s32 v7, v34  }
0x353: {  	_ =	sdelay $0x3  }
0x354: {  	v40 =	vld.idx.msk [tilespmem:v16+s3+$0x0], $0xffff;
	v16 =	vadd.s32 v1, v9;
	_ =	sdelay $0x1  }
0x355: {  	[tilespmem:s24+$0x0] =	vst v10;
	v10 =	vld.idx.msk [tilespmem:v13+s3+$0x0], $0xffff;
	s1 =	simm.s32 $0x9;
	v13 =	vmul.u32 s0, v6  }
0x356: {  	v26 =	vadd.s32 v2, v14;
	v15 =	vmul.u32 s1, v6  }
0x357: {  	v28 =	vadd.s32 v7, v11;
	[tilespmem:s24+$0xFFFFFF80] =	vst v32;
	p4 =	sgt.s32 s22, $0xA;
	v17 =	vld.idx.msk [tilespmem:v18+s3+$0x0], $0xffff;
	v34 =	vadd.s32 v5, v13  }
.Ltmp83:
0x358: {  	[tilespmem:s23+$0x20] =	vst v21;
	v15 =	vadd.s32 v5, v15;
	v22 =	vld.idx.msk [tilespmem:v16+s3+$0x0], $0xffff;
	v16 =	vadd.s32 v0, v34;
	(pc) =	sbr.rel @!p4 .LBB2_181-.Ltmp83, $4  }
0x359: {  	[tilespmem:s25+$0x10] =	vst v19;
	v25 =	vld.idx.msk [tilespmem:v24+s3+$0x0], $0xffff;
	v13 =	vadd.s32 v0, v15  }
0x35a: {  	v18 =	vadd.s32 v1, v38;
	v29 =	vld.idx.msk [tilespmem:v31+s3+$0x0], $0xffff;
	[tilespmem:s25+$0xFFFFFF90] =	vst v23  }
0x35b: {  	s0 =	simm.s32 $0xA;
	s29 =	simm.s32 $0xD380;
	p3 =	por $0x1, $0x1;
	v35 =	vadd.s32 v7, v12;
	[tilespmem:s23+$0xFFFFFFA0] =	vst v20;
	v27 =	vld.idx.msk [tilespmem:v26+s3+$0x0], $0xffff  }
0x35c: {  	v33 =	vadd.s32 v2, v30;
	s30 =	simm.s32 $0xD280;
	s26 =	simm.s32 $0xD180;
	s28 =	simm.s32 $0xD080;
	v26 =	vld.idx.msk [tilespmem:v28+s3+$0x0], $0xffff;
	v28 =	vmov v14  }
.LBB2_182:
0x35d: {  	v32 =	vmul.u32 s0, v6;
	s1 =	sadd.s32 $0x1, s0;
	v36 =	vld.idx.msk [tilespmem:v16+s3+$0x0], $0xffff;
	v37 =	vadd.s32 v1, v39;
	[tilespmem:s29+$0x0] =	vst v10;
	s9 =	smov.u32 s30;
	s30 =	smov.u32 s29  }
0x35e: {  	v42 =	vadd.s32 v2, v9;
	s0 =	sadd.s32 $0x2, s0;
	v41 =	vmul.u32 s1, v6;
	v10 =	vld.idx.msk [tilespmem:v13+s3+$0x0], $0xffff;
	[tilespmem:s9+$0x10] =	vst v17;
	v13 =	vmul.f32 v25, v8  }
0x35f: {  	v43 =	vadd.s32 v7, v28;
	v28 =	vmov v9;
	p4 =	slt.s32 s0, s22;
	v32 =	vadd.s32 v5, v32;
	v17 =	vld.idx.msk [tilespmem:v18+s3+$0x0], $0xffff;
	[tilespmem:s26+$0x20] =	vst v29  }
.Ltmp84:
0x360: {  	v9 =	vmov v39;
	v16 =	vadd.s32 v0, v32;
	v41 =	vadd.s32 v5, v41;
	v25 =	vld.idx.msk [tilespmem:v35+s3+$0x0], $0xffff;
	[tilespmem:s28+$0x30] =	vst v13;
	(pc) =	sbr.rel @p4 .LBB2_182-.Ltmp84, $4  }
0x361: {  	v39 =	vmov v34;
	v34 =	vmov v32;
	v13 =	vadd.s32 v0, v41;
	[tilespmem:s29+$0xFFFFFF80] =	vst v40;
	v29 =	vld.idx.msk [tilespmem:v33+s3+$0x0], $0xffff  }
0x362: {  	v18 =	vadd.s32 v1, v15;
	v32 =	vmul.f32 v26, v8;
	[tilespmem:s9+$0xFFFFFF90] =	vst v22;
	v22 =	vld.idx.msk [tilespmem:v37+s3+$0x0], $0xffff  }
0x363: {  	v35 =	vadd.s32 v7, v30;
	v30 =	vmovc v38;
	v38 =	vmov v15;
	v40 =	vmov v36;
	[tilespmem:s26+$0xFFFFFFA0] =	vst v27;
	v27 =	vld.idx.msk [tilespmem:v42+s3+$0x0], $0xffff  }
0x364: {  	v33 =	vadd.s32 v2, v30;
	s29 =	sadd.s32 $0x100, s29;
	v15 =	vmov v41;
	v26 =	vld.idx.msk [tilespmem:v43+s3+$0x0], $0xffff;
	[tilespmem:s28+$0xFFFFFFB0] =	vst v32;
	s28 =	smov.u32 s26;
	s26 =	smov.u32 s9  }
0x365: {  	v37 =	vmov v9  }
0x366: {  	v36 =	vmovc v39;
	v32 =	vmovc v40;
	v9 =	vmov v34;
	v39 =	vmov v30;
	v34 =	vmov v38  }
.LBB2_184:
0x367: {  	_ =	sdelay $0x2  }
0x368: {  	v30 =	vadd.s32 @p0 v1, v36;
	[tilespmem:s29+$0x0] =	vst @p0 v10  }
0x369: {  	v10 =	vld.idx.msk [tilespmem:v13+s3+$0x0], $0xffff;
	[tilespmem:s29+$0xFFFFFF80] =	vst @p0 v32  }
0x36a: {  	v16 =	vld.idx.msk [tilespmem:v16+s3+$0x0], $0xffff;
	s0 =	smov.u32 @p1 s30;
	v56 =	vadd.s32 v1, v15;
	[tilespmem:s26+$0x20] =	vst @p2 v29  }
0x36b: {  	v57 =	vadd.s32 v1, v9;
	[tilespmem:s0+$0x10] =	vst @p1 v17;
	v17 =	vld.idx.msk @p0 [tilespmem:v18+s3+$0x0], $0xffff;
	v18 =	vmul.f32 @p3 v25, v8  }
0x36c: {  	s1 =	sadd.s32 @p0 $0x100, s29;
	[tilespmem:s0+$0xFFFFFF90] =	vst @p1 v22;
	v25 =	vld.idx.msk @p1 [tilespmem:v33+s3+$0x0], $0xffff;
	v33 =	vmov @p0 v34  }
0x36d: {  	v13 =	vadd.s32 @p1 v2, v37;
	v29 =	vmov @p0 v36;
	s24 =	smov.u32 @p0 s1;
	v34 =	vadd.s32 @p0 v2, v33;
	[tilespmem:s28+$0x30] =	vst @p3 v18;
	v30 =	vld.idx.msk @p0 [tilespmem:v30+s3+$0x0], $0xffff  }
0x36e: {  	v14 =	vpsel p0, v29, v14;
	v22 =	vpsel p0, v34, v31;
	[tilespmem:s24+$0x0] =	vst v10  }
0x36f: {  	s9 =	smov.u32 @p0 s29;
	v18 =	vadd.s32 @p0 v2, v14;
	[tilespmem:s24+$0xFFFFFF80] =	vst v16;
	v58 =	vld.idx.msk [tilespmem:v56+s3+$0x0], $0xffff  }
0x370: {  	v28 =	vadd.s32 @p2 v7, v28;
	v60 =	vadd.s32 v2, v15;
	s25 =	smov.u32 @p0 s9;
	v59 =	vld.idx.msk [tilespmem:v57+s3+$0x0], $0xffff  }
0x371: {  	v61 =	vadd.s32 v2, v9;
	v35 =	vld.idx.msk @p2 [tilespmem:v35+s3+$0x0], $0xffff;
	s1 =	smov.u32 @p0 s25;
	v12 =	vpsel p0, v33, v12;
	v17 =	vpsel p0, v17, v19  }
0x372: {  	v29 =	vmov @p1 v37;
	v31 =	vadd.s32 @p1 v7, v39;
	v13 =	vld.idx.msk @p1 [tilespmem:v13+s3+$0x0], $0xffff;
	[tilespmem:s1+$0x10] =	vst @p0 v17;
	v16 =	vpsel p0, v30, v23  }
0x373: {  	v11 =	vpsel p1, v29, v11;
	v19 =	vpsel p1, v31, v24;
	v22 =	vld.idx.msk @p0 [tilespmem:v22+s3+$0x0], $0xffff;
	[tilespmem:s1+$0xFFFFFF90] =	vst @p0 v16  }
0x374: {  	v12 =	vadd.s32 @p0 v7, v12;
	v11 =	vadd.s32 @p1 v7, v11;
	[tilespmem:s24+$0x10] =	vst v58;
	v18 =	vld.idx.msk @p0 [tilespmem:v18+s3+$0x0], $0xffff  }
0x375: {  	v63 =	vadd.s32 v7, v15;
	v12 =	vpsel p0, v12, v0;
	[tilespmem:s24+$0xFFFFFF90] =	vst v59;
	v62 =	vld.idx.msk [tilespmem:v60+s3+$0x0], $0xffff  }
0x376: {  	v9 =	vadd.s32 v7, v9;
	[tilespmem:s26+$0xFFFFFFA0] =	vst @p2 v27;
	s23 =	smov.u32 @p1 s0;
	v10 =	vpsel p1, v25, v21;
	v16 =	vld.idx.msk [tilespmem:v61+s3+$0x0], $0xffff  }
0x377: {  	s0 =	smov.u32 @p0 s1;
	v24 =	vld.idx.msk @p2 [tilespmem:v28+s3+$0x0], $0xffff;
	[tilespmem:s23+$0x20] =	vst @p1 v10;
	v10 =	vpsel p0, v14, v0;
	v13 =	vpsel p1, v13, v20  }
0x378: {  	s0 =	smov.u32 @p0 s0;
	v10 =	vadd.s32 @p0 v7, v10;
	v14 =	vld.idx.msk @p1 [tilespmem:v19+s3+$0x0], $0xffff;
	[tilespmem:s23+$0xFFFFFFA0] =	vst @p1 v13;
	v13 =	vpsel p0, v22, v0  }
0x379: {  	v11 =	vld.idx.msk @p1 [tilespmem:v11+s3+$0x0], $0xffff;
	[tilespmem:s0+$0x20] =	vst @p0 v13  }
0x37a: {  	v19 =	vmul.f32 @p3 v26, v8;
	v12 =	vld.idx.msk @p0 [tilespmem:v12+s3+$0x0], $0xffff;
	[tilespmem:s24+$0x20] =	vst v62  }
0x37b: {  	v13 =	vpsel p2, v35, v0;
	v17 =	vpsel p0, v18, v0;
	[tilespmem:s24+$0xFFFFFFA0] =	vst v16;
	v15 =	vld.idx.msk [tilespmem:v63+s3+$0x0], $0xffff  }
0x37c: {  	s1 =	smov.u32 @p2 s26;
	v13 =	vmul.f32 @p2 v13, v8;
	[tilespmem:s0+$0xFFFFFFA0] =	vst @p0 v17;
	v17 =	vpsel p2, v24, v0;
	v9 =	vld.idx.msk [tilespmem:v9+s3+$0x0], $0xffff  }
0x37d: {  	s1 =	smov.u32 @p2 s1;
	[tilespmem:s28+$0xFFFFFFB0] =	vst @p3 v19;
	v14 =	vpsel p1, v14, v0;
	v10 =	vld.idx.msk @p0 [tilespmem:v10+s3+$0x0], $0xffff;
	v17 =	vmul.f32 @p2 v17, v8  }
0x37e: {  	s9 =	smov.u32 @p1 s23;
	v11 =	vpsel p1, v11, v0;
	[tilespmem:s1+$0x30] =	vst @p2 v13;
	v13 =	vmul.f32 @p1 v14, v8  }
0x37f: {  	v11 =	vmul.f32 @p1 v11, v8;
	[tilespmem:s1+$0xFFFFFFB0] =	vst @p2 v17;
	s1 =	smov.u32 @p1 s9;
	v12 =	vpsel p0, v12, v0  }
0x380: {  	[tilespmem:s1+$0x30] =	vst @p1 v13;
	v12 =	vmul.f32 @p0 v12, v8  }
0x381: {  	s0 =	smov.u32 @p0 s0;
	[tilespmem:s1+$0xFFFFFFB0] =	vst @p1 v11;
	v11 =	vmul.f32 v15, v8  }
0x382: {  	v9 =	vmul.f32 v9, v8;
	v10 =	vpsel p0, v10, v0;
	[tilespmem:s0+$0x30] =	vst @p0 v12  }
0x383: {  	v10 =	vmul.f32 @p0 v10, v8;
	[tilespmem:s24+$0x30] =	vst v11  }
0x384: {  	[tilespmem:s24+$0xFFFFFFB0] =	vst v9  }
0x385: {  	[tilespmem:s0+$0xFFFFFFB0] =	vst @p0 v10  }
.LBB2_163:
0x386: {  	p0 =	sge.s32 s22, s18  }
.Ltmp85:
0x387: {  	_ = 	snop;
	(pc) =	sbr.rel @p0 .LBB2_166-.Ltmp85, $1  }
0x388: {  	_ =	sdelay $0x3  }
0x389: {  	s0 =	sshll.u32 s20, $0x9;
	s1 =	sshll.u32 s21, $0x9  }
0x38a: {  	s0 =	ssub.s32 s0, s1  }
0x38b: {  	s1 =	sshra.s32 s0, $0x2  }
0x38c: {  	s0 =	ssub.s32 $0x0, s21;
	s21 =	sadd.s32 $0xD020, s1  }
.LBB2_165:
0x38d: {  	s1 =	sadd.s32 s0, s18  }
0x38e: {  	v9 =	vmul.u32 s1, v6;
	_ =	sdelay $0x1  }
0x38f: {  	v9 =	vadd.s32 v5, v9  }
0x390: {  	v10 =	vadd.s32 v0, v9;
	_ =	sdelay $0x4  }
0x391: {  	v10 =	vld.idx.msk [tilespmem:v10+s3+$0x0], $0xffff  }
0x392: {  	v11 =	vadd.s32 v1, v9;
	_ =	sdelay $0x3  }
0x393: {  	[tilespmem:s21+$0xFFFFFFE0] =	vst v10  }
0x394: {  	v10 =	vld.idx.msk [tilespmem:v11+s3+$0x0], $0xffff  }
0x395: {  	v11 =	vadd.s32 v2, v9;
	_ =	sdelay $0x3  }
0x396: {  	[tilespmem:s21+$0xFFFFFFF0] =	vst v10  }
0x397: {  	v10 =	vld.idx.msk [tilespmem:v11+s3+$0x0], $0xffff  }
0x398: {  	v9 =	vadd.s32 v7, v9;
	_ =	sdelay $0x3  }
0x399: {  	[tilespmem:s21+$0x0] =	vst v10  }
0x39a: {  	v9 =	vld.idx.msk [tilespmem:v9+s3+$0x0], $0xffff  }
0x39b: {  	s0 =	sadd.s32 $0x1, s0  }
0x39c: {  	p0 =	seq.s32 s0, $0x0  }
.Ltmp86:
0x39d: {  	_ = 	snop;
	(pc) =	sbr.rel @!p0 .LBB2_165-.Ltmp86, $3  }
0x39e: {  	_ = 	snop  }
0x39f: {  	v9 =	vmul.f32 v9, v8;
	_ =	sdelay $0x1  }
0x3a0: {  	[tilespmem:s21+$0x10] =	vst v9;
	s21 =	sadd.s32 $0x80, s21  }
.LBB2_166:
0x3a1: {  	s0 =	ssub.s32 $0x40, s18  }
0x3a2: {  	s1 =	sshrl.u32 s0, $0x1F  }
0x3a3: {  	s0 =	sadd.s32 s1, s0  }
0x3a4: {  	s0 =	sand.u32 $0xFFFFFFFE, s0  }
0x3a5: {  	s21 =	sadd.s32 s18, s0  }
0x3a6: {  	p0 =	sge.s32 s18, s21  }
.Ltmp87:
0x3a7: {  	_ = 	snop;
	(pc) =	sbr.rel @p0 .LBB2_170-.Ltmp87, $1  }
0x3a8: {  	_ =	sdelay $0x3  }
0x3a9: {  	s0 =	sshll.u32 s20, $0x9  }
0x3aa: {  	s0 =	sshra.s32 s0, $0x2  }
0x3ab: {  	s0 =	sadd.s32 $0xD080, s0  }
0x3ac: {  	s18 =	sadd.s32 $0x2, s18;
	[tilespmem:s0+$0xFFFFFF80] =	vst v4  }
0x3ad: {  	p0 =	slt.s32 s18, s21;
	[tilespmem:s0+$0x30] =	vst v4  }
.Ltmp88:
0x3ae: {  	[tilespmem:s0+$0x20] =	vst v4;
	(pc) =	sbr.rel @!p0 .LBB2_169-.Ltmp88, $4  }
0x3af: {  	[tilespmem:s0+$0x10] =	vst v4  }
0x3b0: {  	[tilespmem:s0+$0x0] =	vst v4  }
0x3b1: {  	[tilespmem:s0+$0xFFFFFFB0] =	vst v4  }
0x3b2: {  	[tilespmem:s0+$0xFFFFFFA0] =	vst v4  }
.LBB2_168:
0x3b3: {  	s18 =	sadd.s32 $0x2, s18;
	[tilespmem:s0+$0xFFFFFF90] =	vst v4;
	s0 =	sadd.s32 $0x100, s0  }
0x3b4: {  	[tilespmem:s0+$0xFFFFFF80] =	vst v4;
	p0 =	slt.s32 s18, s21  }
0x3b5: {  	[tilespmem:s0+$0x30] =	vst v4  }
.Ltmp89:
0x3b6: {  	[tilespmem:s0+$0x20] =	vst v4;
	(pc) =	sbr.rel @p0 .LBB2_168-.Ltmp89, $4  }
0x3b7: {  	[tilespmem:s0+$0x10] =	vst v4  }
0x3b8: {  	[tilespmem:s0+$0x0] =	vst v4  }
0x3b9: {  	[tilespmem:s0+$0xFFFFFFB0] =	vst v4  }
0x3ba: {  	[tilespmem:s0+$0xFFFFFFA0] =	vst v4  }
.LBB2_169:
0x3bb: {  	[tilespmem:s0+$0xFFFFFF90] =	vst v4  }
.LBB2_170:
0x3bc: {  	p0 =	slt.s32 s21, $0x40  }
.Ltmp90:
0x3bd: {  	_ = 	snop;
	(pc) =	sbr.rel @p0 .LBB2_196-.Ltmp90, $4  }
.Ltmp91:
0x3be: {  	_ = 	snop;
	(pc) =	sbr.rel @!p0 .LBB2_171-.Ltmp91, $4  }
0x3bf: {  	_ = 	snop  }
0x3c0: {  	_ = 	snop  }
0x3c1: {  	_ = 	snop  }
0x3c2: {  	_ = 	snop  }
.LBB2_52:
.Ltmp92:
0x3c3: {  	(pc) =	sbr.rel @p1 .LBB2_55-.Ltmp92, $3  }
0x3c4: {  	_ =	sdelay $0x1  }
0x3c5: {  	vm0 =	vlt.s32 v7, v2;
	vm1 =	vgt.s32 v5, v2  }
0x3c6: {  	v7 =	vsel vm0, v7, v2;
	v8 =	vsel vm1, $0x3F800000, v4  }
0x3c7: {  	p4 =	sgt.s32 s23, $0x2  }
.Ltmp93:
0x3c8: {  	s0 =	simm.s32 $0x0;
	s1 =	simm.s32 $0x1;
	(pc) =	sbr.rel @!p4 .LBB2_54-.Ltmp93, $3  }
0x3c9: {  	v9 =	vmul.u32 s0, v5;
	v11 =	vmul.u32 s1, v5;
	_ =	sdelay $0x1  }
0x3ca: {  	s24 =	simm.s32 $0x9080;
	p1 =	por $0x0, $0x0;
	v10 =	vadd.s32 v6, v9;
	v21 =	vadd.s32 v6, v11  }
0x3cb: {  	p2 =	por $0x0, $0x0;
	p3 =	por $0x0, $0x0;
	s0 =	simm.s32 $0x2;
	v13 =	vadd.s32 v0, v10;
	v12 =	vadd.s32 v0, v21  }
0x3cc: {  	p4 =	sgt.s32 s23, $0x4  }
.Ltmp94:
0x3cd: {  	s1 =	simm.s32 $0x3;
	(pc) =	sbr.rel @!p4 .LBB2_65-.Ltmp94, $3  }
0x3ce: {  	v9 =	vmul.u32 s0, v5;
	v14 =	vmul.u32 s1, v5;
	_ =	sdelay $0x1  }
0x3cf: {  	v18 =	vld.idx.msk [tilespmem:v13+s3+$0x0], $0xffff;
	v9 =	vadd.s32 v6, v9;
	v19 =	vadd.s32 v6, v14  }
0x3d0: {  	v11 =	vld.idx.msk [tilespmem:v12+s3+$0x0], $0xffff;
	s0 =	simm.s32 $0x4;
	v16 =	vadd.s32 v1, v21;
	p1 =	por $0x1, $0x1;
	v13 =	vadd.s32 v0, v9;
	v12 =	vadd.s32 v0, v19  }
0x3d1: {  	_ =	sdelay $0x1  }
0x3d2: {  	v14 =	vadd.s32 v1, v10;
	p4 =	sgt.s32 s23, $0x6  }
.Ltmp95:
0x3d3: {  	v15 =	vmul.u32 s0, v5;
	s31 =	simm.s32 $0x5;
	(pc) =	sbr.rel @!p4 .LBB2_67-.Ltmp95, $4  }
0x3d4: {  	v24 =	vld.idx.msk [tilespmem:v13+s3+$0x0], $0xffff;
	v17 =	vmul.u32 s31, v5  }
0x3d5: {  	v25 =	vadd.s32 v6, v15;
	[tilespmem:s24+$0x0] =	vst v11;
	v11 =	vld.idx.msk [tilespmem:v12+s3+$0x0], $0xffff  }
0x3d6: {  	v13 =	vadd.s32 v0, v25;
	v22 =	vadd.s32 v6, v17;
	[tilespmem:s24+$0xFFFFFF80] =	vst v18;
	v15 =	vld.idx.msk [tilespmem:v16+s3+$0x0], $0xffff  }
0x3d7: {  	s0 =	simm.s32 $0x6;
	p2 =	por $0x1, $0x1;
	v17 =	vadd.s32 v7, v21;
	v12 =	vadd.s32 v0, v22;
	v14 =	vld.idx.msk [tilespmem:v14+s3+$0x0], $0xffff;
	v16 =	vadd.s32 v1, v19  }
0x3d8: {  	_ =	sdelay $0x3  }
0x3d9: {  	v26 =	vadd.s32 v1, v9;
	s25 =	simm.s32 $0x9180;
	s1 =	simm.s32 $0x7;
	v18 =	vld.idx.msk [tilespmem:v13+s3+$0x0], $0xffff;
	v13 =	vmul.u32 s0, v5  }
0x3da: {  	v28 =	vadd.s32 v7, v10;
	p4 =	sgt.s32 s23, $0x8;
	v23 =	vmul.u32 s1, v5;
	[tilespmem:s25+$0x0] =	vst v11  }
.Ltmp96:
0x3db: {  	v11 =	vld.idx.msk [tilespmem:v12+s3+$0x0], $0xffff;
	v21 =	vadd.s32 v6, v13;
	[tilespmem:s24+$0x10] =	vst v15;
	(pc) =	sbr.rel @!p4 .LBB2_69-.Ltmp96, $4  }
0x3dc: {  	v29 =	vadd.s32 v6, v23;
	v13 =	vadd.s32 v0, v21;
	v20 =	vld.idx.msk [tilespmem:v17+s3+$0x0], $0xffff  }
0x3dd: {  	[tilespmem:s25+$0xFFFFFF80] =	vst v24;
	v23 =	vld.idx.msk [tilespmem:v16+s3+$0x0], $0xffff;
	v12 =	vadd.s32 v0, v29  }
0x3de: {  	s0 =	simm.s32 $0x8;
	v27 =	vadd.s32 v7, v19;
	[tilespmem:s24+$0xFFFFFF90] =	vst v14;
	v24 =	vld.idx.msk [tilespmem:v26+s3+$0x0], $0xffff  }
0x3df: {  	p3 =	por $0x1, $0x1;
	s26 =	simm.s32 $0x9080;
	s28 =	simm.s32 $0x9180;
	v16 =	vadd.s32 v1, v22;
	[tilespmem:s24+$0x30] =	vst v4;
	v26 =	vld.idx.msk [tilespmem:v28+s3+$0x0], $0xffff  }
.LBB2_70:
0x3e0: {  	v19 =	vmul.u32 s0, v5;
	v28 =	vadd.s32 v1, v25;
	s25 =	sadd.s32 $0x100, s25;
	[tilespmem:s26+$0xFFFFFFB0] =	vst v4  }
0x3e1: {  	s1 =	sadd.s32 $0x1, s0;
	v31 =	vadd.s32 v7, v9;
	v32 =	vmul.f32 v20, v8;
	v9 =	vmov v25;
	s0 =	sadd.s32 $0x2, s0;
	v30 =	vld.idx.msk [tilespmem:v13+s3+$0x0], $0xffff;
	[tilespmem:s25+$0x0] =	vst v11  }
0x3e2: {  	v25 =	vmov v21;
	v33 =	vmul.u32 s1, v5;
	p4 =	slt.s32 s0, s23;
	v11 =	vld.idx.msk [tilespmem:v12+s3+$0x0], $0xffff;
	[tilespmem:s28+$0x10] =	vst v23;
	v21 =	vadd.s32 v6, v19  }
.Ltmp97:
0x3e3: {  	v13 =	vadd.s32 v0, v21;
	v20 =	vld.idx.msk [tilespmem:v27+s3+$0x0], $0xffff;
	[tilespmem:s26+$0x20] =	vst v32;
	(pc) =	sbr.rel @p4 .LBB2_70-.Ltmp97, $4  }
0x3e4: {  	v19 =	vadd.s32 v6, v33;
	[tilespmem:s25+$0xFFFFFF80] =	vst v18;
	v23 =	vld.idx.msk [tilespmem:v16+s3+$0x0], $0xffff;
	v16 =	vmul.f32 v26, v8  }
0x3e5: {  	v12 =	vadd.s32 v0, v19;
	[tilespmem:s28+$0xFFFFFF90] =	vst v24;
	v24 =	vld.idx.msk [tilespmem:v28+s3+$0x0], $0xffff  }
0x3e6: {  	v27 =	vadd.s32 v7, v22;
	v22 =	vmov v29;
	v29 =	vmov v19;
	v26 =	vld.idx.msk [tilespmem:v31+s3+$0x0], $0xffff;
	[tilespmem:s26+$0xFFFFFFA0] =	vst v16;
	s26 =	smov.u32 s28;
	s28 =	smov.u32 s25  }
0x3e7: {  	v16 =	vadd.s32 v1, v22;
	v18 =	vmov v30;
	[tilespmem:s26+$0x30] =	vst v4  }
0x3e8: {  	v30 =	vmovc v9;
	v28 =	vmovc v25;
	v9 =	vmov v21;
	v21 =	vmov v22;
	v19 =	vmov v29  }
.LBB2_72:
0x3e9: {  	_ =	sdelay $0x1  }
0x3ea: {  	[tilespmem:s26+$0xFFFFFFB0] =	vst @p3 v4  }
0x3eb: {  	v22 =	vadd.s32 @p1 v1, v28;
	s0 =	sadd.s32 @p2 $0x100, s25;
	s1 =	smov.u32 s24;
	[tilespmem:s28+$0x10] =	vst @p2 v23  }
0x3ec: {  	v13 =	vld.idx.msk [tilespmem:v13+s3+$0x0], $0xffff;
	s1 =	smov.u32 @p2 s0;
	[tilespmem:s28+$0xFFFFFF90] =	vst @p2 v24  }
0x3ed: {  	v25 =	vadd.s32 @p2 v7, v30;
	v59 =	vadd.s32 v1, v9;
	[tilespmem:s1+$0x0] =	vst @p1 v11;
	v11 =	vld.idx.msk [tilespmem:v12+s3+$0x0], $0xffff  }
0x3ee: {  	s0 =	smov.u32 @p2 s28;
	[tilespmem:s1+$0xFFFFFF80] =	vst @p1 v18;
	v18 =	vadd.s32 @p1 v7, v21;
	v21 =	vmul.f32 @p3 v26, v8;
	v12 =	vld.idx.msk @p1 [tilespmem:v16+s3+$0x0], $0xffff  }
0x3ef: {  	s9 =	smov.u32 @p1 s1;
	s1 =	sadd.s32 @p1 $0x100, s1;
	v16 =	vmul.f32 @p3 v20, v8;
	v20 =	vld.idx.msk @p2 [tilespmem:v27+s3+$0x0], $0xffff;
	[tilespmem:s0+$0x30] =	vst @p2 v4  }
0x3f0: {  	v58 =	vadd.s32 v1, v19;
	s25 =	smov.u32 s24;
	s24 =	smov.u32 @p1 s1;
	[tilespmem:s26+$0xFFFFFFA0] =	vst @p3 v21;
	v22 =	vld.idx.msk @p1 [tilespmem:v22+s3+$0x0], $0xffff  }
0x3f1: {  	v17 =	vpsel p1, v18, v17;
	v18 =	vmov @p1 v28;
	[tilespmem:s24+$0xFFFFFF80] =	vst v13  }
0x3f2: {  	s0 =	smov.u32 @p2 s0;
	[tilespmem:s26+$0x20] =	vst @p3 v16;
	v10 =	vpsel p1, v18, v10;
	v61 =	vld.idx.msk [tilespmem:v59+s3+$0x0], $0xffff  }
0x3f3: {  	v16 =	vld.idx.msk @p2 [tilespmem:v25+s3+$0x0], $0xffff;
	[tilespmem:s0+$0xFFFFFFB0] =	vst @p2 v4;
	v10 =	vadd.s32 @p1 v7, v10  }
0x3f4: {  	v9 =	vadd.s32 v7, v9;
	s25 =	smov.u32 @p1 s9;
	[tilespmem:s24+$0x0] =	vst v11;
	v12 =	vpsel p1, v12, v15  }
0x3f5: {  	v60 =	vld.idx.msk [tilespmem:v58+s3+$0x0], $0xffff;
	[tilespmem:s25+$0x10] =	vst @p1 v12;
	v12 =	vpsel p2, v20, v0;
	v14 =	vpsel p1, v22, v14  }
0x3f6: {  	v62 =	vadd.s32 v7, v19;
	v12 =	vmul.f32 @p2 v12, v8;
	[tilespmem:s25+$0xFFFFFF90] =	vst @p1 v14  }
0x3f7: {  	v11 =	vld.idx.msk @p1 [tilespmem:v17+s3+$0x0], $0xffff;
	[tilespmem:s24+$0xFFFFFF90] =	vst v61  }
0x3f8: {  	v15 =	vpsel p2, v16, v0;
	v10 =	vld.idx.msk @p1 [tilespmem:v10+s3+$0x0], $0xffff;
	[tilespmem:s0+$0x20] =	vst @p2 v12  }
0x3f9: {  	v15 =	vmul.f32 @p2 v15, v8;
	v9 =	vld.idx.msk [tilespmem:v9+s3+$0x0], $0xffff;
	[tilespmem:s24+$0xFFFFFFB0] =	vst v4  }
0x3fa: {  	[tilespmem:s24+$0x10] =	vst v60  }
0x3fb: {  	[tilespmem:s0+$0xFFFFFFA0] =	vst @p2 v15;
	s0 =	smov.u32 @p1 s25;
	v63 =	vld.idx.msk [tilespmem:v62+s3+$0x0], $0xffff  }
0x3fc: {  	[tilespmem:s0+$0x30] =	vst @p1 v4;
	v11 =	vpsel p1, v11, v0  }
0x3fd: {  	s0 =	smov.u32 @p1 s0;
	[tilespmem:s24+$0x30] =	vst v4;
	v11 =	vmul.f32 @p1 v11, v8;
	v10 =	vpsel p1, v10, v0  }
0x3fe: {  	[tilespmem:s0+$0xFFFFFFB0] =	vst @p1 v4;
	v10 =	vmul.f32 @p1 v10, v8  }
0x3ff: {  	v9 =	vmul.f32 v9, v8;
	[tilespmem:s0+$0x20] =	vst @p1 v11  }
0x400: {  	[tilespmem:s0+$0xFFFFFFA0] =	vst @p1 v10;
	v10 =	vmul.f32 v63, v8  }
0x401: {  	[tilespmem:s24+$0xFFFFFFA0] =	vst v9  }
0x402: {  	[tilespmem:s24+$0x20] =	vst v10  }
.LBB2_55:
0x403: {  	p1 =	sge.s32 s23, s19  }
.Ltmp98:
0x404: {  	_ = 	snop;
	(pc) =	sbr.rel @p1 .LBB2_58-.Ltmp98, $2  }
0x405: {  	_ =	sdelay $0x2  }
0x406: {  	s0 =	sshll.u32 s21, $0x9  }
0x407: {  	s1 =	sshll.u32 s22, $0x9  }
0x408: {  	s1 =	ssub.s32 s0, s1  }
0x409: {  	s1 =	sshra.s32 s1, $0x2  }
0x40a: {  	s21 =	ssub.s32 $0x0, s22;
	s22 =	sadd.s32 $0x9020, s1  }
.LBB2_57:
0x40b: {  	s1 =	sadd.s32 s21, s19  }
0x40c: {  	v9 =	vmul.u32 s1, v5;
	_ =	sdelay $0x1  }
0x40d: {  	v9 =	vadd.s32 v6, v9  }
0x40e: {  	v10 =	vadd.s32 v0, v9;
	_ =	sdelay $0x4  }
0x40f: {  	v10 =	vld.idx.msk [tilespmem:v10+s3+$0x0], $0xffff  }
0x410: {  	v11 =	vadd.s32 v1, v9;
	_ =	sdelay $0x3  }
0x411: {  	[tilespmem:s22+$0xFFFFFFE0] =	vst v10  }
0x412: {  	v10 =	vld.idx.msk [tilespmem:v11+s3+$0x0], $0xffff  }
0x413: {  	v9 =	vadd.s32 v7, v9;
	_ =	sdelay $0x3  }
0x414: {  	[tilespmem:s22+$0xFFFFFFF0] =	vst v10  }
0x415: {  	v9 =	vld.idx.msk [tilespmem:v9+s3+$0x0], $0xffff  }
0x416: {  	s21 =	sadd.s32 $0x1, s21  }
0x417: {  	p1 =	seq.s32 s21, $0x0  }
.Ltmp99:
0x418: {  	_ = 	snop;
	(pc) =	sbr.rel @!p1 .LBB2_57-.Ltmp99, $4  }
0x419: {  	_ = 	snop  }
0x41a: {  	v9 =	vmul.f32 v9, v8  }
0x41b: {  	[tilespmem:s22+$0x10] =	vst v4  }
0x41c: {  	[tilespmem:s22+$0x0] =	vst v9;
	s22 =	sadd.s32 $0x80, s22  }
.LBB2_58:
0x41d: {  	s1 =	ssub.s32 $0x40, s19  }
0x41e: {  	s9 =	sshrl.u32 s1, $0x1F  }
0x41f: {  	s1 =	sadd.s32 s9, s1  }
0x420: {  	s1 =	sand.u32 $0xFFFFFFFE, s1  }
0x421: {  	s22 =	sadd.s32 s19, s1  }
0x422: {  	p1 =	sge.s32 s19, s22  }
.Ltmp100:
0x423: {  	_ = 	snop;
	(pc) =	sbr.rel @p1 .LBB2_62-.Ltmp100, $1  }
0x424: {  	_ =	sdelay $0x3  }
0x425: {  	s0 =	sshra.s32 s0, $0x2  }
0x426: {  	s0 =	sadd.s32 $0x9080, s0  }
0x427: {  	s19 =	sadd.s32 $0x2, s19;
	[tilespmem:s0+$0xFFFFFF80] =	vst v4  }
0x428: {  	p1 =	slt.s32 s19, s22;
	[tilespmem:s0+$0x30] =	vst v4  }
.Ltmp101:
0x429: {  	[tilespmem:s0+$0x20] =	vst v4;
	(pc) =	sbr.rel @!p1 .LBB2_61-.Ltmp101, $4  }
0x42a: {  	[tilespmem:s0+$0x10] =	vst v4  }
0x42b: {  	[tilespmem:s0+$0x0] =	vst v4  }
0x42c: {  	[tilespmem:s0+$0xFFFFFFB0] =	vst v4  }
0x42d: {  	[tilespmem:s0+$0xFFFFFFA0] =	vst v4  }
.LBB2_60:
0x42e: {  	s19 =	sadd.s32 $0x2, s19;
	[tilespmem:s0+$0xFFFFFF90] =	vst v4;
	s0 =	sadd.s32 $0x100, s0  }
0x42f: {  	[tilespmem:s0+$0xFFFFFF80] =	vst v4;
	p1 =	slt.s32 s19, s22  }
0x430: {  	[tilespmem:s0+$0x30] =	vst v4  }
.Ltmp102:
0x431: {  	[tilespmem:s0+$0x20] =	vst v4;
	(pc) =	sbr.rel @p1 .LBB2_60-.Ltmp102, $4  }
0x432: {  	[tilespmem:s0+$0x10] =	vst v4  }
0x433: {  	[tilespmem:s0+$0x0] =	vst v4  }
0x434: {  	[tilespmem:s0+$0xFFFFFFB0] =	vst v4  }
0x435: {  	[tilespmem:s0+$0xFFFFFFA0] =	vst v4  }
.LBB2_61:
0x436: {  	[tilespmem:s0+$0xFFFFFF90] =	vst v4  }
.LBB2_62:
0x437: {  	p1 =	slt.s32 s22, $0x40  }
.Ltmp103:
0x438: {  	_ = 	snop;
	(pc) =	sbr.rel @!p1 .LBB2_37-.Ltmp103, $4  }
.Ltmp104:
0x439: {  	_ = 	snop;
	(pc) =	sbr.rel @p1 .LBB2_63-.Ltmp104, $4  }
0x43a: {  	_ = 	snop  }
0x43b: {  	_ = 	snop  }
0x43c: {  	_ = 	snop  }
0x43d: {  	_ = 	snop  }
.LBB2_119:
.Ltmp105:
0x43e: {  	(pc) =	sbr.rel @p1 .LBB2_122-.Ltmp105, $3  }
0x43f: {  	_ =	sdelay $0x1  }
0x440: {  	vm0 =	vlt.s32 v8, v2;
	vm1 =	vgt.s32 v6, v2  }
0x441: {  	v8 =	vsel vm0, v8, v2;
	v9 =	vsel vm1, $0x3F800000, v4  }
0x442: {  	p4 =	sgt.s32 s23, $0x2  }
.Ltmp106:
0x443: {  	s0 =	simm.s32 $0x0;
	s1 =	simm.s32 $0x1;
	(pc) =	sbr.rel @!p4 .LBB2_121-.Ltmp106, $3  }
0x444: {  	v10 =	vmul.u32 s0, v6;
	v12 =	vmul.u32 s1, v6;
	_ =	sdelay $0x1  }
0x445: {  	s24 =	simm.s32 $0xB080;
	p1 =	por $0x0, $0x0;
	v11 =	vadd.s32 v7, v10;
	v22 =	vadd.s32 v7, v12  }
0x446: {  	p2 =	por $0x0, $0x0;
	p3 =	por $0x0, $0x0;
	s0 =	simm.s32 $0x2;
	v14 =	vadd.s32 v0, v11;
	v13 =	vadd.s32 v0, v22  }
0x447: {  	p4 =	sgt.s32 s23, $0x4  }
.Ltmp107:
0x448: {  	s1 =	simm.s32 $0x3;
	(pc) =	sbr.rel @!p4 .LBB2_132-.Ltmp107, $3  }
0x449: {  	v10 =	vmul.u32 s0, v6;
	v15 =	vmul.u32 s1, v6;
	_ =	sdelay $0x1  }
0x44a: {  	v19 =	vld.idx.msk [tilespmem:v14+s3+$0x0], $0xffff;
	v10 =	vadd.s32 v7, v10;
	v20 =	vadd.s32 v7, v15  }
0x44b: {  	v12 =	vld.idx.msk [tilespmem:v13+s3+$0x0], $0xffff;
	s0 =	simm.s32 $0x4;
	v17 =	vadd.s32 v1, v22;
	p1 =	por $0x1, $0x1;
	v14 =	vadd.s32 v0, v10;
	v13 =	vadd.s32 v0, v20  }
0x44c: {  	_ =	sdelay $0x1  }
0x44d: {  	v15 =	vadd.s32 v1, v11;
	p4 =	sgt.s32 s23, $0x6  }
.Ltmp108:
0x44e: {  	v16 =	vmul.u32 s0, v6;
	s31 =	simm.s32 $0x5;
	(pc) =	sbr.rel @!p4 .LBB2_134-.Ltmp108, $4  }
0x44f: {  	v25 =	vld.idx.msk [tilespmem:v14+s3+$0x0], $0xffff;
	v18 =	vmul.u32 s31, v6  }
0x450: {  	v26 =	vadd.s32 v7, v16;
	[tilespmem:s24+$0x0] =	vst v12;
	v12 =	vld.idx.msk [tilespmem:v13+s3+$0x0], $0xffff  }
0x451: {  	v14 =	vadd.s32 v0, v26;
	v23 =	vadd.s32 v7, v18;
	[tilespmem:s24+$0xFFFFFF80] =	vst v19;
	v16 =	vld.idx.msk [tilespmem:v17+s3+$0x0], $0xffff  }
0x452: {  	s0 =	simm.s32 $0x6;
	p2 =	por $0x1, $0x1;
	v18 =	vadd.s32 v8, v22;
	v13 =	vadd.s32 v0, v23;
	v15 =	vld.idx.msk [tilespmem:v15+s3+$0x0], $0xffff;
	v17 =	vadd.s32 v1, v20  }
0x453: {  	_ =	sdelay $0x3  }
0x454: {  	v27 =	vadd.s32 v1, v10;
	s25 =	simm.s32 $0xB180;
	s1 =	simm.s32 $0x7;
	v19 =	vld.idx.msk [tilespmem:v14+s3+$0x0], $0xffff;
	v14 =	vmul.u32 s0, v6  }
0x455: {  	v29 =	vadd.s32 v8, v11;
	p4 =	sgt.s32 s23, $0x8;
	v24 =	vmul.u32 s1, v6;
	[tilespmem:s25+$0x0] =	vst v12  }
.Ltmp109:
0x456: {  	v12 =	vld.idx.msk [tilespmem:v13+s3+$0x0], $0xffff;
	v22 =	vadd.s32 v7, v14;
	[tilespmem:s24+$0x10] =	vst v16;
	(pc) =	sbr.rel @!p4 .LBB2_136-.Ltmp109, $4  }
0x457: {  	v30 =	vadd.s32 v7, v24;
	v14 =	vadd.s32 v0, v22;
	v21 =	vld.idx.msk [tilespmem:v18+s3+$0x0], $0xffff  }
0x458: {  	[tilespmem:s25+$0xFFFFFF80] =	vst v25;
	v24 =	vld.idx.msk [tilespmem:v17+s3+$0x0], $0xffff;
	v13 =	vadd.s32 v0, v30  }
0x459: {  	s0 =	simm.s32 $0x8;
	v28 =	vadd.s32 v8, v20;
	[tilespmem:s24+$0xFFFFFF90] =	vst v15;
	v25 =	vld.idx.msk [tilespmem:v27+s3+$0x0], $0xffff  }
0x45a: {  	p3 =	por $0x1, $0x1;
	s26 =	simm.s32 $0xB080;
	s28 =	simm.s32 $0xB180;
	v17 =	vadd.s32 v1, v23;
	[tilespmem:s24+$0x30] =	vst v4;
	v27 =	vld.idx.msk [tilespmem:v29+s3+$0x0], $0xffff  }
.LBB2_137:
0x45b: {  	v20 =	vmul.u32 s0, v6;
	v29 =	vadd.s32 v1, v26;
	s25 =	sadd.s32 $0x100, s25;
	[tilespmem:s26+$0xFFFFFFB0] =	vst v4  }
0x45c: {  	s1 =	sadd.s32 $0x1, s0;
	v32 =	vadd.s32 v8, v10;
	v33 =	vmul.f32 v21, v9;
	v10 =	vmov v26;
	s0 =	sadd.s32 $0x2, s0;
	v31 =	vld.idx.msk [tilespmem:v14+s3+$0x0], $0xffff;
	[tilespmem:s25+$0x0] =	vst v12  }
0x45d: {  	v26 =	vmov v22;
	v34 =	vmul.u32 s1, v6;
	p4 =	slt.s32 s0, s23;
	v12 =	vld.idx.msk [tilespmem:v13+s3+$0x0], $0xffff;
	[tilespmem:s28+$0x10] =	vst v24;
	v22 =	vadd.s32 v7, v20  }
.Ltmp110:
0x45e: {  	v14 =	vadd.s32 v0, v22;
	v21 =	vld.idx.msk [tilespmem:v28+s3+$0x0], $0xffff;
	[tilespmem:s26+$0x20] =	vst v33;
	(pc) =	sbr.rel @p4 .LBB2_137-.Ltmp110, $4  }
0x45f: {  	v20 =	vadd.s32 v7, v34;
	[tilespmem:s25+$0xFFFFFF80] =	vst v19;
	v24 =	vld.idx.msk [tilespmem:v17+s3+$0x0], $0xffff;
	v17 =	vmul.f32 v27, v9  }
0x460: {  	v13 =	vadd.s32 v0, v20;
	[tilespmem:s28+$0xFFFFFF90] =	vst v25;
	v25 =	vld.idx.msk [tilespmem:v29+s3+$0x0], $0xffff  }
0x461: {  	v28 =	vadd.s32 v8, v23;
	v23 =	vmov v30;
	v30 =	vmov v20;
	v27 =	vld.idx.msk [tilespmem:v32+s3+$0x0], $0xffff;
	[tilespmem:s26+$0xFFFFFFA0] =	vst v17;
	s26 =	smov.u32 s28;
	s28 =	smov.u32 s25  }
0x462: {  	v17 =	vadd.s32 v1, v23;
	v19 =	vmov v31;
	[tilespmem:s26+$0x30] =	vst v4  }
0x463: {  	v31 =	vmovc v10;
	v29 =	vmovc v26;
	v10 =	vmov v22;
	v22 =	vmov v23;
	v20 =	vmov v30  }
.LBB2_139:
0x464: {  	_ =	sdelay $0x1  }
0x465: {  	[tilespmem:s26+$0xFFFFFFB0] =	vst @p3 v4  }
0x466: {  	v23 =	vadd.s32 @p1 v1, v29;
	s0 =	sadd.s32 @p2 $0x100, s25;
	s1 =	smov.u32 s24;
	[tilespmem:s28+$0x10] =	vst @p2 v24  }
0x467: {  	v57 =	vld.idx.msk [tilespmem:v13+s3+$0x0], $0xffff;
	s1 =	smov.u32 @p2 s0;
	[tilespmem:s28+$0xFFFFFF90] =	vst @p2 v25  }
0x468: {  	v14 =	vld.idx.msk [tilespmem:v14+s3+$0x0], $0xffff;
	v58 =	vadd.s32 v1, v20;
	v59 =	vadd.s32 v1, v10;
	[tilespmem:s1+$0x0] =	vst @p1 v12  }
0x469: {  	s0 =	smov.u32 @p2 s28;
	[tilespmem:s1+$0xFFFFFF80] =	vst @p1 v19;
	v19 =	vadd.s32 @p1 v8, v22;
	v22 =	vmul.f32 @p3 v27, v9;
	v13 =	vld.idx.msk @p1 [tilespmem:v17+s3+$0x0], $0xffff  }
0x46a: {  	v26 =	vadd.s32 @p2 v8, v31;
	s9 =	smov.u32 @p1 s1;
	s1 =	sadd.s32 @p1 $0x100, s1;
	v17 =	vmul.f32 @p3 v21, v9;
	v21 =	vld.idx.msk @p2 [tilespmem:v28+s3+$0x0], $0xffff;
	[tilespmem:s0+$0x30] =	vst @p2 v4  }
0x46b: {  	s25 =	smov.u32 s24;
	s24 =	smov.u32 @p1 s1;
	[tilespmem:s26+$0xFFFFFFA0] =	vst @p3 v22;
	v23 =	vld.idx.msk @p1 [tilespmem:v23+s3+$0x0], $0xffff  }
0x46c: {  	v18 =	vpsel p1, v19, v18;
	v19 =	vmov @p1 v29;
	[tilespmem:s24+$0x0] =	vst v57  }
0x46d: {  	[tilespmem:s24+$0xFFFFFF80] =	vst v14;
	v11 =	vpsel p1, v19, v11;
	v60 =	vld.idx.msk [tilespmem:v58+s3+$0x0], $0xffff  }
0x46e: {  	s0 =	smov.u32 @p2 s0;
	[tilespmem:s26+$0x20] =	vst @p3 v17;
	v61 =	vld.idx.msk [tilespmem:v59+s3+$0x0], $0xffff;
	v11 =	vadd.s32 @p1 v8, v11  }
0x46f: {  	v62 =	vadd.s32 v8, v20;
	s25 =	smov.u32 @p1 s9;
	v17 =	vld.idx.msk @p2 [tilespmem:v26+s3+$0x0], $0xffff;
	[tilespmem:s0+$0xFFFFFFB0] =	vst @p2 v4;
	v13 =	vpsel p1, v13, v16  }
0x470: {  	v10 =	vadd.s32 v8, v10;
	[tilespmem:s25+$0x10] =	vst @p1 v13;
	v15 =	vpsel p1, v23, v15  }
0x471: {  	v13 =	vpsel p2, v21, v0;
	[tilespmem:s25+$0xFFFFFF90] =	vst @p1 v15  }
0x472: {  	v12 =	vld.idx.msk @p1 [tilespmem:v18+s3+$0x0], $0xffff;
	v13 =	vmul.f32 @p2 v13, v9;
	[tilespmem:s24+$0x10] =	vst v60  }
0x473: {  	[tilespmem:s24+$0xFFFFFF90] =	vst v61;
	v11 =	vld.idx.msk @p1 [tilespmem:v11+s3+$0x0], $0xffff  }
0x474: {  	v16 =	vpsel p2, v17, v0;
	[tilespmem:s0+$0x20] =	vst @p2 v13;
	v63 =	vld.idx.msk [tilespmem:v62+s3+$0x0], $0xffff  }
0x475: {  	v16 =	vmul.f32 @p2 v16, v9;
	v10 =	vld.idx.msk [tilespmem:v10+s3+$0x0], $0xffff;
	[tilespmem:s24+$0x30] =	vst v4  }
0x476: {  	[tilespmem:s24+$0xFFFFFFB0] =	vst v4  }
0x477: {  	[tilespmem:s0+$0xFFFFFFA0] =	vst @p2 v16;
	s0 =	smov.u32 @p1 s25;
	v12 =	vpsel p1, v12, v0  }
0x478: {  	[tilespmem:s0+$0x30] =	vst @p1 v4;
	s0 =	smov.u32 @p1 s0;
	v12 =	vmul.f32 @p1 v12, v9;
	v11 =	vpsel p1, v11, v0  }
0x479: {  	[tilespmem:s0+$0xFFFFFFB0] =	vst @p1 v4;
	v11 =	vmul.f32 @p1 v11, v9  }
0x47a: {  	v10 =	vmul.f32 v10, v9;
	[tilespmem:s0+$0x20] =	vst @p1 v12  }
0x47b: {  	[tilespmem:s0+$0xFFFFFFA0] =	vst @p1 v11;
	v11 =	vmul.f32 v63, v9  }
0x47c: {  	[tilespmem:s24+$0xFFFFFFA0] =	vst v10  }
0x47d: {  	[tilespmem:s24+$0x20] =	vst v11  }
.LBB2_122:
0x47e: {  	p1 =	sge.s32 s23, s20  }
.Ltmp111:
0x47f: {  	_ = 	snop;
	(pc) =	sbr.rel @p1 .LBB2_125-.Ltmp111, $2  }
0x480: {  	_ =	sdelay $0x2  }
0x481: {  	s0 =	sshll.u32 s21, $0x9  }
0x482: {  	s1 =	sshll.u32 s22, $0x9  }
0x483: {  	s1 =	ssub.s32 s0, s1  }
0x484: {  	s1 =	sshra.s32 s1, $0x2  }
0x485: {  	s21 =	ssub.s32 $0x0, s22;
	s22 =	sadd.s32 $0xB020, s1  }
.LBB2_124:
0x486: {  	s1 =	sadd.s32 s21, s20  }
0x487: {  	v10 =	vmul.u32 s1, v6;
	_ =	sdelay $0x1  }
0x488: {  	v10 =	vadd.s32 v7, v10  }
0x489: {  	v11 =	vadd.s32 v0, v10;
	_ =	sdelay $0x4  }
0x48a: {  	v11 =	vld.idx.msk [tilespmem:v11+s3+$0x0], $0xffff  }
0x48b: {  	v12 =	vadd.s32 v1, v10;
	_ =	sdelay $0x3  }
0x48c: {  	[tilespmem:s22+$0xFFFFFFE0] =	vst v11  }
0x48d: {  	v11 =	vld.idx.msk [tilespmem:v12+s3+$0x0], $0xffff  }
0x48e: {  	v10 =	vadd.s32 v8, v10;
	_ =	sdelay $0x3  }
0x48f: {  	[tilespmem:s22+$0xFFFFFFF0] =	vst v11  }
0x490: {  	v10 =	vld.idx.msk [tilespmem:v10+s3+$0x0], $0xffff  }
0x491: {  	s21 =	sadd.s32 $0x1, s21  }
0x492: {  	p1 =	seq.s32 s21, $0x0  }
.Ltmp112:
0x493: {  	_ = 	snop;
	(pc) =	sbr.rel @!p1 .LBB2_124-.Ltmp112, $4  }
0x494: {  	_ = 	snop  }
0x495: {  	v10 =	vmul.f32 v10, v9  }
0x496: {  	[tilespmem:s22+$0x10] =	vst v4  }
0x497: {  	[tilespmem:s22+$0x0] =	vst v10;
	s22 =	sadd.s32 $0x80, s22  }
.LBB2_125:
0x498: {  	s1 =	ssub.s32 $0x40, s20  }
0x499: {  	s9 =	sshrl.u32 s1, $0x1F  }
0x49a: {  	s1 =	sadd.s32 s9, s1  }
0x49b: {  	s1 =	sand.u32 $0xFFFFFFFE, s1  }
0x49c: {  	s22 =	sadd.s32 s20, s1  }
0x49d: {  	p1 =	sge.s32 s20, s22  }
.Ltmp113:
0x49e: {  	_ = 	snop;
	(pc) =	sbr.rel @p1 .LBB2_129-.Ltmp113, $1  }
0x49f: {  	_ =	sdelay $0x3  }
0x4a0: {  	s0 =	sshra.s32 s0, $0x2  }
0x4a1: {  	s0 =	sadd.s32 $0xB080, s0  }
0x4a2: {  	s20 =	sadd.s32 $0x2, s20;
	[tilespmem:s0+$0xFFFFFF80] =	vst v4  }
0x4a3: {  	p1 =	slt.s32 s20, s22;
	[tilespmem:s0+$0x30] =	vst v4  }
.Ltmp114:
0x4a4: {  	[tilespmem:s0+$0x20] =	vst v4;
	(pc) =	sbr.rel @!p1 .LBB2_128-.Ltmp114, $4  }
0x4a5: {  	[tilespmem:s0+$0x10] =	vst v4  }
0x4a6: {  	[tilespmem:s0+$0x0] =	vst v4  }
0x4a7: {  	[tilespmem:s0+$0xFFFFFFB0] =	vst v4  }
0x4a8: {  	[tilespmem:s0+$0xFFFFFFA0] =	vst v4  }
.LBB2_127:
0x4a9: {  	s20 =	sadd.s32 $0x2, s20;
	[tilespmem:s0+$0xFFFFFF90] =	vst v4;
	s0 =	sadd.s32 $0x100, s0  }
0x4aa: {  	[tilespmem:s0+$0xFFFFFF80] =	vst v4;
	p1 =	slt.s32 s20, s22  }
0x4ab: {  	[tilespmem:s0+$0x30] =	vst v4  }
.Ltmp115:
0x4ac: {  	[tilespmem:s0+$0x20] =	vst v4;
	(pc) =	sbr.rel @p1 .LBB2_127-.Ltmp115, $4  }
0x4ad: {  	[tilespmem:s0+$0x10] =	vst v4  }
0x4ae: {  	[tilespmem:s0+$0x0] =	vst v4  }
0x4af: {  	[tilespmem:s0+$0xFFFFFFB0] =	vst v4  }
0x4b0: {  	[tilespmem:s0+$0xFFFFFFA0] =	vst v4  }
.LBB2_128:
0x4b1: {  	[tilespmem:s0+$0xFFFFFF90] =	vst v4  }
.LBB2_129:
0x4b2: {  	p1 =	slt.s32 s22, $0x40  }
.Ltmp116:
0x4b3: {  	_ = 	snop;
	(pc) =	sbr.rel @!p1 .LBB2_104-.Ltmp116, $4  }
.Ltmp117:
0x4b4: {  	_ = 	snop;
	(pc) =	sbr.rel @p1 .LBB2_130-.Ltmp117, $4  }
0x4b5: {  	_ = 	snop  }
0x4b6: {  	_ = 	snop  }
0x4b7: {  	_ = 	snop  }
0x4b8: {  	_ = 	snop  }
.LBB2_185:
.Ltmp118:
0x4b9: {  	(pc) =	sbr.rel @p0 .LBB2_188-.Ltmp118, $3  }
0x4ba: {  	_ =	sdelay $0x1  }
0x4bb: {  	vm0 =	vlt.s32 v7, v2;
	vm1 =	vgt.s32 v6, v2  }
0x4bc: {  	v7 =	vsel vm0, v7, v2;
	v8 =	vsel vm1, $0x3F800000, v4  }
0x4bd: {  	p3 =	sgt.s32 s22, $0x2  }
.Ltmp119:
0x4be: {  	s0 =	simm.s32 $0x0;
	s1 =	simm.s32 $0x1;
	(pc) =	sbr.rel @!p3 .LBB2_187-.Ltmp119, $3  }
0x4bf: {  	v9 =	vmul.u32 s0, v6;
	v11 =	vmul.u32 s1, v6;
	_ =	sdelay $0x1  }
0x4c0: {  	s23 =	simm.s32 $0xD080;
	p0 =	por $0x0, $0x0;
	v10 =	vadd.s32 v5, v9;
	v21 =	vadd.s32 v5, v11  }
0x4c1: {  	p1 =	por $0x0, $0x0;
	p2 =	por $0x0, $0x0;
	s0 =	simm.s32 $0x2;
	v13 =	vadd.s32 v0, v10;
	v12 =	vadd.s32 v0, v21  }
0x4c2: {  	p3 =	sgt.s32 s22, $0x4  }
.Ltmp120:
0x4c3: {  	s1 =	simm.s32 $0x3;
	(pc) =	sbr.rel @!p3 .LBB2_198-.Ltmp120, $3  }
0x4c4: {  	v9 =	vmul.u32 s0, v6;
	v14 =	vmul.u32 s1, v6;
	_ =	sdelay $0x1  }
0x4c5: {  	v18 =	vld.idx.msk [tilespmem:v13+s3+$0x0], $0xffff;
	v9 =	vadd.s32 v5, v9;
	v19 =	vadd.s32 v5, v14  }
0x4c6: {  	v11 =	vld.idx.msk [tilespmem:v12+s3+$0x0], $0xffff;
	s0 =	simm.s32 $0x4;
	v16 =	vadd.s32 v1, v21;
	p0 =	por $0x1, $0x1;
	v13 =	vadd.s32 v0, v9;
	v12 =	vadd.s32 v0, v19  }
0x4c7: {  	_ =	sdelay $0x1  }
0x4c8: {  	v14 =	vadd.s32 v1, v10;
	p3 =	sgt.s32 s22, $0x6  }
.Ltmp121:
0x4c9: {  	v15 =	vmul.u32 s0, v6;
	s31 =	simm.s32 $0x5;
	(pc) =	sbr.rel @!p3 .LBB2_200-.Ltmp121, $4  }
0x4ca: {  	v24 =	vld.idx.msk [tilespmem:v13+s3+$0x0], $0xffff;
	v17 =	vmul.u32 s31, v6  }
0x4cb: {  	v25 =	vadd.s32 v5, v15;
	[tilespmem:s23+$0x0] =	vst v11;
	v11 =	vld.idx.msk [tilespmem:v12+s3+$0x0], $0xffff  }
0x4cc: {  	v13 =	vadd.s32 v0, v25;
	v22 =	vadd.s32 v5, v17;
	[tilespmem:s23+$0xFFFFFF80] =	vst v18;
	v15 =	vld.idx.msk [tilespmem:v16+s3+$0x0], $0xffff  }
0x4cd: {  	s0 =	simm.s32 $0x6;
	p1 =	por $0x1, $0x1;
	v17 =	vadd.s32 v7, v21;
	v12 =	vadd.s32 v0, v22;
	v14 =	vld.idx.msk [tilespmem:v14+s3+$0x0], $0xffff;
	v16 =	vadd.s32 v1, v19  }
0x4ce: {  	_ =	sdelay $0x3  }
0x4cf: {  	v26 =	vadd.s32 v1, v9;
	s24 =	simm.s32 $0xD180;
	s1 =	simm.s32 $0x7;
	v18 =	vld.idx.msk [tilespmem:v13+s3+$0x0], $0xffff;
	v13 =	vmul.u32 s0, v6  }
0x4d0: {  	v28 =	vadd.s32 v7, v10;
	p3 =	sgt.s32 s22, $0x8;
	v23 =	vmul.u32 s1, v6;
	[tilespmem:s24+$0x0] =	vst v11  }
.Ltmp122:
0x4d1: {  	v11 =	vld.idx.msk [tilespmem:v12+s3+$0x0], $0xffff;
	v21 =	vadd.s32 v5, v13;
	[tilespmem:s23+$0x10] =	vst v15;
	(pc) =	sbr.rel @!p3 .LBB2_202-.Ltmp122, $4  }
0x4d2: {  	v29 =	vadd.s32 v5, v23;
	v13 =	vadd.s32 v0, v21;
	v20 =	vld.idx.msk [tilespmem:v17+s3+$0x0], $0xffff  }
0x4d3: {  	[tilespmem:s24+$0xFFFFFF80] =	vst v24;
	v23 =	vld.idx.msk [tilespmem:v16+s3+$0x0], $0xffff;
	v12 =	vadd.s32 v0, v29  }
0x4d4: {  	s0 =	simm.s32 $0x8;
	v27 =	vadd.s32 v7, v19;
	[tilespmem:s23+$0xFFFFFF90] =	vst v14;
	v24 =	vld.idx.msk [tilespmem:v26+s3+$0x0], $0xffff  }
0x4d5: {  	p2 =	por $0x1, $0x1;
	s25 =	simm.s32 $0xD080;
	s26 =	simm.s32 $0xD180;
	v16 =	vadd.s32 v1, v22;
	[tilespmem:s23+$0x30] =	vst v4;
	v26 =	vld.idx.msk [tilespmem:v28+s3+$0x0], $0xffff  }
.LBB2_203:
0x4d6: {  	v19 =	vmul.u32 s0, v6;
	v28 =	vadd.s32 v1, v25;
	s24 =	sadd.s32 $0x100, s24;
	[tilespmem:s25+$0xFFFFFFB0] =	vst v4  }
0x4d7: {  	s1 =	sadd.s32 $0x1, s0;
	v31 =	vadd.s32 v7, v9;
	v32 =	vmul.f32 v20, v8;
	v9 =	vmov v25;
	s0 =	sadd.s32 $0x2, s0;
	v30 =	vld.idx.msk [tilespmem:v13+s3+$0x0], $0xffff;
	[tilespmem:s24+$0x0] =	vst v11  }
0x4d8: {  	v25 =	vmov v21;
	v33 =	vmul.u32 s1, v6;
	p3 =	slt.s32 s0, s22;
	v11 =	vld.idx.msk [tilespmem:v12+s3+$0x0], $0xffff;
	[tilespmem:s26+$0x10] =	vst v23;
	v21 =	vadd.s32 v5, v19  }
.Ltmp123:
0x4d9: {  	v13 =	vadd.s32 v0, v21;
	v20 =	vld.idx.msk [tilespmem:v27+s3+$0x0], $0xffff;
	[tilespmem:s25+$0x20] =	vst v32;
	(pc) =	sbr.rel @p3 .LBB2_203-.Ltmp123, $4  }
0x4da: {  	v19 =	vadd.s32 v5, v33;
	[tilespmem:s24+$0xFFFFFF80] =	vst v18;
	v23 =	vld.idx.msk [tilespmem:v16+s3+$0x0], $0xffff;
	v16 =	vmul.f32 v26, v8  }
0x4db: {  	v12 =	vadd.s32 v0, v19;
	[tilespmem:s26+$0xFFFFFF90] =	vst v24;
	v24 =	vld.idx.msk [tilespmem:v28+s3+$0x0], $0xffff  }
0x4dc: {  	v27 =	vadd.s32 v7, v22;
	v22 =	vmov v29;
	v29 =	vmov v19;
	v26 =	vld.idx.msk [tilespmem:v31+s3+$0x0], $0xffff;
	[tilespmem:s25+$0xFFFFFFA0] =	vst v16;
	s25 =	smov.u32 s26;
	s26 =	smov.u32 s24  }
0x4dd: {  	v16 =	vadd.s32 v1, v22;
	v18 =	vmov v30;
	[tilespmem:s25+$0x30] =	vst v4  }
0x4de: {  	v30 =	vmovc v9;
	v28 =	vmovc v25;
	v9 =	vmov v21;
	v21 =	vmov v22;
	v19 =	vmov v29  }
.LBB2_205:
0x4df: {  	_ =	sdelay $0x1  }
0x4e0: {  	[tilespmem:s25+$0xFFFFFFB0] =	vst @p2 v4  }
0x4e1: {  	v22 =	vadd.s32 @p0 v1, v28;
	s0 =	sadd.s32 @p1 $0x100, s24;
	s1 =	smov.u32 s23;
	[tilespmem:s26+$0x10] =	vst @p1 v23  }
0x4e2: {  	v13 =	vld.idx.msk [tilespmem:v13+s3+$0x0], $0xffff;
	s1 =	smov.u32 @p1 s0;
	[tilespmem:s26+$0xFFFFFF90] =	vst @p1 v24  }
0x4e3: {  	v25 =	vadd.s32 @p1 v7, v30;
	v59 =	vadd.s32 v1, v9;
	[tilespmem:s1+$0x0] =	vst @p0 v11;
	v11 =	vld.idx.msk [tilespmem:v12+s3+$0x0], $0xffff  }
0x4e4: {  	s0 =	smov.u32 @p1 s26;
	[tilespmem:s1+$0xFFFFFF80] =	vst @p0 v18;
	v18 =	vadd.s32 @p0 v7, v21;
	v21 =	vmul.f32 @p2 v26, v8;
	v12 =	vld.idx.msk @p0 [tilespmem:v16+s3+$0x0], $0xffff  }
0x4e5: {  	s9 =	smov.u32 @p0 s1;
	s1 =	sadd.s32 @p0 $0x100, s1;
	v16 =	vmul.f32 @p2 v20, v8;
	v20 =	vld.idx.msk @p1 [tilespmem:v27+s3+$0x0], $0xffff;
	[tilespmem:s0+$0x30] =	vst @p1 v4  }
0x4e6: {  	v58 =	vadd.s32 v1, v19;
	s24 =	smov.u32 s23;
	s23 =	smov.u32 @p0 s1;
	[tilespmem:s25+$0xFFFFFFA0] =	vst @p2 v21;
	v22 =	vld.idx.msk @p0 [tilespmem:v22+s3+$0x0], $0xffff  }
0x4e7: {  	v17 =	vpsel p0, v18, v17;
	v18 =	vmov @p0 v28;
	[tilespmem:s23+$0xFFFFFF80] =	vst v13  }
0x4e8: {  	s0 =	smov.u32 @p1 s0;
	[tilespmem:s25+$0x20] =	vst @p2 v16;
	v10 =	vpsel p0, v18, v10;
	v61 =	vld.idx.msk [tilespmem:v59+s3+$0x0], $0xffff  }
0x4e9: {  	v16 =	vld.idx.msk @p1 [tilespmem:v25+s3+$0x0], $0xffff;
	[tilespmem:s0+$0xFFFFFFB0] =	vst @p1 v4;
	v10 =	vadd.s32 @p0 v7, v10  }
0x4ea: {  	v9 =	vadd.s32 v7, v9;
	s24 =	smov.u32 @p0 s9;
	[tilespmem:s23+$0x0] =	vst v11;
	v12 =	vpsel p0, v12, v15  }
0x4eb: {  	v60 =	vld.idx.msk [tilespmem:v58+s3+$0x0], $0xffff;
	[tilespmem:s24+$0x10] =	vst @p0 v12;
	v12 =	vpsel p1, v20, v0;
	v14 =	vpsel p0, v22, v14  }
0x4ec: {  	v62 =	vadd.s32 v7, v19;
	v12 =	vmul.f32 @p1 v12, v8;
	[tilespmem:s24+$0xFFFFFF90] =	vst @p0 v14  }
0x4ed: {  	v11 =	vld.idx.msk @p0 [tilespmem:v17+s3+$0x0], $0xffff;
	[tilespmem:s23+$0xFFFFFF90] =	vst v61  }
0x4ee: {  	v15 =	vpsel p1, v16, v0;
	v10 =	vld.idx.msk @p0 [tilespmem:v10+s3+$0x0], $0xffff;
	[tilespmem:s0+$0x20] =	vst @p1 v12  }
0x4ef: {  	v15 =	vmul.f32 @p1 v15, v8;
	v9 =	vld.idx.msk [tilespmem:v9+s3+$0x0], $0xffff;
	[tilespmem:s23+$0xFFFFFFB0] =	vst v4  }
0x4f0: {  	[tilespmem:s23+$0x10] =	vst v60  }
0x4f1: {  	[tilespmem:s0+$0xFFFFFFA0] =	vst @p1 v15;
	s0 =	smov.u32 @p0 s24;
	v63 =	vld.idx.msk [tilespmem:v62+s3+$0x0], $0xffff  }
0x4f2: {  	[tilespmem:s0+$0x30] =	vst @p0 v4;
	v11 =	vpsel p0, v11, v0  }
0x4f3: {  	s0 =	smov.u32 @p0 s0;
	[tilespmem:s23+$0x30] =	vst v4;
	v11 =	vmul.f32 @p0 v11, v8;
	v10 =	vpsel p0, v10, v0  }
0x4f4: {  	[tilespmem:s0+$0xFFFFFFB0] =	vst @p0 v4;
	v10 =	vmul.f32 @p0 v10, v8  }
0x4f5: {  	v9 =	vmul.f32 v9, v8;
	[tilespmem:s0+$0x20] =	vst @p0 v11  }
0x4f6: {  	[tilespmem:s0+$0xFFFFFFA0] =	vst @p0 v10;
	v10 =	vmul.f32 v63, v8  }
0x4f7: {  	[tilespmem:s23+$0xFFFFFFA0] =	vst v9  }
0x4f8: {  	[tilespmem:s23+$0x20] =	vst v10  }
.LBB2_188:
0x4f9: {  	p0 =	sge.s32 s22, s18  }
.Ltmp124:
0x4fa: {  	_ = 	snop;
	(pc) =	sbr.rel @p0 .LBB2_191-.Ltmp124, $2  }
0x4fb: {  	_ =	sdelay $0x2  }
0x4fc: {  	s0 =	sshll.u32 s20, $0x9  }
0x4fd: {  	s1 =	sshll.u32 s21, $0x9  }
0x4fe: {  	s1 =	ssub.s32 s0, s1  }
0x4ff: {  	s1 =	sshra.s32 s1, $0x2  }
0x500: {  	s20 =	ssub.s32 $0x0, s21;
	s21 =	sadd.s32 $0xD020, s1  }
.LBB2_190:
0x501: {  	s1 =	sadd.s32 s20, s18  }
0x502: {  	v9 =	vmul.u32 s1, v6;
	_ =	sdelay $0x1  }
0x503: {  	v9 =	vadd.s32 v5, v9  }
0x504: {  	v10 =	vadd.s32 v0, v9;
	_ =	sdelay $0x4  }
0x505: {  	v10 =	vld.idx.msk [tilespmem:v10+s3+$0x0], $0xffff  }
0x506: {  	v11 =	vadd.s32 v1, v9;
	_ =	sdelay $0x3  }
0x507: {  	[tilespmem:s21+$0xFFFFFFE0] =	vst v10  }
0x508: {  	v10 =	vld.idx.msk [tilespmem:v11+s3+$0x0], $0xffff  }
0x509: {  	v9 =	vadd.s32 v7, v9;
	_ =	sdelay $0x3  }
0x50a: {  	[tilespmem:s21+$0xFFFFFFF0] =	vst v10  }
0x50b: {  	v9 =	vld.idx.msk [tilespmem:v9+s3+$0x0], $0xffff  }
0x50c: {  	s20 =	sadd.s32 $0x1, s20  }
0x50d: {  	p0 =	seq.s32 s20, $0x0  }
.Ltmp125:
0x50e: {  	_ = 	snop;
	(pc) =	sbr.rel @!p0 .LBB2_190-.Ltmp125, $4  }
0x50f: {  	_ = 	snop  }
0x510: {  	v9 =	vmul.f32 v9, v8  }
0x511: {  	[tilespmem:s21+$0x10] =	vst v4  }
0x512: {  	[tilespmem:s21+$0x0] =	vst v9;
	s21 =	sadd.s32 $0x80, s21  }
.LBB2_191:
0x513: {  	s1 =	ssub.s32 $0x40, s18  }
0x514: {  	s9 =	sshrl.u32 s1, $0x1F  }
0x515: {  	s1 =	sadd.s32 s9, s1  }
0x516: {  	s1 =	sand.u32 $0xFFFFFFFE, s1  }
0x517: {  	s21 =	sadd.s32 s18, s1  }
0x518: {  	p0 =	sge.s32 s18, s21  }
.Ltmp126:
0x519: {  	_ = 	snop;
	(pc) =	sbr.rel @p0 .LBB2_195-.Ltmp126, $1  }
0x51a: {  	_ =	sdelay $0x3  }
0x51b: {  	s0 =	sshra.s32 s0, $0x2  }
0x51c: {  	s0 =	sadd.s32 $0xD080, s0  }
0x51d: {  	s18 =	sadd.s32 $0x2, s18;
	[tilespmem:s0+$0xFFFFFF80] =	vst v4  }
0x51e: {  	p0 =	slt.s32 s18, s21;
	[tilespmem:s0+$0x30] =	vst v4  }
.Ltmp127:
0x51f: {  	[tilespmem:s0+$0x20] =	vst v4;
	(pc) =	sbr.rel @!p0 .LBB2_194-.Ltmp127, $4  }
0x520: {  	[tilespmem:s0+$0x10] =	vst v4  }
0x521: {  	[tilespmem:s0+$0x0] =	vst v4  }
0x522: {  	[tilespmem:s0+$0xFFFFFFB0] =	vst v4  }
0x523: {  	[tilespmem:s0+$0xFFFFFFA0] =	vst v4  }
.LBB2_193:
0x524: {  	s18 =	sadd.s32 $0x2, s18;
	[tilespmem:s0+$0xFFFFFF90] =	vst v4;
	s0 =	sadd.s32 $0x100, s0  }
0x525: {  	[tilespmem:s0+$0xFFFFFF80] =	vst v4;
	p0 =	slt.s32 s18, s21  }
0x526: {  	[tilespmem:s0+$0x30] =	vst v4  }
.Ltmp128:
0x527: {  	[tilespmem:s0+$0x20] =	vst v4;
	(pc) =	sbr.rel @p0 .LBB2_193-.Ltmp128, $4  }
0x528: {  	[tilespmem:s0+$0x10] =	vst v4  }
0x529: {  	[tilespmem:s0+$0x0] =	vst v4  }
0x52a: {  	[tilespmem:s0+$0xFFFFFFB0] =	vst v4  }
0x52b: {  	[tilespmem:s0+$0xFFFFFFA0] =	vst v4  }
.LBB2_194:
0x52c: {  	[tilespmem:s0+$0xFFFFFF90] =	vst v4  }
.LBB2_195:
0x52d: {  	p0 =	slt.s32 s21, $0x40  }
.Ltmp129:
0x52e: {  	_ = 	snop;
	(pc) =	sbr.rel @!p0 .LBB2_171-.Ltmp129, $4  }
.Ltmp130:
0x52f: {  	_ = 	snop;
	(pc) =	sbr.rel @p0 .LBB2_196-.Ltmp130, $4  }
0x530: {  	_ = 	snop  }
0x531: {  	_ = 	snop  }
0x532: {  	_ = 	snop  }
0x533: {  	_ = 	snop  }
.LBB2_5:
.Ltmp131:
0x534: {  	(pc) =	sbr.rel .LBB2_24-.Ltmp131, $2  }
0x535: {  	_ =	sdelay $0x2  }
0x536: {  	v8 =	vmov v9;
	s28 =	simm.s32 $0x9080  }
.LBB2_40:
.Ltmp132:
0x537: {  	(pc) =	sbr.rel .LBB2_91-.Ltmp132, $2  }
0x538: {  	_ =	sdelay $0x2  }
0x539: {  	v9 =	vmov v10;
	s28 =	simm.s32 $0xB080  }
.LBB2_107:
.Ltmp133:
0x53a: {  	(pc) =	sbr.rel .LBB2_158-.Ltmp133, $2  }
0x53b: {  	_ =	sdelay $0x2  }
0x53c: {  	v8 =	vmov v9;
	s26 =	simm.s32 $0xD080  }
.LBB2_15:
.Ltmp134:
0x53d: {  	(pc) =	sbr.rel .LBB2_24-.Ltmp134, $2  }
0x53e: {  	_ =	sdelay $0x2  }
0x53f: {  	v35 =	vmovc v7;
	v33 =	vmov v9;
	v8 =	vmov v11;
	v7 =	vmov v10;
	s28 =	simm.s32 $0x9080  }
.LBB2_82:
.Ltmp135:
0x540: {  	(pc) =	sbr.rel .LBB2_91-.Ltmp135, $2  }
0x541: {  	_ =	sdelay $0x2  }
0x542: {  	v36 =	vmovc v8;
	v34 =	vmov v10;
	v9 =	vmov v12;
	v8 =	vmov v11;
	s28 =	simm.s32 $0xB080  }
.LBB2_149:
.Ltmp136:
0x543: {  	(pc) =	sbr.rel .LBB2_158-.Ltmp136, $2  }
0x544: {  	_ =	sdelay $0x2  }
0x545: {  	v35 =	vmovc v7;
	v33 =	vmov v9;
	v8 =	vmov v11;
	v7 =	vmov v10;
	s26 =	simm.s32 $0xD080  }
.LBB2_17:
.Ltmp137:
0x546: {  	(pc) =	sbr.rel .LBB2_24-.Ltmp137, $3  }
0x547: {  	_ =	sdelay $0x1  }
0x548: {  	v33 =	vmov v11  }
0x549: {  	v31 =	vmovc v9;
	v34 =	vmovc v7;
	v35 =	vmov v10;
	s25 =	simm.s32 $0x9080;
	s28 =	simm.s32 $0x9080;
	v7 =	vmov v26;
	v25 =	vmov v18  }
.LBB2_84:
.Ltmp138:
0x54a: {  	(pc) =	sbr.rel .LBB2_91-.Ltmp138, $3  }
0x54b: {  	_ =	sdelay $0x1  }
0x54c: {  	v34 =	vmov v12  }
0x54d: {  	v32 =	vmovc v10;
	v35 =	vmovc v8;
	v36 =	vmov v11;
	s25 =	simm.s32 $0xB080;
	s28 =	simm.s32 $0xB080;
	v8 =	vmov v27;
	v26 =	vmov v19  }
.LBB2_151:
.Ltmp139:
0x54e: {  	(pc) =	sbr.rel .LBB2_158-.Ltmp139, $3  }
0x54f: {  	_ =	sdelay $0x1  }
0x550: {  	v33 =	vmov v11  }
0x551: {  	v31 =	vmovc v9;
	v34 =	vmovc v7;
	v35 =	vmov v10;
	s24 =	simm.s32 $0xD080;
	s26 =	simm.s32 $0xD080;
	v7 =	vmov v26;
	v25 =	vmov v18  }
.LBB2_19:
.Ltmp140:
0x552: {  	_ = 	snop;
	(pc) =	sbr.rel .LBB2_24-.Ltmp140, $4  }
0x553: {  	_ = 	snop  }
0x554: {  	v33 =	vmov v8;
	v31 =	vmov v11  }
0x555: {  	v27 =	vmovc v19;
	v28 =	vmovc v24;
	v29 =	vmov v9;
	v8 =	vmov v34;
	v34 =	vmov v10  }
0x556: {  	s26 =	simm.s32 $0x9080;
	s25 =	simm.s32 $0x9180;
	s28 =	simm.s32 $0x9180;
	v35 =	vmovc v26;
	v20 =	vmovc v16;
	v22 =	vmov v15;
	v23 =	vmov v21;
	v30 =	vmov v18  }
.LBB2_86:
.Ltmp141:
0x557: {  	_ = 	snop;
	(pc) =	sbr.rel .LBB2_91-.Ltmp141, $4  }
0x558: {  	_ = 	snop  }
0x559: {  	v34 =	vmov v9;
	v32 =	vmov v12  }
0x55a: {  	v28 =	vmovc v20;
	v29 =	vmovc v25;
	v30 =	vmov v10;
	v9 =	vmov v35;
	v35 =	vmov v11  }
0x55b: {  	s26 =	simm.s32 $0xB080;
	s25 =	simm.s32 $0xB180;
	s28 =	simm.s32 $0xB180;
	v36 =	vmovc v27;
	v21 =	vmovc v17;
	v23 =	vmov v16;
	v24 =	vmov v22;
	v31 =	vmov v19  }
.LBB2_153:
.Ltmp142:
0x55c: {  	_ = 	snop;
	(pc) =	sbr.rel .LBB2_158-.Ltmp142, $4  }
0x55d: {  	_ = 	snop  }
0x55e: {  	v33 =	vmov v8;
	v31 =	vmov v11  }
0x55f: {  	v27 =	vmovc v19;
	v28 =	vmovc v24;
	v29 =	vmov v9;
	v8 =	vmov v34;
	v34 =	vmov v10  }
0x560: {  	s25 =	simm.s32 $0xD080;
	s24 =	simm.s32 $0xD180;
	s26 =	simm.s32 $0xD180;
	v35 =	vmovc v26;
	v20 =	vmovc v16;
	v22 =	vmov v15;
	v23 =	vmov v21;
	v30 =	vmov v18  }
.LBB2_21:
.Ltmp143:
0x561: {  	(pc) =	sbr.rel .LBB2_24-.Ltmp143, $3  }
0x562: {  	_ =	sdelay $0x1  }
0x563: {  	v31 =	vmov v8;
	v35 =	vmov v7;
	v33 =	vmov v34  }
0x564: {  	s26 =	simm.s32 $0x9180;
	s28 =	simm.s32 $0x9280;
	v29 =	vmovc v11;
	v25 =	vmovc v37;
	v8 =	vmov v36;
	v34 =	vmov v26;
	v7 =	vmov v38;
	s29 =	simm.s32 $0x9080  }
.LBB2_88:
.Ltmp144:
0x565: {  	(pc) =	sbr.rel .LBB2_91-.Ltmp144, $3  }
0x566: {  	_ =	sdelay $0x1  }
0x567: {  	v32 =	vmov v9;
	v36 =	vmov v8;
	v34 =	vmov v35  }
0x568: {  	s26 =	simm.s32 $0xB180;
	s28 =	simm.s32 $0xB280;
	v30 =	vmovc v12;
	v26 =	vmovc v38;
	v9 =	vmov v37;
	v35 =	vmov v27;
	v8 =	vmov v39;
	s29 =	simm.s32 $0xB080  }
.LBB2_155:
.Ltmp145:
0x569: {  	(pc) =	sbr.rel .LBB2_158-.Ltmp145, $3  }
0x56a: {  	_ =	sdelay $0x1  }
0x56b: {  	v31 =	vmov v8;
	v35 =	vmov v7;
	v33 =	vmov v34  }
0x56c: {  	s25 =	simm.s32 $0xD180;
	s26 =	simm.s32 $0xD280;
	v29 =	vmovc v11;
	v25 =	vmovc v37;
	v8 =	vmov v36;
	v34 =	vmov v26;
	v7 =	vmov v38;
	s28 =	simm.s32 $0xD080  }
.LBB2_28:
.Ltmp146:
0x56d: {  	(pc) =	sbr.rel .LBB2_51-.Ltmp146, $2  }
0x56e: {  	_ =	sdelay $0x2  }
0x56f: {  	v9 =	vmov v11;
	v15 =	vmov v34;
	s30 =	simm.s32 $0x9080;
	s25 =	simm.s32 $0x9080  }
.LBB2_95:
.Ltmp147:
0x570: {  	(pc) =	sbr.rel .LBB2_118-.Ltmp147, $2  }
0x571: {  	_ =	sdelay $0x2  }
0x572: {  	v10 =	vmov v12;
	v16 =	vmov v35;
	s30 =	simm.s32 $0xB080;
	s25 =	simm.s32 $0xB080  }
.LBB2_162:
.Ltmp148:
0x573: {  	(pc) =	sbr.rel .LBB2_184-.Ltmp148, $2  }
0x574: {  	_ =	sdelay $0x2  }
0x575: {  	v9 =	vmov v11;
	v15 =	vmov v34;
	s29 =	simm.s32 $0xD080;
	s24 =	simm.s32 $0xD080  }
.LBB2_54:
.Ltmp149:
0x576: {  	(pc) =	sbr.rel .LBB2_72-.Ltmp149, $2  }
0x577: {  	_ =	sdelay $0x2  }
0x578: {  	v9 =	vmov v10;
	s25 =	simm.s32 $0x9080;
	v19 =	vmov v21  }
.LBB2_121:
.Ltmp150:
0x579: {  	(pc) =	sbr.rel .LBB2_139-.Ltmp150, $2  }
0x57a: {  	_ =	sdelay $0x2  }
0x57b: {  	v10 =	vmov v11;
	s25 =	simm.s32 $0xB080;
	v20 =	vmov v22  }
.LBB2_187:
.Ltmp151:
0x57c: {  	(pc) =	sbr.rel .LBB2_205-.Ltmp151, $2  }
0x57d: {  	_ =	sdelay $0x2  }
0x57e: {  	v9 =	vmov v10;
	s24 =	simm.s32 $0xD080;
	v19 =	vmov v21  }
.LBB2_42:
.Ltmp152:
0x57f: {  	(pc) =	sbr.rel .LBB2_51-.Ltmp152, $2  }
0x580: {  	_ =	sdelay $0x2  }
0x581: {  	v36 =	vmov v11;
	v9 =	vmov v14;
	v15 =	vmov v12;
	s30 =	simm.s32 $0x9080;
	s25 =	simm.s32 $0x9080  }
.LBB2_109:
.Ltmp153:
0x582: {  	(pc) =	sbr.rel .LBB2_118-.Ltmp153, $2  }
0x583: {  	_ =	sdelay $0x2  }
0x584: {  	v37 =	vmov v12;
	v10 =	vmov v15;
	v16 =	vmov v13;
	s30 =	simm.s32 $0xB080;
	s25 =	simm.s32 $0xB080  }
.LBB2_175:
.Ltmp154:
0x585: {  	(pc) =	sbr.rel .LBB2_184-.Ltmp154, $2  }
0x586: {  	_ =	sdelay $0x2  }
0x587: {  	v36 =	vmov v11;
	v9 =	vmov v14;
	v15 =	vmov v12;
	s29 =	simm.s32 $0xD080;
	s24 =	simm.s32 $0xD080  }
.LBB2_65:
.Ltmp155:
0x588: {  	(pc) =	sbr.rel .LBB2_72-.Ltmp155, $2  }
0x589: {  	_ =	sdelay $0x2  }
0x58a: {  	v28 =	vmov v10;
	s25 =	simm.s32 $0x9080  }
.LBB2_132:
.Ltmp156:
0x58b: {  	(pc) =	sbr.rel .LBB2_139-.Ltmp156, $2  }
0x58c: {  	_ =	sdelay $0x2  }
0x58d: {  	v29 =	vmov v11;
	s25 =	simm.s32 $0xB080  }
.LBB2_198:
.Ltmp157:
0x58e: {  	(pc) =	sbr.rel .LBB2_205-.Ltmp157, $2  }
0x58f: {  	_ =	sdelay $0x2  }
0x590: {  	v28 =	vmov v10;
	s24 =	simm.s32 $0xD080  }
.LBB2_44:
.Ltmp158:
0x591: {  	(pc) =	sbr.rel .LBB2_51-.Ltmp158, $3  }
0x592: {  	_ =	sdelay $0x1  }
0x593: {  	v39 =	vmov v34  }
0x594: {  	v36 =	vmovc v14;
	v37 =	vmovc v11;
	v34 =	vmov v12;
	s30 =	simm.s32 $0x9180;
	s31 =	simm.s32 $0x9080;
	s25 =	simm.s32 $0x9080;
	v32 =	vmov v15;
	v15 =	vmov v30  }
.LBB2_111:
.Ltmp159:
0x595: {  	(pc) =	sbr.rel .LBB2_118-.Ltmp159, $3  }
0x596: {  	_ =	sdelay $0x1  }
0x597: {  	v40 =	vmov v35  }
0x598: {  	v37 =	vmovc v15;
	v38 =	vmovc v12;
	v35 =	vmov v13;
	s30 =	simm.s32 $0xB180;
	s31 =	simm.s32 $0xB080;
	s25 =	simm.s32 $0xB080;
	v33 =	vmov v16;
	v16 =	vmov v31  }
.LBB2_177:
.Ltmp160:
0x599: {  	(pc) =	sbr.rel .LBB2_184-.Ltmp160, $3  }
0x59a: {  	_ =	sdelay $0x1  }
0x59b: {  	v39 =	vmov v34  }
0x59c: {  	v36 =	vmovc v14;
	v37 =	vmovc v11;
	v34 =	vmov v12;
	s29 =	simm.s32 $0xD180;
	s30 =	simm.s32 $0xD080;
	s24 =	simm.s32 $0xD080;
	v32 =	vmov v15;
	v15 =	vmov v30  }
.LBB2_67:
.Ltmp161:
0x59d: {  	_ = 	snop;
	(pc) =	sbr.rel .LBB2_72-.Ltmp161, $3  }
0x59e: {  	_ =	sdelay $0x1  }
0x59f: {  	v28 =	vmovc v9;
	v21 =	vmov v19;
	v30 =	vmov v10;
	v9 =	vmov v25  }
0x5a0: {  	s25 =	simm.s32 $0x9080;
	s28 =	simm.s32 $0x9080;
	v27 =	vmovc v17;
	v19 =	vmovc v22;
	v18 =	vmov v24;
	v23 =	vmov v15;
	v24 =	vmov v14  }
.LBB2_134:
.Ltmp162:
0x5a1: {  	_ = 	snop;
	(pc) =	sbr.rel .LBB2_139-.Ltmp162, $3  }
0x5a2: {  	_ =	sdelay $0x1  }
0x5a3: {  	v29 =	vmovc v10;
	v22 =	vmov v20;
	v31 =	vmov v11;
	v10 =	vmov v26  }
0x5a4: {  	s25 =	simm.s32 $0xB080;
	s28 =	simm.s32 $0xB080;
	v28 =	vmovc v18;
	v20 =	vmovc v23;
	v19 =	vmov v25;
	v24 =	vmov v16;
	v25 =	vmov v15  }
.LBB2_200:
.Ltmp163:
0x5a5: {  	_ = 	snop;
	(pc) =	sbr.rel .LBB2_205-.Ltmp163, $3  }
0x5a6: {  	_ =	sdelay $0x1  }
0x5a7: {  	v28 =	vmovc v9;
	v21 =	vmov v19;
	v30 =	vmov v10;
	v9 =	vmov v25  }
0x5a8: {  	s24 =	simm.s32 $0xD080;
	s26 =	simm.s32 $0xD080;
	v27 =	vmovc v17;
	v19 =	vmovc v22;
	v18 =	vmov v24;
	v23 =	vmov v15;
	v24 =	vmov v14  }
.LBB2_46:
.Ltmp164:
0x5a9: {  	_ = 	snop;
	(pc) =	sbr.rel .LBB2_51-.Ltmp164, $4  }
0x5aa: {  	_ = 	snop  }
0x5ab: {  	v36 =	vmov v9;
	v37 =	vmov v14;
	v28 =	vmov v11  }
0x5ac: {  	v35 =	vmovc v24;
	v33 =	vmovc v31;
	v9 =	vmov v39;
	v15 =	vmov v38;
	v39 =	vmov v12  }
0x5ad: {  	s30 =	simm.s32 $0x9280;
	s31 =	simm.s32 $0x9180;
	s28 =	simm.s32 $0x9080;
	v34 =	vmovc v30;
	v17 =	vmovc v19;
	v29 =	vmov v21;
	v22 =	vmov v23;
	v27 =	vmov v20  }
.LBB2_113:
.Ltmp165:
0x5ae: {  	_ = 	snop;
	(pc) =	sbr.rel .LBB2_118-.Ltmp165, $4  }
0x5af: {  	_ = 	snop  }
0x5b0: {  	v37 =	vmov v10;
	v38 =	vmov v15;
	v29 =	vmov v12  }
0x5b1: {  	v36 =	vmovc v25;
	v34 =	vmovc v32;
	v10 =	vmov v40;
	v16 =	vmov v39;
	v40 =	vmov v13  }
0x5b2: {  	s30 =	simm.s32 $0xB280;
	s31 =	simm.s32 $0xB180;
	s28 =	simm.s32 $0xB080;
	v35 =	vmovc v31;
	v18 =	vmovc v20;
	v30 =	vmov v22;
	v23 =	vmov v24;
	v28 =	vmov v21  }
.LBB2_179:
.Ltmp166:
0x5b3: {  	_ = 	snop;
	(pc) =	sbr.rel .LBB2_184-.Ltmp166, $4  }
0x5b4: {  	_ = 	snop  }
0x5b5: {  	v36 =	vmov v9;
	v37 =	vmov v14;
	v28 =	vmov v11  }
0x5b6: {  	v35 =	vmovc v24;
	v33 =	vmovc v31;
	v9 =	vmov v39;
	v15 =	vmov v38;
	v39 =	vmov v12  }
0x5b7: {  	s29 =	simm.s32 $0xD280;
	s30 =	simm.s32 $0xD180;
	s26 =	simm.s32 $0xD080;
	v34 =	vmovc v30;
	v17 =	vmovc v19;
	v29 =	vmov v21;
	v22 =	vmov v23;
	v27 =	vmov v20  }
.LBB2_69:
.Ltmp167:
0x5b8: {  	(pc) =	sbr.rel .LBB2_72-.Ltmp167, $2  }
0x5b9: {  	_ =	sdelay $0x2  }
0x5ba: {  	v30 =	vmovc v9;
	v28 =	vmovc v25;
	s26 =	simm.s32 $0x9080;
	s28 =	simm.s32 $0x9180;
	v9 =	vmov v21;
	v21 =	vmov v22;
	v19 =	vmov v29  }
.LBB2_136:
.Ltmp168:
0x5bb: {  	(pc) =	sbr.rel .LBB2_139-.Ltmp168, $2  }
0x5bc: {  	_ =	sdelay $0x2  }
0x5bd: {  	v31 =	vmovc v10;
	v29 =	vmovc v26;
	s26 =	simm.s32 $0xB080;
	s28 =	simm.s32 $0xB180;
	v10 =	vmov v22;
	v22 =	vmov v23;
	v20 =	vmov v30  }
.LBB2_202:
.Ltmp169:
0x5be: {  	(pc) =	sbr.rel .LBB2_205-.Ltmp169, $2  }
0x5bf: {  	_ =	sdelay $0x2  }
0x5c0: {  	v30 =	vmovc v9;
	v28 =	vmovc v25;
	s25 =	simm.s32 $0xD080;
	s26 =	simm.s32 $0xD180;
	v9 =	vmov v21;
	v21 =	vmov v22;
	v19 =	vmov v29  }
.LBB2_48:
.Ltmp170:
0x5c1: {  	(pc) =	sbr.rel .LBB2_51-.Ltmp170, $3  }
0x5c2: {  	_ =	sdelay $0x1  }
0x5c3: {  	v37 =	vmov v9;
	v36 =	vmov v39  }
0x5c4: {  	s31 =	simm.s32 $0x9280;
	v28 =	vmovc v14;
	s28 =	simm.s32 $0x9180;
	s29 =	simm.s32 $0x9080;
	v32 =	vmovc v40;
	v9 =	vmov v34;
	v39 =	vmov v30;
	v34 =	vmov v38  }
.LBB2_115:
.Ltmp171:
0x5c5: {  	(pc) =	sbr.rel .LBB2_118-.Ltmp171, $3  }
0x5c6: {  	_ =	sdelay $0x1  }
0x5c7: {  	v38 =	vmov v10;
	v37 =	vmov v40  }
0x5c8: {  	s31 =	simm.s32 $0xB280;
	v29 =	vmovc v15;
	s28 =	simm.s32 $0xB180;
	s29 =	simm.s32 $0xB080;
	v33 =	vmovc v41;
	v10 =	vmov v35;
	v40 =	vmov v31;
	v35 =	vmov v39  }
.LBB2_181:
.Ltmp172:
0x5c9: {  	(pc) =	sbr.rel .LBB2_184-.Ltmp172, $3  }
0x5ca: {  	_ =	sdelay $0x1  }
0x5cb: {  	v37 =	vmov v9;
	v36 =	vmov v39  }
0x5cc: {  	s30 =	simm.s32 $0xD280;
	v28 =	vmovc v14;
	s26 =	simm.s32 $0xD180;
	s28 =	simm.s32 $0xD080;
	v32 =	vmovc v40;
	v9 =	vmov v34;
	v39 =	vmov v30;
	v34 =	vmov v38  }
.LBB2_173:
0x5cd: {  	_ =	sfence.sel $0x180000  }
0x5ce: {  	[bflag:$0x0] =	sbarrier.arrive $0xFFFF  }
0x5cf: {  	_ =	strace $0x90000047  }
0x5d0: {  	s0 =	stileid.u32;
	[bflag:$0x2] =	sbarrier.arrive $0xFFFF  }
0x5d1: {  	p0 =	sne.s32 s0, $0x0;
	s0 =	rddreg [dreg:$0x2]  }
0x5d2: {  	s0 =	sadd.s32 @!p0 $0x100000, s0  }
0x5d3: {  	[sflag:s0] =	ssyncadd.tile.s32 @!p0 $0x1;
	_ =	shalt  }
.Lfunc_end2:
_tile_overlayer_lowered:
.L_overlay_start_2:
0x5d4: {  	(tag) =	ssettag $0x2  }
0x5d5: {  	s0 =	rddreg [dreg:$0x0];
	s2 =	stileid.u32  }
0x5d6: {  	s1 =	rddreg [dreg:$0x1];
	p0 =	sne.s32 s2, $0x0  }
0x5d7: {  	s3 =	rddreg [dreg:$0x2];
	[bflag:$0x3] =	sbarrier.arrive $0xFFFF;
	s2 =	simm.s32 @!p0 $0x1C04  }
0x5d8: {  	[timem:s3], [sflag:s2] =	dma.local @!p0 [hbm:s0], s1  }
0x5d9: {  	s0 =	simm.s32 @!p0 $0x4  }
0x5da: {  	_ =	swait.ge @!p0 [sflag:s0], s1  }
0x5db: {  	s1 =	ssub.s32 @!p0 $0x0, s1;
	[sflag:s0] =	ssyncset.done @!p0 $0x0  }
0x5dc: {  	[sflag:s0] =	ssyncadd.s32 @!p0 s1  }
0x5dd: {  	[bflag:$0x3] =	sbarrier.arrive $0xFFFF  }
0x5de: {  	_ =	shalt  }

</sc_bundles>
